<compile_context>
chip_gen: v7x
topology: tpu7x:2x2x1
jax: 0.10.2.dev20260603
libtpu: 0.0.44.dev20260713+nightly
codegen_flags: <defaults>
</compile_context>

<pallas_src>
import functools

import jax
import jax.numpy as jnp
from jax import lax
from jax.experimental import pallas as pl
from jax.experimental.pallas import tpu as pltpu
from jax.experimental.pallas import tpu_sc as plsc

N = 10000
E = 320000
D_IN = 128
D_HID = 128
D_OUT = 64

NC = 2
NS = 16
NW = NC * NS

N_PAD = 10240
EB = 128
NROW = E // EB
STRIPE = N_PAD // NS

NBT = NROW // NS
NTAIL = NROW - NBT * NS
CH = 12
NCH = NBT // CH

NBT32 = NROW // NW
NTAIL32 = NROW - NBT32 * NW


def _make_agg(D, edge_split):
  D2 = D // NC
  if edge_split:
    nbt, ntail = NBT32, NTAIL32
    ch = 13
  else:
    nbt, ntail = NBT, NTAIL
    ch = 12
  nch = nbt // ch
  assert ch * nch == nbt and ch >= 5
  mesh = plsc.VectorSubcoreMesh(core_axis_name="c", subcore_axis_name="s")

  @functools.partial(
      pl.kernel,
      out_type=jax.ShapeDtypeStruct((N_PAD, D), jnp.float32),
      mesh=mesh,
      scratch_types=[
          pltpu.VMEM((2, ch, EB), jnp.int32),
          pltpu.VMEM((2, ch, EB), jnp.int32),
          pltpu.VMEM((4, EB, D2), jnp.float32),
          pltpu.VMEM_SHARED((N_PAD, D2), jnp.float32),
          pltpu.VMEM_SHARED((N_PAD, D2), jnp.float32),
          pltpu.SemaphoreType.DMA,
          pltpu.SemaphoreType.DMA,
          pltpu.SemaphoreType.DMA,
      ],
      compiler_params=pltpu.CompilerParams(use_tc_tiling_on_sc=False),
  )
  def agg(h_hbm, ei_hbm, out_hbm, src_v, dst_v, rows_v,
          h_sh, acc_sh, gsem, ssem, isem):
    cid = lax.axis_index("c")
    sid = lax.axis_index("s")
    if edge_split:
      worker = cid * NS + sid
    else:
      worker = sid
    row0 = worker * nbt

    z16 = jnp.zeros((16,), jnp.float32)

    @pl.loop(0, EB)
    def _(r):
      for k in range(D2 // 16):
        rows_v[0, r, pl.ds(k * 16, 16)] = z16

    base = sid * STRIPE
    pltpu.sync_copy(h_hbm.at[pl.ds(base, STRIPE), pl.ds(cid * D2, D2)],
                    h_sh.at[pl.ds(base, STRIPE)])
    for kk in range(STRIPE // EB):
      pltpu.sync_copy(rows_v.at[0], acc_sh.at[pl.ds(base + kk * EB, EB)])
    plsc.subcore_barrier()

    pltpu.sync_copy(ei_hbm.at[0, pl.ds(row0, ch)], src_v.at[0])
    pltpu.sync_copy(ei_hbm.at[1, pl.ds(row0, ch)], dst_v.at[0])
    pltpu.async_copy(h_sh.at[src_v.at[0, 0]], rows_v.at[0], gsem)
    pltpu.async_copy(h_sh.at[src_v.at[0, 1]], rows_v.at[1], gsem)

    @pl.loop(0, nch)
    def _(c):
      cpar = c % 2

      @pl.loop(0, ch)
      def _(j):
        jj = c * ch + j
        par = jj % 4
        pltpu.make_async_copy(h_sh.at[src_v.at[0, 0]], rows_v.at[par],
                              gsem).wait()
        @pl.when(jj >= 2)
        def _():
          pltpu.make_async_copy(rows_v.at[(jj + 2) % 4],
                                acc_sh.at[dst_v.at[0, 0]], ssem).wait()

        @pl.when(jnp.logical_and(j == 2, c + 1 < nch))
        def _():
          pltpu.async_copy(ei_hbm.at[0, pl.ds(row0 + (c + 1) * ch, ch)],
                           src_v.at[(c + 1) % 2], isem)
          pltpu.async_copy(ei_hbm.at[1, pl.ds(row0 + (c + 1) * ch, ch)],
                           dst_v.at[(c + 1) % 2], isem)

        @pl.when(jnp.logical_and(j == ch - 2, c + 1 < nch))
        def _():
          pltpu.make_async_copy(ei_hbm.at[0, pl.ds(0, ch)],
                                src_v.at[0], isem).wait()
          pltpu.make_async_copy(ei_hbm.at[1, pl.ds(0, ch)],
                                dst_v.at[0], isem).wait()

        @pl.when(jj + 2 < nbt)
        def _():
          nj = (jj + 2) % ch
          npar = jnp.where(j >= ch - 2, 1 - cpar, cpar)
          pltpu.async_copy(h_sh.at[src_v.at[npar, nj]],
                           rows_v.at[(jj + 2) % 4], gsem)

        pltpu.async_copy(rows_v.at[par], acc_sh.at[dst_v.at[cpar, j]], ssem,
                         add=True)

    pltpu.make_async_copy(rows_v.at[(nbt - 2) % 4], acc_sh.at[dst_v.at[0, 0]],
                          ssem).wait()
    pltpu.make_async_copy(rows_v.at[(nbt - 1) % 4], acc_sh.at[dst_v.at[0, 0]],
                          ssem).wait()

    @pl.when(worker < ntail)
    def _():
      pltpu.sync_copy(ei_hbm.at[0, pl.ds(NROW - ntail + worker, 1)],
                      src_v.at[0, pl.ds(0, 1)])
      pltpu.sync_copy(ei_hbm.at[1, pl.ds(NROW - ntail + worker, 1)],
                      dst_v.at[0, pl.ds(0, 1)])
      pltpu.async_copy(h_sh.at[src_v.at[0, 0]], rows_v.at[0], gsem).wait()
      pltpu.async_copy(rows_v.at[0], acc_sh.at[dst_v.at[0, 0]], ssem,
                       add=True).wait()

    plsc.subcore_barrier()
    pltpu.sync_copy(acc_sh.at[pl.ds(base, STRIPE)],
                    out_hbm.at[pl.ds(base, STRIPE), pl.ds(cid * D2, D2)])

  return agg


_agg128 = _make_agg(D_HID, edge_split=False)
_agg64 = _make_agg(2 * D_OUT, edge_split=True)

_deg_mesh = plsc.VectorSubcoreMesh(core_axis_name="c", subcore_axis_name="s")


@functools.partial(
    pl.kernel,
    out_type=jax.ShapeDtypeStruct((NC, N_PAD), jnp.float32),
    mesh=_deg_mesh,
    scratch_types=[
        pltpu.VMEM((NBT32, EB), jnp.int32),
        pltpu.VMEM((EB,), jnp.float32),
        pltpu.VMEM((EB,), jnp.float32),
        pltpu.VMEM_SHARED((N_PAD,), jnp.float32),
        pltpu.SemaphoreType.DMA,
    ],
    compiler_params=pltpu.CompilerParams(use_tc_tiling_on_sc=False),
)
def _deg(ei_hbm, out_hbm, dst_v, ones_v, zero_v, acc_sh, sem):
  del sem
  cid = lax.axis_index("c")
  sid = lax.axis_index("s")
  wid = cid * NS + sid

  pltpu.sync_copy(ei_hbm.at[1, pl.ds(wid * NBT32, NBT32)], dst_v)

  z16 = jnp.zeros((16,), jnp.float32)
  o16 = jnp.ones((16,), jnp.float32)
  for k in range(EB // 16):
    zero_v[pl.ds(k * 16, 16)] = z16
    ones_v[pl.ds(k * 16, 16)] = o16

  base = sid * STRIPE
  for kk in range(STRIPE // EB):
    pltpu.sync_copy(zero_v, acc_sh.at[pl.ds(base + kk * EB, EB)])
  plsc.subcore_barrier()

  @pl.loop(0, NBT32)
  def _(j):
    pltpu.sync_copy(ones_v, acc_sh.at[dst_v.at[j]], add=True)

  @pl.when(wid < NTAIL32)
  def _():
    pltpu.sync_copy(ei_hbm.at[1, pl.ds(NW * NBT32 + wid, 1)],
                    dst_v.at[pl.ds(0, 1)])
    pltpu.sync_copy(ones_v, acc_sh.at[dst_v.at[0]], add=True)

  plsc.subcore_barrier()
  pltpu.sync_copy(acc_sh.at[pl.ds(base, STRIPE)],
                  out_hbm.at[cid, pl.ds(base, STRIPE)])


def _tc_a(deg_p, x, W1):
  def body(deg_ref, x_ref, w_ref, o_ref):
    dis = lax.rsqrt(deg_ref[0] + deg_ref[1] + 1.0)[:N, None]
    h = jnp.dot(x_ref[...], w_ref[...], preferred_element_type=jnp.float32)
    o_ref[pl.ds(0, N), :] = h * dis

  return pl.pallas_call(
      body,
      out_shape=jax.ShapeDtypeStruct((N_PAD, D_HID), jnp.float32),
  )(deg_p, x, W1)


def _tc_b(deg_p, agg1, h1, b1, W2):
  def body(deg_ref, a_ref, h_ref, b_ref, w_ref, o_ref):
    dis = lax.rsqrt(deg_ref[0] + deg_ref[1] + 1.0)[:, None]
    t = jnp.maximum((a_ref[...] + h_ref[...]) * dis + b_ref[...], 0.0)
    h2 = jnp.dot(t, w_ref[...], preferred_element_type=jnp.float32) * dis
    o_ref[:, :D_OUT] = h2
    o_ref[:, D_OUT:] = h2

  return pl.pallas_call(
      body,
      out_shape=jax.ShapeDtypeStruct((N_PAD, 2 * D_OUT), jnp.float32),
  )(deg_p, agg1, h1, b1, W2)


def _tc_c(deg_p, agg2, h2, b2):
  def body(deg_ref, a_ref, h_ref, b_ref, o_ref):
    dis = lax.rsqrt(deg_ref[0] + deg_ref[1] + 1.0)[:N, None]
    s = (a_ref[pl.ds(0, N), pl.ds(0, D_OUT)]
         + a_ref[pl.ds(0, N), pl.ds(D_OUT, D_OUT)]
         + h_ref[pl.ds(0, N), pl.ds(0, D_OUT)])
    o_ref[...] = s * dis + b_ref[...]

  return pl.pallas_call(
      body,
      out_shape=jax.ShapeDtypeStruct((N, D_OUT), jnp.float32),
  )(deg_p, agg2, h2, b2)


def kernel(x, edge_index, W1, b1, W2, b2):
  ei3 = edge_index.reshape(2, NROW, EB)

  deg_p = _deg(ei3)
  h1 = _tc_a(deg_p, x, W1)
  agg1 = _agg128(h1, ei3)
  h2 = _tc_b(deg_p, agg1, h1, b1, W2)
  agg2 = _agg64(h2, ei3)
  return _tc_c(deg_p, agg2, h2, b2)

# --- scband reference (transcript-rebuilt; emitter-appended) ---
"""Pipeline reference for scband-gcnencoder-26336739459289 (READ-ONLY COPY).

The authoritative reference and input builder live on the scoring server;
editing this copy changes nothing except your own understanding.
"""

import jax, jax.numpy as jnp
import numpy as np

N = 10000
E = 320000
D_IN = 128
D_HID = 128
D_OUT = 64


def gcn_conv(x, src, dst, W, b, n):
    # x' = D^{-1/2} (A + I) D^{-1/2} (x W) + b  (PyG GCNConv default: add_self_loops=True, normalize=True)
    h = x @ W
    loop = jnp.arange(n, dtype=src.dtype)
    src_sl = jnp.concatenate([src, loop])
    dst_sl = jnp.concatenate([dst, loop])
    deg = jax.ops.segment_sum(jnp.ones_like(dst_sl, dtype=h.dtype), dst_sl, num_segments=n)
    dis = jnp.where(deg > 0, 1.0 / jnp.sqrt(deg), 0.0)
    norm = dis[src_sl] * dis[dst_sl]
    msg = h[src_sl] * norm[:, None]
    out = jax.ops.segment_sum(msg, dst_sl, num_segments=n)
    return out + b


def setup_inputs(seed: int = 0) -> dict:
    key = jax.random.key(seed)
    ks = jax.random.split(key, 6)
    x = jax.random.normal(ks[0], (N, D_IN), dtype=jnp.float32)
    edge_index = jax.random.randint(ks[1], (2, E), 0, N, dtype=jnp.int32)
    W1 = jax.random.normal(ks[2], (D_IN, D_HID), dtype=jnp.float32) / np.sqrt(D_IN)
    b1 = jnp.zeros((D_HID,), dtype=jnp.float32)
    W2 = jax.random.normal(ks[3], (D_HID, D_OUT), dtype=jnp.float32) / np.sqrt(D_HID)
    b2 = jnp.zeros((D_OUT,), dtype=jnp.float32)
    return {"x": x, "edge_index": edge_index, "W1": W1, "b1": b1, "W2": W2, "b2": b2}


def reference(x, edge_index, W1, b1, W2, b2):
    src = edge_index[0]
    dst = edge_index[1]
    h = jax.nn.relu(gcn_conv(x, src, dst, W1, b1, N))
    return gcn_conv(h, src, dst, W2, b2, N)

if __name__ == "__main__":
    import jax
    _d = setup_inputs()
    print(jax.jit(kernel)(*tuple(_d.values())))

</pallas_src>

<mosaic_0001>
#map = affine_map<(d0, d1) -> (0, 0)>
#map1 = affine_map<(d0, d1) -> (0, 0, 0)>
module attributes {stable_mosaic.version = 14 : i64} {
  func.func @agg(%arg0: i32, %arg1: i32, %arg2: memref<10240x128xf32, #tpu.memory_space<hbm>>, %arg3: memref<2x2500x128xi32, #tpu.memory_space<hbm>>, %arg4: memref<10240x128xf32, #tpu.memory_space<hbm>>, %arg5: memref<2x13x128xi32, #tpu.memory_space<vmem>>, %arg6: memref<2x13x128xi32, #tpu.memory_space<vmem>>, %arg7: memref<4x128x64xf32, #tpu.memory_space<vmem>>, %arg8: memref<10240x64xf32, #tpu.memory_space<vmem_shared>>, %arg9: memref<10240x64xf32, #tpu.memory_space<vmem_shared>>, %arg10: memref<!tpu.dma_semaphore, #tpu.memory_space<semaphore_mem>>, %arg11: memref<!tpu.dma_semaphore, #tpu.memory_space<semaphore_mem>>, %arg12: memref<!tpu.dma_semaphore, #tpu.memory_space<semaphore_mem>>) attributes {dimension_semantics = [#tpu.dimension_semantics<core_parallel>, #tpu.dimension_semantics<subcore_parallel>], iteration_bounds = array<i64: 2, 16>, scalar_prefetch = 0 : i64, scratch_operands = 8 : i64, tpu.core_type = #tpu.core_type<sc_vector_subcore>, window_params = [{transform_indices = #map}, {transform_indices = #map1}, {transform_indices = #map}]} {
    %mul3A = arith.constant 16 : i32
    %mul3A_0 = arith.muli %arg0, %mul3A : i32
    %add3A = arith.addi %mul3A_0, %arg1 : i32
    %mul3A_1 = arith.constant 78 : i32
    %mul3A_2 = arith.muli %add3A, %mul3A_1 : i32
    %broadcast_in_dim3A = arith.constant 0.000000e+00 : f32
    %broadcast_in_dim3A_3 = vector.broadcast %broadcast_in_dim3A : f32 to vector<16xf32>
    %scan3A = arith.constant 0 : i32
    %scan3A_4 = arith.constant 128 : i32
    %scan3A_5 = arith.addi %scan3A, %scan3A_4 : i32
    %scan3A_6 = arith.constant 1 : i32
    scf.for %scan3A_90 = %scan3A to %scan3A_5 step %scan3A_6  : i32 {
      %mul3A_91 = arith.constant 1 : i32
      %mul3A_92 = arith.muli %scan3A_90, %mul3A_91 : i32
      %add3A_93 = arith.constant 0 : i32
      %add3A_94 = arith.addi %add3A_93, %mul3A_92 : i32
      %swap3A = arith.constant 0 : i32
      %swap3A_95 = arith.index_cast %swap3A : i32 to index
      %swap3A_96 = arith.index_cast %add3A_94 : i32 to index
      %swap3A_97 = arith.constant 0 : index
      %swap3A_98 = tpu.vector_load %arg7[%swap3A_95, %swap3A_96, %swap3A_97] {strides = array<i32>} : memref<4x128x64xf32, #tpu.memory_space<vmem>>, vector<1x1x16xf32>,
      %swap3A_99 = vector.shape_cast %swap3A_98 : vector<1x1x16xf32> to vector<16xf32>
      %swap3A_100 = vector.shape_cast %broadcast_in_dim3A_3 : vector<16xf32> to vector<1x1x16xf32>
      tpu.vector_store %arg7[%swap3A_95, %swap3A_96, %swap3A_97], %swap3A_100 {strides = array<i32>} : memref<4x128x64xf32, #tpu.memory_space<vmem>>, vector<1x1x16xf32>,
      %swap3A_101 = arith.constant 0 : i32
      %swap3A_102 = arith.index_cast %swap3A_101 : i32 to index
      %swap3A_103 = arith.index_cast %add3A_94 : i32 to index
      %swap3A_104 = arith.constant 16 : index
      %swap3A_105 = tpu.vector_load %arg7[%swap3A_102, %swap3A_103, %swap3A_104] {strides = array<i32>} : memref<4x128x64xf32, #tpu.memory_space<vmem>>, vector<1x1x16xf32>,
      %swap3A_106 = vector.shape_cast %swap3A_105 : vector<1x1x16xf32> to vector<16xf32>
      %swap3A_107 = vector.shape_cast %broadcast_in_dim3A_3 : vector<16xf32> to vector<1x1x16xf32>
      tpu.vector_store %arg7[%swap3A_102, %swap3A_103, %swap3A_104], %swap3A_107 {strides = array<i32>} : memref<4x128x64xf32, #tpu.memory_space<vmem>>, vector<1x1x16xf32>,
      %swap3A_108 = arith.constant 0 : i32
      %swap3A_109 = arith.index_cast %swap3A_108 : i32 to index
      %swap3A_110 = arith.index_cast %add3A_94 : i32 to index
      %swap3A_111 = arith.constant 32 : index
      %swap3A_112 = tpu.vector_load %arg7[%swap3A_109, %swap3A_110, %swap3A_111] {strides = array<i32>} : memref<4x128x64xf32, #tpu.memory_space<vmem>>, vector<1x1x16xf32>,
      %swap3A_113 = vector.shape_cast %swap3A_112 : vector<1x1x16xf32> to vector<16xf32>
      %swap3A_114 = vector.shape_cast %broadcast_in_dim3A_3 : vector<16xf32> to vector<1x1x16xf32>
      tpu.vector_store %arg7[%swap3A_109, %swap3A_110, %swap3A_111], %swap3A_114 {strides = array<i32>} : memref<4x128x64xf32, #tpu.memory_space<vmem>>, vector<1x1x16xf32>,
      %swap3A_115 = arith.constant 0 : i32
      %swap3A_116 = arith.index_cast %swap3A_115 : i32 to index
      %swap3A_117 = arith.index_cast %add3A_94 : i32 to index
      %swap3A_118 = arith.constant 48 : index
      %swap3A_119 = tpu.vector_load %arg7[%swap3A_116, %swap3A_117, %swap3A_118] {strides = array<i32>} : memref<4x128x64xf32, #tpu.memory_space<vmem>>, vector<1x1x16xf32>,
      %swap3A_120 = vector.shape_cast %swap3A_119 : vector<1x1x16xf32> to vector<16xf32>
      %swap3A_121 = vector.shape_cast %broadcast_in_dim3A_3 : vector<16xf32> to vector<1x1x16xf32>
      tpu.vector_store %arg7[%swap3A_116, %swap3A_117, %swap3A_118], %swap3A_121 {strides = array<i32>} : memref<4x128x64xf32, #tpu.memory_space<vmem>>, vector<1x1x16xf32>,
    }
    %scan3A_7 = arith.constant 128 : i32
    %mul3A_8 = arith.constant 640 : i32
    %mul3A_9 = arith.muli %arg1, %mul3A_8 : i32
    %mul3A_10 = arith.constant 64 : i32
    %mul3A_11 = arith.muli %arg0, %mul3A_10 : i32
    "tpu.region"() ({
      %run_scoped3A_90 = tpu.sem_alloc : memref<!tpu.dma_semaphore, #tpu.memory_space<semaphore_mem>>
      %dma_start3A_91 = arith.constant 0 : i32
      %dma_start3A_92 = tpu.memref_slice %arg8[%mul3A_9, %dma_start3A_91] : memref<10240x64xf32, #tpu.memory_space<vmem_shared>> -> memref<640x64xf32, #tpu.memory_space<vmem_shared>>
      %dma_start3A_93 = tpu.memref_slice %arg2[%mul3A_9, %mul3A_11] : memref<10240x128xf32, #tpu.memory_space<hbm>> -> memref<640x64xf32, #tpu.memory_space<hbm>>
      tpu.enqueue_dma source(%dma_start3A_93 : memref<640x64xf32, #tpu.memory_space<hbm>>) target(%dma_start3A_92 : memref<640x64xf32, #tpu.memory_space<vmem_shared>>) target_semaphore(%run_scoped3A_90 : memref<!tpu.dma_semaphore, #tpu.memory_space<semaphore_mem>>)
      %dma_wait3A_94 = arith.constant 0 : i32
      %dma_wait3A_95 = tpu.memref_slice %arg8[%mul3A_9, %dma_wait3A_94] : memref<10240x64xf32, #tpu.memory_space<vmem_shared>> -> memref<640x64xf32, #tpu.memory_space<vmem_shared>>
      %dma_wait3A_96 = tpu.memref_slice %arg2[%mul3A_9, %mul3A_11] : memref<10240x128xf32, #tpu.memory_space<hbm>> -> memref<640x64xf32, #tpu.memory_space<hbm>>
      tpu.wait_dma2 semaphore(%run_scoped3A_90 : memref<!tpu.dma_semaphore, #tpu.memory_space<semaphore_mem>>) src(%dma_wait3A_96 : memref<640x64xf32, #tpu.memory_space<hbm>>) dst(%dma_wait3A_95 : memref<640x64xf32, #tpu.memory_space<vmem_shared>>)
      tpu.yield
    }) : () -> ()
    %add3A_12 = arith.constant 0 : i32
    %add3A_13 = arith.addi %mul3A_9, %add3A_12 : i32
    %run_scoped3A = arith.constant 0 : i32
    "tpu.region"() ({
      %run_scoped3A_90 = tpu.sem_alloc : memref<!tpu.dma_semaphore, #tpu.memory_space<semaphore_mem>>
      %dma_start3A_91 = arith.constant 0 : i32
      %dma_start3A_92 = arith.constant 0 : i32
      %dma_start3A_93 = tpu.memref_slice %arg7[%run_scoped3A, %dma_start3A_91, %dma_start3A_92] : memref<4x128x64xf32, #tpu.memory_space<vmem>> -> memref<1x128x64xf32, #tpu.memory_space<vmem>>
      %dma_start3A_94 = tpu.memref_squeeze %dma_start3A_93 : memref<1x128x64xf32, #tpu.memory_space<vmem>> -> memref<128x64xf32, #tpu.memory_space<vmem>>
      %dma_start3A_95 = arith.constant 0 : i32
      %dma_start3A_96 = tpu.memref_slice %arg9[%add3A_13, %dma_start3A_95] : memref<10240x64xf32, #tpu.memory_space<vmem_shared>> -> memref<128x64xf32, #tpu.memory_space<vmem_shared>>
      %dma_start3A_97 = arith.constant 0 : i32
      %dma_start3A_98 = tpu.memref_slice %arg9[%add3A_13, %dma_start3A_97] : memref<10240x64xf32, #tpu.memory_space<vmem_shared>> -> memref<128x64xf32, #tpu.memory_space<vmem_shared>>
      %dma_start3A_99 = arith.constant 0 : i32
      %dma_start3A_100 = arith.constant 0 : i32
      %dma_start3A_101 = tpu.memref_slice %arg7[%run_scoped3A, %dma_start3A_99, %dma_start3A_100] : memref<4x128x64xf32, #tpu.memory_space<vmem>> -> memref<1x128x64xf32, #tpu.memory_space<vmem>>
      %dma_start3A_102 = tpu.memref_squeeze %dma_start3A_101 : memref<1x128x64xf32, #tpu.memory_space<vmem>> -> memref<128x64xf32, #tpu.memory_space<vmem>>
      tpu.enqueue_dma source(%dma_start3A_102 : memref<128x64xf32, #tpu.memory_space<vmem>>) target(%dma_start3A_98 : memref<128x64xf32, #tpu.memory_space<vmem_shared>>) target_semaphore(%run_scoped3A_90 : memref<!tpu.dma_semaphore, #tpu.memory_space<semaphore_mem>>)
      %dma_wait3A_103 = arith.constant 0 : i32
      %dma_wait3A_104 = arith.constant 0 : i32
      %dma_wait3A_105 = tpu.memref_slice %arg7[%run_scoped3A, %dma_wait3A_103, %dma_wait3A_104] : memref<4x128x64xf32, #tpu.memory_space<vmem>> -> memref<1x128x64xf32, #tpu.memory_space<vmem>>
      %dma_wait3A_106 = tpu.memref_squeeze %dma_wait3A_105 : memref<1x128x64xf32, #tpu.memory_space<vmem>> -> memref<128x64xf32, #tpu.memory_space<vmem>>
      %dma_wait3A_107 = arith.constant 0 : i32
      %dma_wait3A_108 = tpu.memref_slice %arg9[%add3A_13, %dma_wait3A_107] : memref<10240x64xf32, #tpu.memory_space<vmem_shared>> -> memref<128x64xf32, #tpu.memory_space<vmem_shared>>
      %dma_wait3A_109 = arith.constant 0 : i32
      %dma_wait3A_110 = tpu.memref_slice %arg9[%add3A_13, %dma_wait3A_109] : memref<10240x64xf32, #tpu.memory_space<vmem_shared>> -> memref<128x64xf32, #tpu.memory_space<vmem_shared>>
      %dma_wait3A_111 = arith.constant 0 : i32
      %dma_wait3A_112 = arith.constant 0 : i32
      %dma_wait3A_113 = tpu.memref_slice %arg7[%run_scoped3A, %dma_wait3A_111, %dma_wait3A_112] : memref<4x128x64xf32, #tpu.memory_space<vmem>> -> memref<1x128x64xf32, #tpu.memory_space<vmem>>
      %dma_wait3A_114 = tpu.memref_squeeze %dma_wait3A_113 : memref<1x128x64xf32, #tpu.memory_space<vmem>> -> memref<128x64xf32, #tpu.memory_space<vmem>>
      tpu.wait_dma2 semaphore(%run_scoped3A_90 : memref<!tpu.dma_semaphore, #tpu.memory_space<semaphore_mem>>) src(%dma_wait3A_114 : memref<128x64xf32, #tpu.memory_space<vmem>>) dst(%dma_wait3A_110 : memref<128x64xf32, #tpu.memory_space<vmem_shared>>)
      tpu.yield
    }) : () -> ()
    %add3A_14 = arith.constant 128 : i32
    %add3A_15 = arith.addi %mul3A_9, %add3A_14 : i32
    %run_scoped3A_16 = arith.constant 0 : i32
    "tpu.region"() ({
      %run_scoped3A_90 = tpu.sem_alloc : memref<!tpu.dma_semaphore, #tpu.memory_space<semaphore_mem>>
      %dma_start3A_91 = arith.constant 0 : i32
      %dma_start3A_92 = arith.constant 0 : i32
      %dma_start3A_93 = tpu.memref_slice %arg7[%run_scoped3A_16, %dma_start3A_91, %dma_start3A_92] : memref<4x128x64xf32, #tpu.memory_space<vmem>> -> memref<1x128x64xf32, #tpu.memory_space<vmem>>
      %dma_start3A_94 = tpu.memref_squeeze %dma_start3A_93 : memref<1x128x64xf32, #tpu.memory_space<vmem>> -> memref<128x64xf32, #tpu.memory_space<vmem>>
      %dma_start3A_95 = arith.constant 0 : i32
      %dma_start3A_96 = tpu.memref_slice %arg9[%add3A_15, %dma_start3A_95] : memref<10240x64xf32, #tpu.memory_space<vmem_shared>> -> memref<128x64xf32, #tpu.memory_space<vmem_shared>>
      %dma_start3A_97 = arith.constant 0 : i32
      %dma_start3A_98 = tpu.memref_slice %arg9[%add3A_15, %dma_start3A_97] : memref<10240x64xf32, #tpu.memory_space<vmem_shared>> -> memref<128x64xf32, #tpu.memory_space<vmem_shared>>
      %dma_start3A_99 = arith.constant 0 : i32
      %dma_start3A_100 = arith.constant 0 : i32
      %dma_start3A_101 = tpu.memref_slice %arg7[%run_scoped3A_16, %dma_start3A_99, %dma_start3A_100] : memref<4x128x64xf32, #tpu.memory_space<vmem>> -> memref<1x128x64xf32, #tpu.memory_space<vmem>>
      %dma_start3A_102 = tpu.memref_squeeze %dma_start3A_101 : memref<1x128x64xf32, #tpu.memory_space<vmem>> -> memref<128x64xf32, #tpu.memory_space<vmem>>
      tpu.enqueue_dma source(%dma_start3A_102 : memref<128x64xf32, #tpu.memory_space<vmem>>) target(%dma_start3A_98 : memref<128x64xf32, #tpu.memory_space<vmem_shared>>) target_semaphore(%run_scoped3A_90 : memref<!tpu.dma_semaphore, #tpu.memory_space<semaphore_mem>>)
      %dma_wait3A_103 = arith.constant 0 : i32
      %dma_wait3A_104 = arith.constant 0 : i32
      %dma_wait3A_105 = tpu.memref_slice %arg7[%run_scoped3A_16, %dma_wait3A_103, %dma_wait3A_104] : memref<4x128x64xf32, #tpu.memory_space<vmem>> -> memref<1x128x64xf32, #tpu.memory_space<vmem>>
      %dma_wait3A_106 = tpu.memref_squeeze %dma_wait3A_105 : memref<1x128x64xf32, #tpu.memory_space<vmem>> -> memref<128x64xf32, #tpu.memory_space<vmem>>
      %dma_wait3A_107 = arith.constant 0 : i32
      %dma_wait3A_108 = tpu.memref_slice %arg9[%add3A_15, %dma_wait3A_107] : memref<10240x64xf32, #tpu.memory_space<vmem_shared>> -> memref<128x64xf32, #tpu.memory_space<vmem_shared>>
      %dma_wait3A_109 = arith.constant 0 : i32
      %dma_wait3A_110 = tpu.memref_slice %arg9[%add3A_15, %dma_wait3A_109] : memref<10240x64xf32, #tpu.memory_space<vmem_shared>> -> memref<128x64xf32, #tpu.memory_space<vmem_shared>>
      %dma_wait3A_111 = arith.constant 0 : i32
      %dma_wait3A_112 = arith.constant 0 : i32
      %dma_wait3A_113 = tpu.memref_slice %arg7[%run_scoped3A_16, %dma_wait3A_111, %dma_wait3A_112] : memref<4x128x64xf32, #tpu.memory_space<vmem>> -> memref<1x128x64xf32, #tpu.memory_space<vmem>>
      %dma_wait3A_114 = tpu.memref_squeeze %dma_wait3A_113 : memref<1x128x64xf32, #tpu.memory_space<vmem>> -> memref<128x64xf32, #tpu.memory_space<vmem>>
      tpu.wait_dma2 semaphore(%run_scoped3A_90 : memref<!tpu.dma_semaphore, #tpu.memory_space<semaphore_mem>>) src(%dma_wait3A_114 : memref<128x64xf32, #tpu.memory_space<vmem>>) dst(%dma_wait3A_110 : memref<128x64xf32, #tpu.memory_space<vmem_shared>>)
      tpu.yield
    }) : () -> ()
    %add3A_17 = arith.constant 256 : i32
    %add3A_18 = arith.addi %mul3A_9, %add3A_17 : i32
    %run_scoped3A_19 = arith.constant 0 : i32
    "tpu.region"() ({
      %run_scoped3A_90 = tpu.sem_alloc : memref<!tpu.dma_semaphore, #tpu.memory_space<semaphore_mem>>
      %dma_start3A_91 = arith.constant 0 : i32
      %dma_start3A_92 = arith.constant 0 : i32
      %dma_start3A_93 = tpu.memref_slice %arg7[%run_scoped3A_19, %dma_start3A_91, %dma_start3A_92] : memref<4x128x64xf32, #tpu.memory_space<vmem>> -> memref<1x128x64xf32, #tpu.memory_space<vmem>>
      %dma_start3A_94 = tpu.memref_squeeze %dma_start3A_93 : memref<1x128x64xf32, #tpu.memory_space<vmem>> -> memref<128x64xf32, #tpu.memory_space<vmem>>
      %dma_start3A_95 = arith.constant 0 : i32
      %dma_start3A_96 = tpu.memref_slice %arg9[%add3A_18, %dma_start3A_95] : memref<10240x64xf32, #tpu.memory_space<vmem_shared>> -> memref<128x64xf32, #tpu.memory_space<vmem_shared>>
      %dma_start3A_97 = arith.constant 0 : i32
      %dma_start3A_98 = tpu.memref_slice %arg9[%add3A_18, %dma_start3A_97] : memref<10240x64xf32, #tpu.memory_space<vmem_shared>> -> memref<128x64xf32, #tpu.memory_space<vmem_shared>>
      %dma_start3A_99 = arith.constant 0 : i32
      %dma_start3A_100 = arith.constant 0 : i32
      %dma_start3A_101 = tpu.memref_slice %arg7[%run_scoped3A_19, %dma_start3A_99, %dma_start3A_100] : memref<4x128x64xf32, #tpu.memory_space<vmem>> -> memref<1x128x64xf32, #tpu.memory_space<vmem>>
      %dma_start3A_102 = tpu.memref_squeeze %dma_start3A_101 : memref<1x128x64xf32, #tpu.memory_space<vmem>> -> memref<128x64xf32, #tpu.memory_space<vmem>>
      tpu.enqueue_dma source(%dma_start3A_102 : memref<128x64xf32, #tpu.memory_space<vmem>>) target(%dma_start3A_98 : memref<128x64xf32, #tpu.memory_space<vmem_shared>>) target_semaphore(%run_scoped3A_90 : memref<!tpu.dma_semaphore, #tpu.memory_space<semaphore_mem>>)
      %dma_wait3A_103 = arith.constant 0 : i32
      %dma_wait3A_104 = arith.constant 0 : i32
      %dma_wait3A_105 = tpu.memref_slice %arg7[%run_scoped3A_19, %dma_wait3A_103, %dma_wait3A_104] : memref<4x128x64xf32, #tpu.memory_space<vmem>> -> memref<1x128x64xf32, #tpu.memory_space<vmem>>
      %dma_wait3A_106 = tpu.memref_squeeze %dma_wait3A_105 : memref<1x128x64xf32, #tpu.memory_space<vmem>> -> memref<128x64xf32, #tpu.memory_space<vmem>>
      %dma_wait3A_107 = arith.constant 0 : i32
      %dma_wait3A_108 = tpu.memref_slice %arg9[%add3A_18, %dma_wait3A_107] : memref<10240x64xf32, #tpu.memory_space<vmem_shared>> -> memref<128x64xf32, #tpu.memory_space<vmem_shared>>
      %dma_wait3A_109 = arith.constant 0 : i32
      %dma_wait3A_110 = tpu.memref_slice %arg9[%add3A_18, %dma_wait3A_109] : memref<10240x64xf32, #tpu.memory_space<vmem_shared>> -> memref<128x64xf32, #tpu.memory_space<vmem_shared>>
      %dma_wait3A_111 = arith.constant 0 : i32
      %dma_wait3A_112 = arith.constant 0 : i32
      %dma_wait3A_113 = tpu.memref_slice %arg7[%run_scoped3A_19, %dma_wait3A_111, %dma_wait3A_112] : memref<4x128x64xf32, #tpu.memory_space<vmem>> -> memref<1x128x64xf32, #tpu.memory_space<vmem>>
      %dma_wait3A_114 = tpu.memref_squeeze %dma_wait3A_113 : memref<1x128x64xf32, #tpu.memory_space<vmem>> -> memref<128x64xf32, #tpu.memory_space<vmem>>
      tpu.wait_dma2 semaphore(%run_scoped3A_90 : memref<!tpu.dma_semaphore, #tpu.memory_space<semaphore_mem>>) src(%dma_wait3A_114 : memref<128x64xf32, #tpu.memory_space<vmem>>) dst(%dma_wait3A_110 : memref<128x64xf32, #tpu.memory_space<vmem_shared>>)
      tpu.yield
    }) : () -> ()
    %add3A_20 = arith.constant 384 : i32
    %add3A_21 = arith.addi %mul3A_9, %add3A_20 : i32
    %run_scoped3A_22 = arith.constant 0 : i32
    "tpu.region"() ({
      %run_scoped3A_90 = tpu.sem_alloc : memref<!tpu.dma_semaphore, #tpu.memory_space<semaphore_mem>>
      %dma_start3A_91 = arith.constant 0 : i32
      %dma_start3A_92 = arith.constant 0 : i32
      %dma_start3A_93 = tpu.memref_slice %arg7[%run_scoped3A_22, %dma_start3A_91, %dma_start3A_92] : memref<4x128x64xf32, #tpu.memory_space<vmem>> -> memref<1x128x64xf32, #tpu.memory_space<vmem>>
      %dma_start3A_94 = tpu.memref_squeeze %dma_start3A_93 : memref<1x128x64xf32, #tpu.memory_space<vmem>> -> memref<128x64xf32, #tpu.memory_space<vmem>>
      %dma_start3A_95 = arith.constant 0 : i32
      %dma_start3A_96 = tpu.memref_slice %arg9[%add3A_21, %dma_start3A_95] : memref<10240x64xf32, #tpu.memory_space<vmem_shared>> -> memref<128x64xf32, #tpu.memory_space<vmem_shared>>
      %dma_start3A_97 = arith.constant 0 : i32
      %dma_start3A_98 = tpu.memref_slice %arg9[%add3A_21, %dma_start3A_97] : memref<10240x64xf32, #tpu.memory_space<vmem_shared>> -> memref<128x64xf32, #tpu.memory_space<vmem_shared>>
      %dma_start3A_99 = arith.constant 0 : i32
      %dma_start3A_100 = arith.constant 0 : i32
      %dma_start3A_101 = tpu.memref_slice %arg7[%run_scoped3A_22, %dma_start3A_99, %dma_start3A_100] : memref<4x128x64xf32, #tpu.memory_space<vmem>> -> memref<1x128x64xf32, #tpu.memory_space<vmem>>
      %dma_start3A_102 = tpu.memref_squeeze %dma_start3A_101 : memref<1x128x64xf32, #tpu.memory_space<vmem>> -> memref<128x64xf32, #tpu.memory_space<vmem>>
      tpu.enqueue_dma source(%dma_start3A_102 : memref<128x64xf32, #tpu.memory_space<vmem>>) target(%dma_start3A_98 : memref<128x64xf32, #tpu.memory_space<vmem_shared>>) target_semaphore(%run_scoped3A_90 : memref<!tpu.dma_semaphore, #tpu.memory_space<semaphore_mem>>)
      %dma_wait3A_103 = arith.constant 0 : i32
      %dma_wait3A_104 = arith.constant 0 : i32
      %dma_wait3A_105 = tpu.memref_slice %arg7[%run_scoped3A_22, %dma_wait3A_103, %dma_wait3A_104] : memref<4x128x64xf32, #tpu.memory_space<vmem>> -> memref<1x128x64xf32, #tpu.memory_space<vmem>>
      %dma_wait3A_106 = tpu.memref_squeeze %dma_wait3A_105 : memref<1x128x64xf32, #tpu.memory_space<vmem>> -> memref<128x64xf32, #tpu.memory_space<vmem>>
      %dma_wait3A_107 = arith.constant 0 : i32
      %dma_wait3A_108 = tpu.memref_slice %arg9[%add3A_21, %dma_wait3A_107] : memref<10240x64xf32, #tpu.memory_space<vmem_shared>> -> memref<128x64xf32, #tpu.memory_space<vmem_shared>>
      %dma_wait3A_109 = arith.constant 0 : i32
      %dma_wait3A_110 = tpu.memref_slice %arg9[%add3A_21, %dma_wait3A_109] : memref<10240x64xf32, #tpu.memory_space<vmem_shared>> -> memref<128x64xf32, #tpu.memory_space<vmem_shared>>
      %dma_wait3A_111 = arith.constant 0 : i32
      %dma_wait3A_112 = arith.constant 0 : i32
      %dma_wait3A_113 = tpu.memref_slice %arg7[%run_scoped3A_22, %dma_wait3A_111, %dma_wait3A_112] : memref<4x128x64xf32, #tpu.memory_space<vmem>> -> memref<1x128x64xf32, #tpu.memory_space<vmem>>
      %dma_wait3A_114 = tpu.memref_squeeze %dma_wait3A_113 : memref<1x128x64xf32, #tpu.memory_space<vmem>> -> memref<128x64xf32, #tpu.memory_space<vmem>>
      tpu.wait_dma2 semaphore(%run_scoped3A_90 : memref<!tpu.dma_semaphore, #tpu.memory_space<semaphore_mem>>) src(%dma_wait3A_114 : memref<128x64xf32, #tpu.memory_space<vmem>>) dst(%dma_wait3A_110 : memref<128x64xf32, #tpu.memory_space<vmem_shared>>)
      tpu.yield
    }) : () -> ()
    %add3A_23 = arith.constant 512 : i32
    %add3A_24 = arith.addi %mul3A_9, %add3A_23 : i32
    %run_scoped3A_25 = arith.constant 0 : i32
    "tpu.region"() ({
      %run_scoped3A_90 = tpu.sem_alloc : memref<!tpu.dma_semaphore, #tpu.memory_space<semaphore_mem>>
      %dma_start3A_91 = arith.constant 0 : i32
      %dma_start3A_92 = arith.constant 0 : i32
      %dma_start3A_93 = tpu.memref_slice %arg7[%run_scoped3A_25, %dma_start3A_91, %dma_start3A_92] : memref<4x128x64xf32, #tpu.memory_space<vmem>> -> memref<1x128x64xf32, #tpu.memory_space<vmem>>
      %dma_start3A_94 = tpu.memref_squeeze %dma_start3A_93 : memref<1x128x64xf32, #tpu.memory_space<vmem>> -> memref<128x64xf32, #tpu.memory_space<vmem>>
      %dma_start3A_95 = arith.constant 0 : i32
      %dma_start3A_96 = tpu.memref_slice %arg9[%add3A_24, %dma_start3A_95] : memref<10240x64xf32, #tpu.memory_space<vmem_shared>> -> memref<128x64xf32, #tpu.memory_space<vmem_shared>>
      %dma_start3A_97 = arith.constant 0 : i32
      %dma_start3A_98 = tpu.memref_slice %arg9[%add3A_24, %dma_start3A_97] : memref<10240x64xf32, #tpu.memory_space<vmem_shared>> -> memref<128x64xf32, #tpu.memory_space<vmem_shared>>
      %dma_start3A_99 = arith.constant 0 : i32
      %dma_start3A_100 = arith.constant 0 : i32
      %dma_start3A_101 = tpu.memref_slice %arg7[%run_scoped3A_25, %dma_start3A_99, %dma_start3A_100] : memref<4x128x64xf32, #tpu.memory_space<vmem>> -> memref<1x128x64xf32, #tpu.memory_space<vmem>>
      %dma_start3A_102 = tpu.memref_squeeze %dma_start3A_101 : memref<1x128x64xf32, #tpu.memory_space<vmem>> -> memref<128x64xf32, #tpu.memory_space<vmem>>
      tpu.enqueue_dma source(%dma_start3A_102 : memref<128x64xf32, #tpu.memory_space<vmem>>) target(%dma_start3A_98 : memref<128x64xf32, #tpu.memory_space<vmem_shared>>) target_semaphore(%run_scoped3A_90 : memref<!tpu.dma_semaphore, #tpu.memory_space<semaphore_mem>>)
      %dma_wait3A_103 = arith.constant 0 : i32
      %dma_wait3A_104 = arith.constant 0 : i32
      %dma_wait3A_105 = tpu.memref_slice %arg7[%run_scoped3A_25, %dma_wait3A_103, %dma_wait3A_104] : memref<4x128x64xf32, #tpu.memory_space<vmem>> -> memref<1x128x64xf32, #tpu.memory_space<vmem>>
      %dma_wait3A_106 = tpu.memref_squeeze %dma_wait3A_105 : memref<1x128x64xf32, #tpu.memory_space<vmem>> -> memref<128x64xf32, #tpu.memory_space<vmem>>
      %dma_wait3A_107 = arith.constant 0 : i32
      %dma_wait3A_108 = tpu.memref_slice %arg9[%add3A_24, %dma_wait3A_107] : memref<10240x64xf32, #tpu.memory_space<vmem_shared>> -> memref<128x64xf32, #tpu.memory_space<vmem_shared>>
      %dma_wait3A_109 = arith.constant 0 : i32
      %dma_wait3A_110 = tpu.memref_slice %arg9[%add3A_24, %dma_wait3A_109] : memref<10240x64xf32, #tpu.memory_space<vmem_shared>> -> memref<128x64xf32, #tpu.memory_space<vmem_shared>>
      %dma_wait3A_111 = arith.constant 0 : i32
      %dma_wait3A_112 = arith.constant 0 : i32
      %dma_wait3A_113 = tpu.memref_slice %arg7[%run_scoped3A_25, %dma_wait3A_111, %dma_wait3A_112] : memref<4x128x64xf32, #tpu.memory_space<vmem>> -> memref<1x128x64xf32, #tpu.memory_space<vmem>>
      %dma_wait3A_114 = tpu.memref_squeeze %dma_wait3A_113 : memref<1x128x64xf32, #tpu.memory_space<vmem>> -> memref<128x64xf32, #tpu.memory_space<vmem>>
      tpu.wait_dma2 semaphore(%run_scoped3A_90 : memref<!tpu.dma_semaphore, #tpu.memory_space<semaphore_mem>>) src(%dma_wait3A_114 : memref<128x64xf32, #tpu.memory_space<vmem>>) dst(%dma_wait3A_110 : memref<128x64xf32, #tpu.memory_space<vmem_shared>>)
      tpu.yield
    }) : () -> ()
    %barrier3A = arith.constant 0 : index
    tpu.barrier barrier_id(%barrier3A)
    %run_scoped3A_26 = arith.constant 0 : i32
    %run_scoped3A_27 = arith.constant 0 : i32
    "tpu.region"() ({
      %run_scoped3A_90 = tpu.sem_alloc : memref<!tpu.dma_semaphore, #tpu.memory_space<semaphore_mem>>
      %dma_start3A_91 = arith.constant 0 : i32
      %dma_start3A_92 = arith.constant 0 : i32
      %dma_start3A_93 = tpu.memref_slice %arg5[%run_scoped3A_27, %dma_start3A_91, %dma_start3A_92] : memref<2x13x128xi32, #tpu.memory_space<vmem>> -> memref<1x13x128xi32, #tpu.memory_space<vmem>>
      %dma_start3A_94 = tpu.memref_squeeze %dma_start3A_93 : memref<1x13x128xi32, #tpu.memory_space<vmem>> -> memref<13x128xi32, #tpu.memory_space<vmem>>
      %dma_start3A_95 = arith.constant 0 : i32
      %dma_start3A_96 = tpu.memref_slice %arg3[%run_scoped3A_26, %mul3A_2, %dma_start3A_95] : memref<2x2500x128xi32, #tpu.memory_space<hbm>> -> memref<1x13x128xi32, #tpu.memory_space<hbm>>
      %dma_start3A_97 = tpu.memref_squeeze %dma_start3A_96 : memref<1x13x128xi32, #tpu.memory_space<hbm>> -> memref<13x128xi32, #tpu.memory_space<hbm>>
      %dma_start3A_98 = arith.constant 0 : i32
      %dma_start3A_99 = arith.constant 0 : i32
      %dma_start3A_100 = tpu.memref_slice %arg5[%run_scoped3A_27, %dma_start3A_98, %dma_start3A_99] : memref<2x13x128xi32, #tpu.memory_space<vmem>> -> memref<1x13x128xi32, #tpu.memory_space<vmem>>
      %dma_start3A_101 = tpu.memref_squeeze %dma_start3A_100 : memref<1x13x128xi32, #tpu.memory_space<vmem>> -> memref<13x128xi32, #tpu.memory_space<vmem>>
      %dma_start3A_102 = arith.constant 0 : i32
      %dma_start3A_103 = tpu.memref_slice %arg3[%run_scoped3A_26, %mul3A_2, %dma_start3A_102] : memref<2x2500x128xi32, #tpu.memory_space<hbm>> -> memref<1x13x128xi32, #tpu.memory_space<hbm>>
      %dma_start3A_104 = tpu.memref_squeeze %dma_start3A_103 : memref<1x13x128xi32, #tpu.memory_space<hbm>> -> memref<13x128xi32, #tpu.memory_space<hbm>>
      tpu.enqueue_dma source(%dma_start3A_104 : memref<13x128xi32, #tpu.memory_space<hbm>>) target(%dma_start3A_101 : memref<13x128xi32, #tpu.memory_space<vmem>>) target_semaphore(%run_scoped3A_90 : memref<!tpu.dma_semaphore, #tpu.memory_space<semaphore_mem>>)
      %dma_wait3A_105 = arith.constant 0 : i32
      %dma_wait3A_106 = arith.constant 0 : i32
      %dma_wait3A_107 = tpu.memref_slice %arg5[%run_scoped3A_27, %dma_wait3A_105, %dma_wait3A_106] : memref<2x13x128xi32, #tpu.memory_space<vmem>> -> memref<1x13x128xi32, #tpu.memory_space<vmem>>
      %dma_wait3A_108 = tpu.memref_squeeze %dma_wait3A_107 : memref<1x13x128xi32, #tpu.memory_space<vmem>> -> memref<13x128xi32, #tpu.memory_space<vmem>>
      %dma_wait3A_109 = arith.constant 0 : i32
      %dma_wait3A_110 = tpu.memref_slice %arg3[%run_scoped3A_26, %mul3A_2, %dma_wait3A_109] : memref<2x2500x128xi32, #tpu.memory_space<hbm>> -> memref<1x13x128xi32, #tpu.memory_space<hbm>>
      %dma_wait3A_111 = tpu.memref_squeeze %dma_wait3A_110 : memref<1x13x128xi32, #tpu.memory_space<hbm>> -> memref<13x128xi32, #tpu.memory_space<hbm>>
      %dma_wait3A_112 = arith.constant 0 : i32
      %dma_wait3A_113 = arith.constant 0 : i32
      %dma_wait3A_114 = tpu.memref_slice %arg5[%run_scoped3A_27, %dma_wait3A_112, %dma_wait3A_113] : memref<2x13x128xi32, #tpu.memory_space<vmem>> -> memref<1x13x128xi32, #tpu.memory_space<vmem>>
      %dma_wait3A_115 = tpu.memref_squeeze %dma_wait3A_114 : memref<1x13x128xi32, #tpu.memory_space<vmem>> -> memref<13x128xi32, #tpu.memory_space<vmem>>
      %dma_wait3A_116 = arith.constant 0 : i32
      %dma_wait3A_117 = tpu.memref_slice %arg3[%run_scoped3A_26, %mul3A_2, %dma_wait3A_116] : memref<2x2500x128xi32, #tpu.memory_space<hbm>> -> memref<1x13x128xi32, #tpu.memory_space<hbm>>
      %dma_wait3A_118 = tpu.memref_squeeze %dma_wait3A_117 : memref<1x13x128xi32, #tpu.memory_space<hbm>> -> memref<13x128xi32, #tpu.memory_space<hbm>>
      tpu.wait_dma2 semaphore(%run_scoped3A_90 : memref<!tpu.dma_semaphore, #tpu.memory_space<semaphore_mem>>) src(%dma_wait3A_118 : memref<13x128xi32, #tpu.memory_space<hbm>>) dst(%dma_wait3A_115 : memref<13x128xi32, #tpu.memory_space<vmem>>)
      tpu.yield
    }) : () -> ()
    %run_scoped3A_28 = arith.constant 1 : i32
    %run_scoped3A_29 = arith.constant 0 : i32
    "tpu.region"() ({
      %run_scoped3A_90 = tpu.sem_alloc : memref<!tpu.dma_semaphore, #tpu.memory_space<semaphore_mem>>
      %dma_start3A_91 = arith.constant 0 : i32
      %dma_start3A_92 = arith.constant 0 : i32
      %dma_start3A_93 = tpu.memref_slice %arg6[%run_scoped3A_29, %dma_start3A_91, %dma_start3A_92] : memref<2x13x128xi32, #tpu.memory_space<vmem>> -> memref<1x13x128xi32, #tpu.memory_space<vmem>>
      %dma_start3A_94 = tpu.memref_squeeze %dma_start3A_93 : memref<1x13x128xi32, #tpu.memory_space<vmem>> -> memref<13x128xi32, #tpu.memory_space<vmem>>
      %dma_start3A_95 = arith.constant 0 : i32
      %dma_start3A_96 = tpu.memref_slice %arg3[%run_scoped3A_28, %mul3A_2, %dma_start3A_95] : memref<2x2500x128xi32, #tpu.memory_space<hbm>> -> memref<1x13x128xi32, #tpu.memory_space<hbm>>
      %dma_start3A_97 = tpu.memref_squeeze %dma_start3A_96 : memref<1x13x128xi32, #tpu.memory_space<hbm>> -> memref<13x128xi32, #tpu.memory_space<hbm>>
      %dma_start3A_98 = arith.constant 0 : i32
      %dma_start3A_99 = arith.constant 0 : i32
      %dma_start3A_100 = tpu.memref_slice %arg6[%run_scoped3A_29, %dma_start3A_98, %dma_start3A_99] : memref<2x13x128xi32, #tpu.memory_space<vmem>> -> memref<1x13x128xi32, #tpu.memory_space<vmem>>
      %dma_start3A_101 = tpu.memref_squeeze %dma_start3A_100 : memref<1x13x128xi32, #tpu.memory_space<vmem>> -> memref<13x128xi32, #tpu.memory_space<vmem>>
      %dma_start3A_102 = arith.constant 0 : i32
      %dma_start3A_103 = tpu.memref_slice %arg3[%run_scoped3A_28, %mul3A_2, %dma_start3A_102] : memref<2x2500x128xi32, #tpu.memory_space<hbm>> -> memref<1x13x128xi32, #tpu.memory_space<hbm>>
      %dma_start3A_104 = tpu.memref_squeeze %dma_start3A_103 : memref<1x13x128xi32, #tpu.memory_space<hbm>> -> memref<13x128xi32, #tpu.memory_space<hbm>>
      tpu.enqueue_dma source(%dma_start3A_104 : memref<13x128xi32, #tpu.memory_space<hbm>>) target(%dma_start3A_101 : memref<13x128xi32, #tpu.memory_space<vmem>>) target_semaphore(%run_scoped3A_90 : memref<!tpu.dma_semaphore, #tpu.memory_space<semaphore_mem>>)
      %dma_wait3A_105 = arith.constant 0 : i32
      %dma_wait3A_106 = arith.constant 0 : i32
      %dma_wait3A_107 = tpu.memref_slice %arg6[%run_scoped3A_29, %dma_wait3A_105, %dma_wait3A_106] : memref<2x13x128xi32, #tpu.memory_space<vmem>> -> memref<1x13x128xi32, #tpu.memory_space<vmem>>
      %dma_wait3A_108 = tpu.memref_squeeze %dma_wait3A_107 : memref<1x13x128xi32, #tpu.memory_space<vmem>> -> memref<13x128xi32, #tpu.memory_space<vmem>>
      %dma_wait3A_109 = arith.constant 0 : i32
      %dma_wait3A_110 = tpu.memref_slice %arg3[%run_scoped3A_28, %mul3A_2, %dma_wait3A_109] : memref<2x2500x128xi32, #tpu.memory_space<hbm>> -> memref<1x13x128xi32, #tpu.memory_space<hbm>>
      %dma_wait3A_111 = tpu.memref_squeeze %dma_wait3A_110 : memref<1x13x128xi32, #tpu.memory_space<hbm>> -> memref<13x128xi32, #tpu.memory_space<hbm>>
      %dma_wait3A_112 = arith.constant 0 : i32
      %dma_wait3A_113 = arith.constant 0 : i32
      %dma_wait3A_114 = tpu.memref_slice %arg6[%run_scoped3A_29, %dma_wait3A_112, %dma_wait3A_113] : memref<2x13x128xi32, #tpu.memory_space<vmem>> -> memref<1x13x128xi32, #tpu.memory_space<vmem>>
      %dma_wait3A_115 = tpu.memref_squeeze %dma_wait3A_114 : memref<1x13x128xi32, #tpu.memory_space<vmem>> -> memref<13x128xi32, #tpu.memory_space<vmem>>
      %dma_wait3A_116 = arith.constant 0 : i32
      %dma_wait3A_117 = tpu.memref_slice %arg3[%run_scoped3A_28, %mul3A_2, %dma_wait3A_116] : memref<2x2500x128xi32, #tpu.memory_space<hbm>> -> memref<1x13x128xi32, #tpu.memory_space<hbm>>
      %dma_wait3A_118 = tpu.memref_squeeze %dma_wait3A_117 : memref<1x13x128xi32, #tpu.memory_space<hbm>> -> memref<13x128xi32, #tpu.memory_space<hbm>>
      tpu.wait_dma2 semaphore(%run_scoped3A_90 : memref<!tpu.dma_semaphore, #tpu.memory_space<semaphore_mem>>) src(%dma_wait3A_118 : memref<13x128xi32, #tpu.memory_space<hbm>>) dst(%dma_wait3A_115 : memref<13x128xi32, #tpu.memory_space<vmem>>)
      tpu.yield
    }) : () -> ()
    %dma_start3A = arith.constant 0 : i32
    %dma_start3A_30 = arith.constant 0 : i32
    %dma_start3A_31 = arith.constant 0 : i32
    %dma_start3A_32 = arith.constant 0 : i32
    %dma_start3A_33 = arith.constant 0 : i32
    %dma_start3A_34 = tpu.memref_slice %arg7[%dma_start3A_31, %dma_start3A_32, %dma_start3A_33] : memref<4x128x64xf32, #tpu.memory_space<vmem>> -> memref<1x128x64xf32, #tpu.memory_space<vmem>>
    %dma_start3A_35 = tpu.memref_squeeze %dma_start3A_34 : memref<1x128x64xf32, #tpu.memory_space<vmem>> -> memref<128x64xf32, #tpu.memory_space<vmem>>
    %dma_start3A_36 = arith.constant 0 : i32
    %dma_start3A_37 = tpu.memref_slice %arg5[%dma_start3A, %dma_start3A_30, %dma_start3A_36] : memref<2x13x128xi32, #tpu.memory_space<vmem>> -> memref<1x1x128xi32, #tpu.memory_space<vmem>>
    %dma_start3A_38 = tpu.memref_squeeze %dma_start3A_37 : memref<1x1x128xi32, #tpu.memory_space<vmem>> -> memref<128xi32, #tpu.memory_space<vmem>>
    %dma_start3A_39 = arith.constant 0 : i32
    %dma_start3A_40 = arith.constant 0 : i32
    %dma_start3A_41 = tpu.memref_slice %arg8[%dma_start3A_39, %dma_start3A_40] : memref<10240x64xf32, #tpu.memory_space<vmem_shared>> -> memref<10240x64xf32, #tpu.memory_space<vmem_shared>>
    tpu.enqueue_indirect_dma source(%dma_start3A_41 : memref<10240x64xf32, #tpu.memory_space<vmem_shared>>) target(%dma_start3A_35 : memref<128x64xf32, #tpu.memory_space<vmem>>) offsets(%dma_start3A_38 : memref<128xi32, #tpu.memory_space<vmem>>) semaphore(%arg10 : memref<!tpu.dma_semaphore, #tpu.memory_space<semaphore_mem>>)
    %dma_start3A_42 = arith.constant 0 : i32
    %dma_start3A_43 = arith.constant 1 : i32
    %dma_start3A_44 = arith.constant 1 : i32
    %dma_start3A_45 = arith.constant 0 : i32
    %dma_start3A_46 = arith.constant 0 : i32
    %dma_start3A_47 = tpu.memref_slice %arg7[%dma_start3A_44, %dma_start3A_45, %dma_start3A_46] : memref<4x128x64xf32, #tpu.memory_space<vmem>> -> memref<1x128x64xf32, #tpu.memory_space<vmem>>
    %dma_start3A_48 = tpu.memref_squeeze %dma_start3A_47 : memref<1x128x64xf32, #tpu.memory_space<vmem>> -> memref<128x64xf32, #tpu.memory_space<vmem>>
    %dma_start3A_49 = arith.constant 0 : i32
    %dma_start3A_50 = tpu.memref_slice %arg5[%dma_start3A_42, %dma_start3A_43, %dma_start3A_49] : memref<2x13x128xi32, #tpu.memory_space<vmem>> -> memref<1x1x128xi32, #tpu.memory_space<vmem>>
    %dma_start3A_51 = tpu.memref_squeeze %dma_start3A_50 : memref<1x1x128xi32, #tpu.memory_space<vmem>> -> memref<128xi32, #tpu.memory_space<vmem>>
    %dma_start3A_52 = arith.constant 0 : i32
    %dma_start3A_53 = arith.constant 0 : i32
    %dma_start3A_54 = tpu.memref_slice %arg8[%dma_start3A_52, %dma_start3A_53] : memref<10240x64xf32, #tpu.memory_space<vmem_shared>> -> memref<10240x64xf32, #tpu.memory_space<vmem_shared>>
    tpu.enqueue_indirect_dma source(%dma_start3A_54 : memref<10240x64xf32, #tpu.memory_space<vmem_shared>>) target(%dma_start3A_48 : memref<128x64xf32, #tpu.memory_space<vmem>>) offsets(%dma_start3A_51 : memref<128xi32, #tpu.memory_space<vmem>>) semaphore(%arg10 : memref<!tpu.dma_semaphore, #tpu.memory_space<semaphore_mem>>)
    %scan3A_55 = arith.constant 0 : i32
    %scan3A_56 = arith.constant 6 : i32
    %scan3A_57 = arith.addi %scan3A_55, %scan3A_56 : i32
    %scan3A_58 = arith.constant 1 : i32
    scf.for %scan3A_90 = %scan3A_55 to %scan3A_57 step %scan3A_58  : i32 {
      %mul3A_91 = arith.constant 1 : i32
      %mul3A_92 = arith.muli %scan3A_90, %mul3A_91 : i32
      %add3A_93 = arith.constant 0 : i32
      %add3A_94 = arith.addi %add3A_93, %mul3A_92 : i32
      %jit3A = arith.constant 2 : i32
      %eq3A = arith.constant 0 : i32
      %eq3A_95 = arith.cmpi eq, %jit3A, %eq3A : i32
      %jit3A_96 = arith.constant 1 : i32
      %select_n3A = arith.select %eq3A_95, %jit3A_96, %jit3A : i32
      %rem3A = arith.remsi %add3A_94, %select_n3A : i32
      %ne3A = arith.constant 0 : i32
      %ne3A_97 = arith.cmpi ne, %rem3A, %ne3A : i32
      %lt3A_98 = arith.constant 0 : i32
      %lt3A_99 = arith.cmpi slt, %rem3A, %lt3A_98 : i32
      %lt3A_100 = arith.constant 0 : i32
      %lt3A_101 = arith.cmpi slt, %select_n3A, %lt3A_100 : i32
      %ne3A_102 = arith.xori %lt3A_99, %lt3A_101 : i1
      %and3A = arith.andi %ne3A_102, %ne3A_97 : i1
      %add3A_103 = arith.addi %rem3A, %select_n3A : i32
      %select_n3A_104 = arith.select %and3A, %add3A_103, %rem3A : i32
      %scan3A_105 = arith.constant 0 : i32
      %scan3A_106 = arith.constant 13 : i32
      %scan3A_107 = arith.addi %scan3A_105, %scan3A_106 : i32
      %scan3A_108 = arith.constant 1 : i32
      scf.for %scan3A_110 = %scan3A_105 to %scan3A_107 step %scan3A_108  : i32 {
        %mul3A_111 = arith.constant 1 : i32
        %mul3A_112 = arith.muli %scan3A_110, %mul3A_111 : i32
        %add3A_113 = arith.constant 0 : i32
        %add3A_114 = arith.addi %add3A_113, %mul3A_112 : i32
        %mul3A_115 = arith.constant 13 : i32
        %mul3A_116 = arith.muli %add3A_94, %mul3A_115 : i32
        %add3A_117 = arith.addi %mul3A_116, %add3A_114 : i32
        %jit3A_118 = arith.constant 4 : i32
        %eq3A_119 = arith.constant 0 : i32
        %eq3A_120 = arith.cmpi eq, %jit3A_118, %eq3A_119 : i32
        %jit3A_121 = arith.constant 1 : i32
        %select_n3A_122 = arith.select %eq3A_120, %jit3A_121, %jit3A_118 : i32
        %rem3A_123 = arith.remsi %add3A_117, %select_n3A_122 : i32
        %ne3A_124 = arith.constant 0 : i32
        %ne3A_125 = arith.cmpi ne, %rem3A_123, %ne3A_124 : i32
        %lt3A_126 = arith.constant 0 : i32
        %lt3A_127 = arith.cmpi slt, %rem3A_123, %lt3A_126 : i32
        %lt3A_128 = arith.constant 0 : i32
        %lt3A_129 = arith.cmpi slt, %select_n3A_122, %lt3A_128 : i32
        %ne3A_130 = arith.xori %lt3A_127, %lt3A_129 : i1
        %and3A_131 = arith.andi %ne3A_130, %ne3A_125 : i1
        %add3A_132 = arith.addi %rem3A_123, %select_n3A_122 : i32
        %select_n3A_133 = arith.select %and3A_131, %add3A_132, %rem3A_123 : i32
        %dma_wait3A_134 = arith.constant 0 : i32
        %dma_wait3A_135 = arith.constant 0 : i32
        %dma_wait3A_136 = arith.constant 0 : i32
        %dma_wait3A_137 = arith.constant 0 : i32
        %dma_wait3A_138 = tpu.memref_slice %arg7[%select_n3A_133, %dma_wait3A_136, %dma_wait3A_137] : memref<4x128x64xf32, #tpu.memory_space<vmem>> -> memref<1x128x64xf32, #tpu.memory_space<vmem>>
        %dma_wait3A_139 = tpu.memref_squeeze %dma_wait3A_138 : memref<1x128x64xf32, #tpu.memory_space<vmem>> -> memref<128x64xf32, #tpu.memory_space<vmem>>
        %dma_wait3A_140 = arith.constant 0 : i32
        %dma_wait3A_141 = tpu.memref_slice %arg5[%dma_wait3A_134, %dma_wait3A_135, %dma_wait3A_140] : memref<2x13x128xi32, #tpu.memory_space<vmem>> -> memref<1x1x128xi32, #tpu.memory_space<vmem>>
        %dma_wait3A_142 = tpu.memref_squeeze %dma_wait3A_141 : memref<1x1x128xi32, #tpu.memory_space<vmem>> -> memref<128xi32, #tpu.memory_space<vmem>>
        %dma_wait3A_143 = arith.constant 0 : i32
        %dma_wait3A_144 = arith.constant 0 : i32
        %dma_wait3A_145 = tpu.memref_slice %arg8[%dma_wait3A_143, %dma_wait3A_144] : memref<10240x64xf32, #tpu.memory_space<vmem_shared>> -> memref<10240x64xf32, #tpu.memory_space<vmem_shared>>
        tpu.wait_indirect_dma semaphore(%arg10 : memref<!tpu.dma_semaphore, #tpu.memory_space<semaphore_mem>>) src(%dma_wait3A_145 : memref<10240x64xf32, #tpu.memory_space<vmem_shared>>) dst(%dma_wait3A_139 : memref<128x64xf32, #tpu.memory_space<vmem>>)
        %ge3A = arith.constant 2 : i32
        %ge3A_146 = arith.cmpi sge, %add3A_117, %ge3A : i32
        %convert_element_type3A_147 = arith.extui %ge3A_146 : i1 to i32
        %cond3A_148 = arith.constant 0 : i32
        %cond3A_149 = arith.cmpi ne, %convert_element_type3A_147, %cond3A_148 : i32
        scf.if %cond3A_149 {
          %add3A_187 = arith.constant 2 : i32
          %add3A_188 = arith.addi %add3A_117, %add3A_187 : i32
          %jit3A_189 = arith.constant 4 : i32
          %eq3A_190 = arith.constant 0 : i32
          %eq3A_191 = arith.cmpi eq, %jit3A_189, %eq3A_190 : i32
          %jit3A_192 = arith.constant 1 : i32
          %select_n3A_193 = arith.select %eq3A_191, %jit3A_192, %jit3A_189 : i32
          %rem3A_194 = arith.remsi %add3A_188, %select_n3A_193 : i32
          %ne3A_195 = arith.constant 0 : i32
          %ne3A_196 = arith.cmpi ne, %rem3A_194, %ne3A_195 : i32
          %lt3A_197 = arith.constant 0 : i32
          %lt3A_198 = arith.cmpi slt, %rem3A_194, %lt3A_197 : i32
          %lt3A_199 = arith.constant 0 : i32
          %lt3A_200 = arith.cmpi slt, %select_n3A_193, %lt3A_199 : i32
          %ne3A_201 = arith.xori %lt3A_198, %lt3A_200 : i1
          %and3A_202 = arith.andi %ne3A_201, %ne3A_196 : i1
          %add3A_203 = arith.addi %rem3A_194, %select_n3A_193 : i32
          %select_n3A_204 = arith.select %and3A_202, %add3A_203, %rem3A_194 : i32
          %dma_wait3A_205 = arith.constant 0 : i32
          %dma_wait3A_206 = arith.constant 0 : i32
          %dma_wait3A_207 = arith.constant 0 : i32
          %dma_wait3A_208 = arith.constant 0 : i32
          %dma_wait3A_209 = tpu.memref_slice %arg7[%select_n3A_204, %dma_wait3A_207, %dma_wait3A_208] : memref<4x128x64xf32, #tpu.memory_space<vmem>> -> memref<1x128x64xf32, #tpu.memory_space<vmem>>
          %dma_wait3A_210 = tpu.memref_squeeze %dma_wait3A_209 : memref<1x128x64xf32, #tpu.memory_space<vmem>> -> memref<128x64xf32, #tpu.memory_space<vmem>>
          %dma_wait3A_211 = arith.constant 0 : i32
          %dma_wait3A_212 = tpu.memref_slice %arg6[%dma_wait3A_205, %dma_wait3A_206, %dma_wait3A_211] : memref<2x13x128xi32, #tpu.memory_space<vmem>> -> memref<1x1x128xi32, #tpu.memory_space<vmem>>
          %dma_wait3A_213 = tpu.memref_squeeze %dma_wait3A_212 : memref<1x1x128xi32, #tpu.memory_space<vmem>> -> memref<128xi32, #tpu.memory_space<vmem>>
          %dma_wait3A_214 = arith.constant 0 : i32
          %dma_wait3A_215 = arith.constant 0 : i32
          %dma_wait3A_216 = tpu.memref_slice %arg9[%dma_wait3A_214, %dma_wait3A_215] : memref<10240x64xf32, #tpu.memory_space<vmem_shared>> -> memref<10240x64xf32, #tpu.memory_space<vmem_shared>>
          tpu.wait_indirect_dma semaphore(%arg11 : memref<!tpu.dma_semaphore, #tpu.memory_space<semaphore_mem>>) src(%dma_wait3A_210 : memref<128x64xf32, #tpu.memory_space<vmem>>) dst(%dma_wait3A_216 : memref<10240x64xf32, #tpu.memory_space<vmem_shared>>)
        } else {
        }
        %eq3A_150 = arith.constant 2 : i32
        %eq3A_151 = arith.cmpi eq, %add3A_114, %eq3A_150 : i32
        %add3A_152 = arith.constant 1 : i32
        %add3A_153 = arith.addi %add3A_94, %add3A_152 : i32
        %lt3A_154 = arith.constant 6 : i32
        %lt3A_155 = arith.cmpi slt, %add3A_153, %lt3A_154 : i32
        %and3A_156 = arith.andi %eq3A_151, %lt3A_155 : i1
        %convert_element_type3A_157 = arith.extui %and3A_156 : i1 to i32
        %cond3A_158 = arith.constant 0 : i32
        %cond3A_159 = arith.cmpi ne, %convert_element_type3A_157, %cond3A_158 : i32
        scf.if %cond3A_159 {
          %add3A_187 = arith.constant 1 : i32
          %add3A_188 = arith.addi %add3A_94, %add3A_187 : i32
          %mul3A_189 = arith.constant 13 : i32
          %mul3A_190 = arith.muli %add3A_188, %mul3A_189 : i32
          %add3A_191 = arith.addi %mul3A_2, %mul3A_190 : i32
          %add3A_192 = arith.constant 1 : i32
          %add3A_193 = arith.addi %add3A_94, %add3A_192 : i32
          %jit3A_194 = arith.constant 2 : i32
          %eq3A_195 = arith.constant 0 : i32
          %eq3A_196 = arith.cmpi eq, %jit3A_194, %eq3A_195 : i32
          %jit3A_197 = arith.constant 1 : i32
          %select_n3A_198 = arith.select %eq3A_196, %jit3A_197, %jit3A_194 : i32
          %rem3A_199 = arith.remsi %add3A_193, %select_n3A_198 : i32
          %ne3A_200 = arith.constant 0 : i32
          %ne3A_201 = arith.cmpi ne, %rem3A_199, %ne3A_200 : i32
          %lt3A_202 = arith.constant 0 : i32
          %lt3A_203 = arith.cmpi slt, %rem3A_199, %lt3A_202 : i32
          %lt3A_204 = arith.constant 0 : i32
          %lt3A_205 = arith.cmpi slt, %select_n3A_198, %lt3A_204 : i32
          %ne3A_206 = arith.xori %lt3A_203, %lt3A_205 : i1
          %and3A_207 = arith.andi %ne3A_206, %ne3A_201 : i1
          %add3A_208 = arith.addi %rem3A_199, %select_n3A_198 : i32
          %select_n3A_209 = arith.select %and3A_207, %add3A_208, %rem3A_199 : i32
          %dma_start3A_210 = arith.constant 0 : i32
          %dma_start3A_211 = arith.constant 0 : i32
          %dma_start3A_212 = arith.constant 0 : i32
          %dma_start3A_213 = tpu.memref_slice %arg5[%select_n3A_209, %dma_start3A_211, %dma_start3A_212] : memref<2x13x128xi32, #tpu.memory_space<vmem>> -> memref<1x13x128xi32, #tpu.memory_space<vmem>>
          %dma_start3A_214 = tpu.memref_squeeze %dma_start3A_213 : memref<1x13x128xi32, #tpu.memory_space<vmem>> -> memref<13x128xi32, #tpu.memory_space<vmem>>
          %dma_start3A_215 = arith.constant 0 : i32
          %dma_start3A_216 = tpu.memref_slice %arg3[%dma_start3A_210, %add3A_191, %dma_start3A_215] : memref<2x2500x128xi32, #tpu.memory_space<hbm>> -> memref<1x13x128xi32, #tpu.memory_space<hbm>>
          %dma_start3A_217 = tpu.memref_squeeze %dma_start3A_216 : memref<1x13x128xi32, #tpu.memory_space<hbm>> -> memref<13x128xi32, #tpu.memory_space<hbm>>
          %dma_start3A_218 = arith.constant 0 : i32
          %dma_start3A_219 = arith.constant 0 : i32
          %dma_start3A_220 = tpu.memref_slice %arg5[%select_n3A_209, %dma_start3A_218, %dma_start3A_219] : memref<2x13x128xi32, #tpu.memory_space<vmem>> -> memref<1x13x128xi32, #tpu.memory_space<vmem>>
          %dma_start3A_221 = tpu.memref_squeeze %dma_start3A_220 : memref<1x13x128xi32, #tpu.memory_space<vmem>> -> memref<13x128xi32, #tpu.memory_space<vmem>>
          %dma_start3A_222 = arith.constant 0 : i32
          %dma_start3A_223 = tpu.memref_slice %arg3[%dma_start3A_210, %add3A_191, %dma_start3A_222] : memref<2x2500x128xi32, #tpu.memory_space<hbm>> -> memref<1x13x128xi32, #tpu.memory_space<hbm>>
          %dma_start3A_224 = tpu.memref_squeeze %dma_start3A_223 : memref<1x13x128xi32, #tpu.memory_space<hbm>> -> memref<13x128xi32, #tpu.memory_space<hbm>>
          tpu.enqueue_dma source(%dma_start3A_224 : memref<13x128xi32, #tpu.memory_space<hbm>>) target(%dma_start3A_221 : memref<13x128xi32, #tpu.memory_space<vmem>>) target_semaphore(%arg12 : memref<!tpu.dma_semaphore, #tpu.memory_space<semaphore_mem>>)
          %add3A_225 = arith.constant 1 : i32
          %add3A_226 = arith.addi %add3A_94, %add3A_225 : i32
          %mul3A_227 = arith.constant 13 : i32
          %mul3A_228 = arith.muli %add3A_226, %mul3A_227 : i32
          %add3A_229 = arith.addi %mul3A_2, %mul3A_228 : i32
          %add3A_230 = arith.constant 1 : i32
          %add3A_231 = arith.addi %add3A_94, %add3A_230 : i32
          %jit3A_232 = arith.constant 2 : i32
          %eq3A_233 = arith.constant 0 : i32
          %eq3A_234 = arith.cmpi eq, %jit3A_232, %eq3A_233 : i32
          %jit3A_235 = arith.constant 1 : i32
          %select_n3A_236 = arith.select %eq3A_234, %jit3A_235, %jit3A_232 : i32
          %rem3A_237 = arith.remsi %add3A_231, %select_n3A_236 : i32
          %ne3A_238 = arith.constant 0 : i32
          %ne3A_239 = arith.cmpi ne, %rem3A_237, %ne3A_238 : i32
          %lt3A_240 = arith.constant 0 : i32
          %lt3A_241 = arith.cmpi slt, %rem3A_237, %lt3A_240 : i32
          %lt3A_242 = arith.constant 0 : i32
          %lt3A_243 = arith.cmpi slt, %select_n3A_236, %lt3A_242 : i32
          %ne3A_244 = arith.xori %lt3A_241, %lt3A_243 : i1
          %and3A_245 = arith.andi %ne3A_244, %ne3A_239 : i1
          %add3A_246 = arith.addi %rem3A_237, %select_n3A_236 : i32
          %select_n3A_247 = arith.select %and3A_245, %add3A_246, %rem3A_237 : i32
          %dma_start3A_248 = arith.constant 1 : i32
          %dma_start3A_249 = arith.constant 0 : i32
          %dma_start3A_250 = arith.constant 0 : i32
          %dma_start3A_251 = tpu.memref_slice %arg6[%select_n3A_247, %dma_start3A_249, %dma_start3A_250] : memref<2x13x128xi32, #tpu.memory_space<vmem>> -> memref<1x13x128xi32, #tpu.memory_space<vmem>>
          %dma_start3A_252 = tpu.memref_squeeze %dma_start3A_251 : memref<1x13x128xi32, #tpu.memory_space<vmem>> -> memref<13x128xi32, #tpu.memory_space<vmem>>
          %dma_start3A_253 = arith.constant 0 : i32
          %dma_start3A_254 = tpu.memref_slice %arg3[%dma_start3A_248, %add3A_229, %dma_start3A_253] : memref<2x2500x128xi32, #tpu.memory_space<hbm>> -> memref<1x13x128xi32, #tpu.memory_space<hbm>>
          %dma_start3A_255 = tpu.memref_squeeze %dma_start3A_254 : memref<1x13x128xi32, #tpu.memory_space<hbm>> -> memref<13x128xi32, #tpu.memory_space<hbm>>
          %dma_start3A_256 = arith.constant 0 : i32
          %dma_start3A_257 = arith.constant 0 : i32
          %dma_start3A_258 = tpu.memref_slice %arg6[%select_n3A_247, %dma_start3A_256, %dma_start3A_257] : memref<2x13x128xi32, #tpu.memory_space<vmem>> -> memref<1x13x128xi32, #tpu.memory_space<vmem>>
          %dma_start3A_259 = tpu.memref_squeeze %dma_start3A_258 : memref<1x13x128xi32, #tpu.memory_space<vmem>> -> memref<13x128xi32, #tpu.memory_space<vmem>>
          %dma_start3A_260 = arith.constant 0 : i32
          %dma_start3A_261 = tpu.memref_slice %arg3[%dma_start3A_248, %add3A_229, %dma_start3A_260] : memref<2x2500x128xi32, #tpu.memory_space<hbm>> -> memref<1x13x128xi32, #tpu.memory_space<hbm>>
          %dma_start3A_262 = tpu.memref_squeeze %dma_start3A_261 : memref<1x13x128xi32, #tpu.memory_space<hbm>> -> memref<13x128xi32, #tpu.memory_space<hbm>>
          tpu.enqueue_dma source(%dma_start3A_262 : memref<13x128xi32, #tpu.memory_space<hbm>>) target(%dma_start3A_259 : memref<13x128xi32, #tpu.memory_space<vmem>>) target_semaphore(%arg12 : memref<!tpu.dma_semaphore, #tpu.memory_space<semaphore_mem>>)
        } else {
        }
        %eq3A_160 = arith.constant 11 : i32
        %eq3A_161 = arith.cmpi eq, %add3A_114, %eq3A_160 : i32
        %add3A_162 = arith.constant 1 : i32
        %add3A_163 = arith.addi %add3A_94, %add3A_162 : i32
        %lt3A_164 = arith.constant 6 : i32
        %lt3A_165 = arith.cmpi slt, %add3A_163, %lt3A_164 : i32
        %and3A_166 = arith.andi %eq3A_161, %lt3A_165 : i1
        %convert_element_type3A_167 = arith.extui %and3A_166 : i1 to i32
        %cond3A_168 = arith.constant 0 : i32
        %cond3A_169 = arith.cmpi ne, %convert_element_type3A_167, %cond3A_168 : i32
        scf.if %cond3A_169 {
          %dma_wait3A_187 = arith.constant 0 : i32
          %dma_wait3A_188 = arith.constant 0 : i32
          %dma_wait3A_189 = arith.constant 0 : i32
          %dma_wait3A_190 = arith.constant 0 : i32
          %dma_wait3A_191 = tpu.memref_slice %arg5[%dma_wait3A_188, %dma_wait3A_189, %dma_wait3A_190] : memref<2x13x128xi32, #tpu.memory_space<vmem>> -> memref<1x13x128xi32, #tpu.memory_space<vmem>>
          %dma_wait3A_192 = tpu.memref_squeeze %dma_wait3A_191 : memref<1x13x128xi32, #tpu.memory_space<vmem>> -> memref<13x128xi32, #tpu.memory_space<vmem>>
          %dma_wait3A_193 = arith.constant 0 : i32
          %dma_wait3A_194 = arith.constant 0 : i32
          %dma_wait3A_195 = tpu.memref_slice %arg3[%dma_wait3A_187, %dma_wait3A_193, %dma_wait3A_194] : memref<2x2500x128xi32, #tpu.memory_space<hbm>> -> memref<1x13x128xi32, #tpu.memory_space<hbm>>
          %dma_wait3A_196 = tpu.memref_squeeze %dma_wait3A_195 : memref<1x13x128xi32, #tpu.memory_space<hbm>> -> memref<13x128xi32, #tpu.memory_space<hbm>>
          %dma_wait3A_197 = arith.constant 0 : i32
          %dma_wait3A_198 = arith.constant 0 : i32
          %dma_wait3A_199 = tpu.memref_slice %arg5[%dma_wait3A_188, %dma_wait3A_197, %dma_wait3A_198] : memref<2x13x128xi32, #tpu.memory_space<vmem>> -> memref<1x13x128xi32, #tpu.memory_space<vmem>>
          %dma_wait3A_200 = tpu.memref_squeeze %dma_wait3A_199 : memref<1x13x128xi32, #tpu.memory_space<vmem>> -> memref<13x128xi32, #tpu.memory_space<vmem>>
          %dma_wait3A_201 = arith.constant 0 : i32
          %dma_wait3A_202 = arith.constant 0 : i32
          %dma_wait3A_203 = tpu.memref_slice %arg3[%dma_wait3A_187, %dma_wait3A_201, %dma_wait3A_202] : memref<2x2500x128xi32, #tpu.memory_space<hbm>> -> memref<1x13x128xi32, #tpu.memory_space<hbm>>
          %dma_wait3A_204 = tpu.memref_squeeze %dma_wait3A_203 : memref<1x13x128xi32, #tpu.memory_space<hbm>> -> memref<13x128xi32, #tpu.memory_space<hbm>>
          tpu.wait_dma2 semaphore(%arg12 : memref<!tpu.dma_semaphore, #tpu.memory_space<semaphore_mem>>) src(%dma_wait3A_204 : memref<13x128xi32, #tpu.memory_space<hbm>>) dst(%dma_wait3A_200 : memref<13x128xi32, #tpu.memory_space<vmem>>)
          %dma_wait3A_205 = arith.constant 1 : i32
          %dma_wait3A_206 = arith.constant 0 : i32
          %dma_wait3A_207 = arith.constant 0 : i32
          %dma_wait3A_208 = arith.constant 0 : i32
          %dma_wait3A_209 = tpu.memref_slice %arg6[%dma_wait3A_206, %dma_wait3A_207, %dma_wait3A_208] : memref<2x13x128xi32, #tpu.memory_space<vmem>> -> memref<1x13x128xi32, #tpu.memory_space<vmem>>
          %dma_wait3A_210 = tpu.memref_squeeze %dma_wait3A_209 : memref<1x13x128xi32, #tpu.memory_space<vmem>> -> memref<13x128xi32, #tpu.memory_space<vmem>>
          %dma_wait3A_211 = arith.constant 0 : i32
          %dma_wait3A_212 = arith.constant 0 : i32
          %dma_wait3A_213 = tpu.memref_slice %arg3[%dma_wait3A_205, %dma_wait3A_211, %dma_wait3A_212] : memref<2x2500x128xi32, #tpu.memory_space<hbm>> -> memref<1x13x128xi32, #tpu.memory_space<hbm>>
          %dma_wait3A_214 = tpu.memref_squeeze %dma_wait3A_213 : memref<1x13x128xi32, #tpu.memory_space<hbm>> -> memref<13x128xi32, #tpu.memory_space<hbm>>
          %dma_wait3A_215 = arith.constant 0 : i32
          %dma_wait3A_216 = arith.constant 0 : i32
          %dma_wait3A_217 = tpu.memref_slice %arg6[%dma_wait3A_206, %dma_wait3A_215, %dma_wait3A_216] : memref<2x13x128xi32, #tpu.memory_space<vmem>> -> memref<1x13x128xi32, #tpu.memory_space<vmem>>
          %dma_wait3A_218 = tpu.memref_squeeze %dma_wait3A_217 : memref<1x13x128xi32, #tpu.memory_space<vmem>> -> memref<13x128xi32, #tpu.memory_space<vmem>>
          %dma_wait3A_219 = arith.constant 0 : i32
          %dma_wait3A_220 = arith.constant 0 : i32
          %dma_wait3A_221 = tpu.memref_slice %arg3[%dma_wait3A_205, %dma_wait3A_219, %dma_wait3A_220] : memref<2x2500x128xi32, #tpu.memory_space<hbm>> -> memref<1x13x128xi32, #tpu.memory_space<hbm>>
          %dma_wait3A_222 = tpu.memref_squeeze %dma_wait3A_221 : memref<1x13x128xi32, #tpu.memory_space<hbm>> -> memref<13x128xi32, #tpu.memory_space<hbm>>
          tpu.wait_dma2 semaphore(%arg12 : memref<!tpu.dma_semaphore, #tpu.memory_space<semaphore_mem>>) src(%dma_wait3A_222 : memref<13x128xi32, #tpu.memory_space<hbm>>) dst(%dma_wait3A_218 : memref<13x128xi32, #tpu.memory_space<vmem>>)
        } else {
        }
        %add3A_170 = arith.constant 2 : i32
        %add3A_171 = arith.addi %add3A_117, %add3A_170 : i32
        %lt3A_172 = arith.constant 78 : i32
        %lt3A_173 = arith.cmpi slt, %add3A_171, %lt3A_172 : i32
        %convert_element_type3A_174 = arith.extui %lt3A_173 : i1 to i32
        %cond3A_175 = arith.constant 0 : i32
        %cond3A_176 = arith.cmpi ne, %convert_element_type3A_174, %cond3A_175 : i32
        scf.if %cond3A_176 {
          %add3A_187 = arith.constant 2 : i32
          %add3A_188 = arith.addi %add3A_117, %add3A_187 : i32
          %jit3A_189 = arith.constant 13 : i32
          %eq3A_190 = arith.constant 0 : i32
          %eq3A_191 = arith.cmpi eq, %jit3A_189, %eq3A_190 : i32
          %jit3A_192 = arith.constant 1 : i32
          %select_n3A_193 = arith.select %eq3A_191, %jit3A_192, %jit3A_189 : i32
          %rem3A_194 = arith.remsi %add3A_188, %select_n3A_193 : i32
          %ne3A_195 = arith.constant 0 : i32
          %ne3A_196 = arith.cmpi ne, %rem3A_194, %ne3A_195 : i32
          %lt3A_197 = arith.constant 0 : i32
          %lt3A_198 = arith.cmpi slt, %rem3A_194, %lt3A_197 : i32
          %lt3A_199 = arith.constant 0 : i32
          %lt3A_200 = arith.cmpi slt, %select_n3A_193, %lt3A_199 : i32
          %ne3A_201 = arith.xori %lt3A_198, %lt3A_200 : i1
          %and3A_202 = arith.andi %ne3A_201, %ne3A_196 : i1
          %add3A_203 = arith.addi %rem3A_194, %select_n3A_193 : i32
          %select_n3A_204 = arith.select %and3A_202, %add3A_203, %rem3A_194 : i32
          %ge3A_205 = arith.constant 11 : i32
          %ge3A_206 = arith.cmpi sge, %add3A_114, %ge3A_205 : i32
          %sub3A = arith.constant 1 : i32
          %sub3A_207 = arith.subi %sub3A, %select_n3A_104 : i32
          %select_n3A_208 = arith.select %ge3A_206, %sub3A_207, %select_n3A_104 : i32
          %add3A_209 = arith.constant 2 : i32
          %add3A_210 = arith.addi %add3A_117, %add3A_209 : i32
          %jit3A_211 = arith.constant 4 : i32
          %eq3A_212 = arith.constant 0 : i32
          %eq3A_213 = arith.cmpi eq, %jit3A_211, %eq3A_212 : i32
          %jit3A_214 = arith.constant 1 : i32
          %select_n3A_215 = arith.select %eq3A_213, %jit3A_214, %jit3A_211 : i32
          %rem3A_216 = arith.remsi %add3A_210, %select_n3A_215 : i32
          %ne3A_217 = arith.constant 0 : i32
          %ne3A_218 = arith.cmpi ne, %rem3A_216, %ne3A_217 : i32
          %lt3A_219 = arith.constant 0 : i32
          %lt3A_220 = arith.cmpi slt, %rem3A_216, %lt3A_219 : i32
          %lt3A_221 = arith.constant 0 : i32
          %lt3A_222 = arith.cmpi slt, %select_n3A_215, %lt3A_221 : i32
          %ne3A_223 = arith.xori %lt3A_220, %lt3A_222 : i1
          %and3A_224 = arith.andi %ne3A_223, %ne3A_218 : i1
          %add3A_225 = arith.addi %rem3A_216, %select_n3A_215 : i32
          %select_n3A_226 = arith.select %and3A_224, %add3A_225, %rem3A_216 : i32
          %dma_start3A_227 = arith.constant 0 : i32
          %dma_start3A_228 = arith.constant 0 : i32
          %dma_start3A_229 = tpu.memref_slice %arg7[%select_n3A_226, %dma_start3A_227, %dma_start3A_228] : memref<4x128x64xf32, #tpu.memory_space<vmem>> -> memref<1x128x64xf32, #tpu.memory_space<vmem>>
          %dma_start3A_230 = tpu.memref_squeeze %dma_start3A_229 : memref<1x128x64xf32, #tpu.memory_space<vmem>> -> memref<128x64xf32, #tpu.memory_space<vmem>>
          %dma_start3A_231 = arith.constant 0 : i32
          %dma_start3A_232 = tpu.memref_slice %arg5[%select_n3A_208, %select_n3A_204, %dma_start3A_231] : memref<2x13x128xi32, #tpu.memory_space<vmem>> -> memref<1x1x128xi32, #tpu.memory_space<vmem>>
          %dma_start3A_233 = tpu.memref_squeeze %dma_start3A_232 : memref<1x1x128xi32, #tpu.memory_space<vmem>> -> memref<128xi32, #tpu.memory_space<vmem>>
          %dma_start3A_234 = arith.constant 0 : i32
          %dma_start3A_235 = arith.constant 0 : i32
          %dma_start3A_236 = tpu.memref_slice %arg8[%dma_start3A_234, %dma_start3A_235] : memref<10240x64xf32, #tpu.memory_space<vmem_shared>> -> memref<10240x64xf32, #tpu.memory_space<vmem_shared>>
          tpu.enqueue_indirect_dma source(%dma_start3A_236 : memref<10240x64xf32, #tpu.memory_space<vmem_shared>>) target(%dma_start3A_230 : memref<128x64xf32, #tpu.memory_space<vmem>>) offsets(%dma_start3A_233 : memref<128xi32, #tpu.memory_space<vmem>>) semaphore(%arg10 : memref<!tpu.dma_semaphore, #tpu.memory_space<semaphore_mem>>)
        } else {
        }
        %dma_start3A_177 = arith.constant 0 : i32
        %dma_start3A_178 = arith.constant 0 : i32
        %dma_start3A_179 = tpu.memref_slice %arg7[%select_n3A_133, %dma_start3A_177, %dma_start3A_178] : memref<4x128x64xf32, #tpu.memory_space<vmem>> -> memref<1x128x64xf32, #tpu.memory_space<vmem>>
        %dma_start3A_180 = tpu.memref_squeeze %dma_start3A_179 : memref<1x128x64xf32, #tpu.memory_space<vmem>> -> memref<128x64xf32, #tpu.memory_space<vmem>>
        %dma_start3A_181 = arith.constant 0 : i32
        %dma_start3A_182 = tpu.memref_slice %arg6[%select_n3A_104, %add3A_114, %dma_start3A_181] : memref<2x13x128xi32, #tpu.memory_space<vmem>> -> memref<1x1x128xi32, #tpu.memory_space<vmem>>
        %dma_start3A_183 = tpu.memref_squeeze %dma_start3A_182 : memref<1x1x128xi32, #tpu.memory_space<vmem>> -> memref<128xi32, #tpu.memory_space<vmem>>
        %dma_start3A_184 = arith.constant 0 : i32
        %dma_start3A_185 = arith.constant 0 : i32
        %dma_start3A_186 = tpu.memref_slice %arg9[%dma_start3A_184, %dma_start3A_185] : memref<10240x64xf32, #tpu.memory_space<vmem_shared>> -> memref<10240x64xf32, #tpu.memory_space<vmem_shared>>
        tpu.enqueue_indirect_dma source(%dma_start3A_180 : memref<128x64xf32, #tpu.memory_space<vmem>>) target(%dma_start3A_186 : memref<10240x64xf32, #tpu.memory_space<vmem_shared>>) offsets(%dma_start3A_183 : memref<128xi32, #tpu.memory_space<vmem>>) semaphore(%arg11 : memref<!tpu.dma_semaphore, #tpu.memory_space<semaphore_mem>>) {add = true}
      }
      %scan3A_109 = arith.constant 13 : i32
    }
    %scan3A_59 = arith.constant 6 : i32
    %dma_wait3A = arith.constant 0 : i32
    %dma_wait3A_60 = arith.constant 0 : i32
    %dma_wait3A_61 = arith.constant 0 : i32
    %dma_wait3A_62 = arith.constant 0 : i32
    %dma_wait3A_63 = arith.constant 0 : i32
    %dma_wait3A_64 = tpu.memref_slice %arg7[%dma_wait3A, %dma_wait3A_62, %dma_wait3A_63] : memref<4x128x64xf32, #tpu.memory_space<vmem>> -> memref<1x128x64xf32, #tpu.memory_space<vmem>>
    %dma_wait3A_65 = tpu.memref_squeeze %dma_wait3A_64 : memref<1x128x64xf32, #tpu.memory_space<vmem>> -> memref<128x64xf32, #tpu.memory_space<vmem>>
    %dma_wait3A_66 = arith.constant 0 : i32
    %dma_wait3A_67 = tpu.memref_slice %arg6[%dma_wait3A_60, %dma_wait3A_61, %dma_wait3A_66] : memref<2x13x128xi32, #tpu.memory_space<vmem>> -> memref<1x1x128xi32, #tpu.memory_space<vmem>>
    %dma_wait3A_68 = tpu.memref_squeeze %dma_wait3A_67 : memref<1x1x128xi32, #tpu.memory_space<vmem>> -> memref<128xi32, #tpu.memory_space<vmem>>
    %dma_wait3A_69 = arith.constant 0 : i32
    %dma_wait3A_70 = arith.constant 0 : i32
    %dma_wait3A_71 = tpu.memref_slice %arg9[%dma_wait3A_69, %dma_wait3A_70] : memref<10240x64xf32, #tpu.memory_space<vmem_shared>> -> memref<10240x64xf32, #tpu.memory_space<vmem_shared>>
    tpu.wait_indirect_dma semaphore(%arg11 : memref<!tpu.dma_semaphore, #tpu.memory_space<semaphore_mem>>) src(%dma_wait3A_65 : memref<128x64xf32, #tpu.memory_space<vmem>>) dst(%dma_wait3A_71 : memref<10240x64xf32, #tpu.memory_space<vmem_shared>>)
    %dma_wait3A_72 = arith.constant 1 : i32
    %dma_wait3A_73 = arith.constant 0 : i32
    %dma_wait3A_74 = arith.constant 0 : i32
    %dma_wait3A_75 = arith.constant 0 : i32
    %dma_wait3A_76 = arith.constant 0 : i32
    %dma_wait3A_77 = tpu.memref_slice %arg7[%dma_wait3A_72, %dma_wait3A_75, %dma_wait3A_76] : memref<4x128x64xf32, #tpu.memory_space<vmem>> -> memref<1x128x64xf32, #tpu.memory_space<vmem>>
    %dma_wait3A_78 = tpu.memref_squeeze %dma_wait3A_77 : memref<1x128x64xf32, #tpu.memory_space<vmem>> -> memref<128x64xf32, #tpu.memory_space<vmem>>
    %dma_wait3A_79 = arith.constant 0 : i32
    %dma_wait3A_80 = tpu.memref_slice %arg6[%dma_wait3A_73, %dma_wait3A_74, %dma_wait3A_79] : memref<2x13x128xi32, #tpu.memory_space<vmem>> -> memref<1x1x128xi32, #tpu.memory_space<vmem>>
    %dma_wait3A_81 = tpu.memref_squeeze %dma_wait3A_80 : memref<1x1x128xi32, #tpu.memory_space<vmem>> -> memref<128xi32, #tpu.memory_space<vmem>>
    %dma_wait3A_82 = arith.constant 0 : i32
    %dma_wait3A_83 = arith.constant 0 : i32
    %dma_wait3A_84 = tpu.memref_slice %arg9[%dma_wait3A_82, %dma_wait3A_83] : memref<10240x64xf32, #tpu.memory_space<vmem_shared>> -> memref<10240x64xf32, #tpu.memory_space<vmem_shared>>
    tpu.wait_indirect_dma semaphore(%arg11 : memref<!tpu.dma_semaphore, #tpu.memory_space<semaphore_mem>>) src(%dma_wait3A_78 : memref<128x64xf32, #tpu.memory_space<vmem>>) dst(%dma_wait3A_84 : memref<10240x64xf32, #tpu.memory_space<vmem_shared>>)
    %lt3A = arith.constant 4 : i32
    %lt3A_85 = arith.cmpi slt, %add3A, %lt3A : i32
    %convert_element_type3A = arith.extui %lt3A_85 : i1 to i32
    %cond3A = arith.constant 0 : i32
    %cond3A_86 = arith.cmpi ne, %convert_element_type3A, %cond3A : i32
    scf.if %cond3A_86 {
      %add3A_90 = arith.constant 2496 : i32
      %add3A_91 = arith.addi %add3A_90, %add3A : i32
      %run_scoped3A_92 = arith.constant 0 : i32
      %run_scoped3A_93 = arith.constant 0 : i32
      "tpu.region"() ({
        %run_scoped3A_150 = tpu.sem_alloc : memref<!tpu.dma_semaphore, #tpu.memory_space<semaphore_mem>>
        %dma_start3A_151 = arith.constant 0 : i32
        %dma_start3A_152 = arith.constant 0 : i32
        %dma_start3A_153 = tpu.memref_slice %arg5[%run_scoped3A_93, %dma_start3A_151, %dma_start3A_152] : memref<2x13x128xi32, #tpu.memory_space<vmem>> -> memref<1x1x128xi32, #tpu.memory_space<vmem>>
        %dma_start3A_154 = tpu.memref_squeeze %dma_start3A_153 : memref<1x1x128xi32, #tpu.memory_space<vmem>> -> memref<1x128xi32, #tpu.memory_space<vmem>>
        %dma_start3A_155 = arith.constant 0 : i32
        %dma_start3A_156 = tpu.memref_slice %arg3[%run_scoped3A_92, %add3A_91, %dma_start3A_155] : memref<2x2500x128xi32, #tpu.memory_space<hbm>> -> memref<1x1x128xi32, #tpu.memory_space<hbm>>
        %dma_start3A_157 = tpu.memref_squeeze %dma_start3A_156 : memref<1x1x128xi32, #tpu.memory_space<hbm>> -> memref<1x128xi32, #tpu.memory_space<hbm>>
        %dma_start3A_158 = arith.constant 0 : i32
        %dma_start3A_159 = arith.constant 0 : i32
        %dma_start3A_160 = tpu.memref_slice %arg5[%run_scoped3A_93, %dma_start3A_158, %dma_start3A_159] : memref<2x13x128xi32, #tpu.memory_space<vmem>> -> memref<1x1x128xi32, #tpu.memory_space<vmem>>
        %dma_start3A_161 = tpu.memref_squeeze %dma_start3A_160 : memref<1x1x128xi32, #tpu.memory_space<vmem>> -> memref<1x128xi32, #tpu.memory_space<vmem>>
        %dma_start3A_162 = arith.constant 0 : i32
        %dma_start3A_163 = tpu.memref_slice %arg3[%run_scoped3A_92, %add3A_91, %dma_start3A_162] : memref<2x2500x128xi32, #tpu.memory_space<hbm>> -> memref<1x1x128xi32, #tpu.memory_space<hbm>>
        %dma_start3A_164 = tpu.memref_squeeze %dma_start3A_163 : memref<1x1x128xi32, #tpu.memory_space<hbm>> -> memref<1x128xi32, #tpu.memory_space<hbm>>
        tpu.enqueue_dma source(%dma_start3A_164 : memref<1x128xi32, #tpu.memory_space<hbm>>) target(%dma_start3A_161 : memref<1x128xi32, #tpu.memory_space<vmem>>) target_semaphore(%run_scoped3A_150 : memref<!tpu.dma_semaphore, #tpu.memory_space<semaphore_mem>>)
        %dma_wait3A_165 = arith.constant 0 : i32
        %dma_wait3A_166 = arith.constant 0 : i32
        %dma_wait3A_167 = tpu.memref_slice %arg5[%run_scoped3A_93, %dma_wait3A_165, %dma_wait3A_166] : memref<2x13x128xi32, #tpu.memory_space<vmem>> -> memref<1x1x128xi32, #tpu.memory_space<vmem>>
        %dma_wait3A_168 = tpu.memref_squeeze %dma_wait3A_167 : memref<1x1x128xi32, #tpu.memory_space<vmem>> -> memref<1x128xi32, #tpu.memory_space<vmem>>
        %dma_wait3A_169 = arith.constant 0 : i32
        %dma_wait3A_170 = tpu.memref_slice %arg3[%run_scoped3A_92, %add3A_91, %dma_wait3A_169] : memref<2x2500x128xi32, #tpu.memory_space<hbm>> -> memref<1x1x128xi32, #tpu.memory_space<hbm>>
        %dma_wait3A_171 = tpu.memref_squeeze %dma_wait3A_170 : memref<1x1x128xi32, #tpu.memory_space<hbm>> -> memref<1x128xi32, #tpu.memory_space<hbm>>
        %dma_wait3A_172 = arith.constant 0 : i32
        %dma_wait3A_173 = arith.constant 0 : i32
        %dma_wait3A_174 = tpu.memref_slice %arg5[%run_scoped3A_93, %dma_wait3A_172, %dma_wait3A_173] : memref<2x13x128xi32, #tpu.memory_space<vmem>> -> memref<1x1x128xi32, #tpu.memory_space<vmem>>
        %dma_wait3A_175 = tpu.memref_squeeze %dma_wait3A_174 : memref<1x1x128xi32, #tpu.memory_space<vmem>> -> memref<1x128xi32, #tpu.memory_space<vmem>>
        %dma_wait3A_176 = arith.constant 0 : i32
        %dma_wait3A_177 = tpu.memref_slice %arg3[%run_scoped3A_92, %add3A_91, %dma_wait3A_176] : memref<2x2500x128xi32, #tpu.memory_space<hbm>> -> memref<1x1x128xi32, #tpu.memory_space<hbm>>
        %dma_wait3A_178 = tpu.memref_squeeze %dma_wait3A_177 : memref<1x1x128xi32, #tpu.memory_space<hbm>> -> memref<1x128xi32, #tpu.memory_space<hbm>>
        tpu.wait_dma2 semaphore(%run_scoped3A_150 : memref<!tpu.dma_semaphore, #tpu.memory_space<semaphore_mem>>) src(%dma_wait3A_178 : memref<1x128xi32, #tpu.memory_space<hbm>>) dst(%dma_wait3A_175 : memref<1x128xi32, #tpu.memory_space<vmem>>)
        tpu.yield
      }) : () -> ()
      %add3A_94 = arith.constant 2496 : i32
      %add3A_95 = arith.addi %add3A_94, %add3A : i32
      %run_scoped3A_96 = arith.constant 1 : i32
      %run_scoped3A_97 = arith.constant 0 : i32
      "tpu.region"() ({
        %run_scoped3A_150 = tpu.sem_alloc : memref<!tpu.dma_semaphore, #tpu.memory_space<semaphore_mem>>
        %dma_start3A_151 = arith.constant 0 : i32
        %dma_start3A_152 = arith.constant 0 : i32
        %dma_start3A_153 = tpu.memref_slice %arg6[%run_scoped3A_97, %dma_start3A_151, %dma_start3A_152] : memref<2x13x128xi32, #tpu.memory_space<vmem>> -> memref<1x1x128xi32, #tpu.memory_space<vmem>>
        %dma_start3A_154 = tpu.memref_squeeze %dma_start3A_153 : memref<1x1x128xi32, #tpu.memory_space<vmem>> -> memref<1x128xi32, #tpu.memory_space<vmem>>
        %dma_start3A_155 = arith.constant 0 : i32
        %dma_start3A_156 = tpu.memref_slice %arg3[%run_scoped3A_96, %add3A_95, %dma_start3A_155] : memref<2x2500x128xi32, #tpu.memory_space<hbm>> -> memref<1x1x128xi32, #tpu.memory_space<hbm>>
        %dma_start3A_157 = tpu.memref_squeeze %dma_start3A_156 : memref<1x1x128xi32, #tpu.memory_space<hbm>> -> memref<1x128xi32, #tpu.memory_space<hbm>>
        %dma_start3A_158 = arith.constant 0 : i32
        %dma_start3A_159 = arith.constant 0 : i32
        %dma_start3A_160 = tpu.memref_slice %arg6[%run_scoped3A_97, %dma_start3A_158, %dma_start3A_159] : memref<2x13x128xi32, #tpu.memory_space<vmem>> -> memref<1x1x128xi32, #tpu.memory_space<vmem>>
        %dma_start3A_161 = tpu.memref_squeeze %dma_start3A_160 : memref<1x1x128xi32, #tpu.memory_space<vmem>> -> memref<1x128xi32, #tpu.memory_space<vmem>>
        %dma_start3A_162 = arith.constant 0 : i32
        %dma_start3A_163 = tpu.memref_slice %arg3[%run_scoped3A_96, %add3A_95, %dma_start3A_162] : memref<2x2500x128xi32, #tpu.memory_space<hbm>> -> memref<1x1x128xi32, #tpu.memory_space<hbm>>
        %dma_start3A_164 = tpu.memref_squeeze %dma_start3A_163 : memref<1x1x128xi32, #tpu.memory_space<hbm>> -> memref<1x128xi32, #tpu.memory_space<hbm>>
        tpu.enqueue_dma source(%dma_start3A_164 : memref<1x128xi32, #tpu.memory_space<hbm>>) target(%dma_start3A_161 : memref<1x128xi32, #tpu.memory_space<vmem>>) target_semaphore(%run_scoped3A_150 : memref<!tpu.dma_semaphore, #tpu.memory_space<semaphore_mem>>)
        %dma_wait3A_165 = arith.constant 0 : i32
        %dma_wait3A_166 = arith.constant 0 : i32
        %dma_wait3A_167 = tpu.memref_slice %arg6[%run_scoped3A_97, %dma_wait3A_165, %dma_wait3A_166] : memref<2x13x128xi32, #tpu.memory_space<vmem>> -> memref<1x1x128xi32, #tpu.memory_space<vmem>>
        %dma_wait3A_168 = tpu.memref_squeeze %dma_wait3A_167 : memref<1x1x128xi32, #tpu.memory_space<vmem>> -> memref<1x128xi32, #tpu.memory_space<vmem>>
        %dma_wait3A_169 = arith.constant 0 : i32
        %dma_wait3A_170 = tpu.memref_slice %arg3[%run_scoped3A_96, %add3A_95, %dma_wait3A_169] : memref<2x2500x128xi32, #tpu.memory_space<hbm>> -> memref<1x1x128xi32, #tpu.memory_space<hbm>>
        %dma_wait3A_171 = tpu.memref_squeeze %dma_wait3A_170 : memref<1x1x128xi32, #tpu.memory_space<hbm>> -> memref<1x128xi32, #tpu.memory_space<hbm>>
        %dma_wait3A_172 = arith.constant 0 : i32
        %dma_wait3A_173 = arith.constant 0 : i32
        %dma_wait3A_174 = tpu.memref_slice %arg6[%run_scoped3A_97, %dma_wait3A_172, %dma_wait3A_173] : memref<2x13x128xi32, #tpu.memory_space<vmem>> -> memref<1x1x128xi32, #tpu.memory_space<vmem>>
        %dma_wait3A_175 = tpu.memref_squeeze %dma_wait3A_174 : memref<1x1x128xi32, #tpu.memory_space<vmem>> -> memref<1x128xi32, #tpu.memory_space<vmem>>
        %dma_wait3A_176 = arith.constant 0 : i32
        %dma_wait3A_177 = tpu.memref_slice %arg3[%run_scoped3A_96, %add3A_95, %dma_wait3A_176] : memref<2x2500x128xi32, #tpu.memory_space<hbm>> -> memref<1x1x128xi32, #tpu.memory_space<hbm>>
        %dma_wait3A_178 = tpu.memref_squeeze %dma_wait3A_177 : memref<1x1x128xi32, #tpu.memory_space<hbm>> -> memref<1x128xi32, #tpu.memory_space<hbm>>
        tpu.wait_dma2 semaphore(%run_scoped3A_150 : memref<!tpu.dma_semaphore, #tpu.memory_space<semaphore_mem>>) src(%dma_wait3A_178 : memref<1x128xi32, #tpu.memory_space<hbm>>) dst(%dma_wait3A_175 : memref<1x128xi32, #tpu.memory_space<vmem>>)
        tpu.yield
      }) : () -> ()
      %dma_start3A_98 = arith.constant 0 : i32
      %dma_start3A_99 = arith.constant 0 : i32
      %dma_start3A_100 = arith.constant 0 : i32
      %dma_start3A_101 = arith.constant 0 : i32
      %dma_start3A_102 = arith.constant 0 : i32
      %dma_start3A_103 = tpu.memref_slice %arg7[%dma_start3A_100, %dma_start3A_101, %dma_start3A_102] : memref<4x128x64xf32, #tpu.memory_space<vmem>> -> memref<1x128x64xf32, #tpu.memory_space<vmem>>
      %dma_start3A_104 = tpu.memref_squeeze %dma_start3A_103 : memref<1x128x64xf32, #tpu.memory_space<vmem>> -> memref<128x64xf32, #tpu.memory_space<vmem>>
      %dma_start3A_105 = arith.constant 0 : i32
      %dma_start3A_106 = tpu.memref_slice %arg5[%dma_start3A_98, %dma_start3A_99, %dma_start3A_105] : memref<2x13x128xi32, #tpu.memory_space<vmem>> -> memref<1x1x128xi32, #tpu.memory_space<vmem>>
      %dma_start3A_107 = tpu.memref_squeeze %dma_start3A_106 : memref<1x1x128xi32, #tpu.memory_space<vmem>> -> memref<128xi32, #tpu.memory_space<vmem>>
      %dma_start3A_108 = arith.constant 0 : i32
      %dma_start3A_109 = arith.constant 0 : i32
      %dma_start3A_110 = tpu.memref_slice %arg8[%dma_start3A_108, %dma_start3A_109] : memref<10240x64xf32, #tpu.memory_space<vmem_shared>> -> memref<10240x64xf32, #tpu.memory_space<vmem_shared>>
      tpu.enqueue_indirect_dma source(%dma_start3A_110 : memref<10240x64xf32, #tpu.memory_space<vmem_shared>>) target(%dma_start3A_104 : memref<128x64xf32, #tpu.memory_space<vmem>>) offsets(%dma_start3A_107 : memref<128xi32, #tpu.memory_space<vmem>>) semaphore(%arg10 : memref<!tpu.dma_semaphore, #tpu.memory_space<semaphore_mem>>)
      %dma_wait3A_111 = arith.constant 0 : i32
      %dma_wait3A_112 = arith.constant 0 : i32
      %dma_wait3A_113 = arith.constant 0 : i32
      %dma_wait3A_114 = arith.constant 0 : i32
      %dma_wait3A_115 = arith.constant 0 : i32
      %dma_wait3A_116 = tpu.memref_slice %arg7[%dma_wait3A_113, %dma_wait3A_114, %dma_wait3A_115] : memref<4x128x64xf32, #tpu.memory_space<vmem>> -> memref<1x128x64xf32, #tpu.memory_space<vmem>>
      %dma_wait3A_117 = tpu.memref_squeeze %dma_wait3A_116 : memref<1x128x64xf32, #tpu.memory_space<vmem>> -> memref<128x64xf32, #tpu.memory_space<vmem>>
      %dma_wait3A_118 = arith.constant 0 : i32
      %dma_wait3A_119 = tpu.memref_slice %arg5[%dma_wait3A_111, %dma_wait3A_112, %dma_wait3A_118] : memref<2x13x128xi32, #tpu.memory_space<vmem>> -> memref<1x1x128xi32, #tpu.memory_space<vmem>>
      %dma_wait3A_120 = tpu.memref_squeeze %dma_wait3A_119 : memref<1x1x128xi32, #tpu.memory_space<vmem>> -> memref<128xi32, #tpu.memory_space<vmem>>
      %dma_wait3A_121 = arith.constant 0 : i32
      %dma_wait3A_122 = arith.constant 0 : i32
      %dma_wait3A_123 = tpu.memref_slice %arg8[%dma_wait3A_121, %dma_wait3A_122] : memref<10240x64xf32, #tpu.memory_space<vmem_shared>> -> memref<10240x64xf32, #tpu.memory_space<vmem_shared>>
      tpu.wait_indirect_dma semaphore(%arg10 : memref<!tpu.dma_semaphore, #tpu.memory_space<semaphore_mem>>) src(%dma_wait3A_123 : memref<10240x64xf32, #tpu.memory_space<vmem_shared>>) dst(%dma_wait3A_117 : memref<128x64xf32, #tpu.memory_space<vmem>>)
      %dma_start3A_124 = arith.constant 0 : i32
      %dma_start3A_125 = arith.constant 0 : i32
      %dma_start3A_126 = arith.constant 0 : i32
      %dma_start3A_127 = arith.constant 0 : i32
      %dma_start3A_128 = arith.constant 0 : i32
      %dma_start3A_129 = tpu.memref_slice %arg7[%dma_start3A_124, %dma_start3A_127, %dma_start3A_128] : memref<4x128x64xf32, #tpu.memory_space<vmem>> -> memref<1x128x64xf32, #tpu.memory_space<vmem>>
      %dma_start3A_130 = tpu.memref_squeeze %dma_start3A_129 : memref<1x128x64xf32, #tpu.memory_space<vmem>> -> memref<128x64xf32, #tpu.memory_space<vmem>>
      %dma_start3A_131 = arith.constant 0 : i32
      %dma_start3A_132 = tpu.memref_slice %arg6[%dma_start3A_125, %dma_start3A_126, %dma_start3A_131] : memref<2x13x128xi32, #tpu.memory_space<vmem>> -> memref<1x1x128xi32, #tpu.memory_space<vmem>>
      %dma_start3A_133 = tpu.memref_squeeze %dma_start3A_132 : memref<1x1x128xi32, #tpu.memory_space<vmem>> -> memref<128xi32, #tpu.memory_space<vmem>>
      %dma_start3A_134 = arith.constant 0 : i32
      %dma_start3A_135 = arith.constant 0 : i32
      %dma_start3A_136 = tpu.memref_slice %arg9[%dma_start3A_134, %dma_start3A_135] : memref<10240x64xf32, #tpu.memory_space<vmem_shared>> -> memref<10240x64xf32, #tpu.memory_space<vmem_shared>>
      tpu.enqueue_indirect_dma source(%dma_start3A_130 : memref<128x64xf32, #tpu.memory_space<vmem>>) target(%dma_start3A_136 : memref<10240x64xf32, #tpu.memory_space<vmem_shared>>) offsets(%dma_start3A_133 : memref<128xi32, #tpu.memory_space<vmem>>) semaphore(%arg11 : memref<!tpu.dma_semaphore, #tpu.memory_space<semaphore_mem>>) {add = true}
      %dma_wait3A_137 = arith.constant 0 : i32
      %dma_wait3A_138 = arith.constant 0 : i32
      %dma_wait3A_139 = arith.constant 0 : i32
      %dma_wait3A_140 = arith.constant 0 : i32
      %dma_wait3A_141 = arith.constant 0 : i32
      %dma_wait3A_142 = tpu.memref_slice %arg7[%dma_wait3A_137, %dma_wait3A_140, %dma_wait3A_141] : memref<4x128x64xf32, #tpu.memory_space<vmem>> -> memref<1x128x64xf32, #tpu.memory_space<vmem>>
      %dma_wait3A_143 = tpu.memref_squeeze %dma_wait3A_142 : memref<1x128x64xf32, #tpu.memory_space<vmem>> -> memref<128x64xf32, #tpu.memory_space<vmem>>
      %dma_wait3A_144 = arith.constant 0 : i32
      %dma_wait3A_145 = tpu.memref_slice %arg6[%dma_wait3A_138, %dma_wait3A_139, %dma_wait3A_144] : memref<2x13x128xi32, #tpu.memory_space<vmem>> -> memref<1x1x128xi32, #tpu.memory_space<vmem>>
      %dma_wait3A_146 = tpu.memref_squeeze %dma_wait3A_145 : memref<1x1x128xi32, #tpu.memory_space<vmem>> -> memref<128xi32, #tpu.memory_space<vmem>>
      %dma_wait3A_147 = arith.constant 0 : i32
      %dma_wait3A_148 = arith.constant 0 : i32
      %dma_wait3A_149 = tpu.memref_slice %arg9[%dma_wait3A_147, %dma_wait3A_148] : memref<10240x64xf32, #tpu.memory_space<vmem_shared>> -> memref<10240x64xf32, #tpu.memory_space<vmem_shared>>
      tpu.wait_indirect_dma semaphore(%arg11 : memref<!tpu.dma_semaphore, #tpu.memory_space<semaphore_mem>>) src(%dma_wait3A_143 : memref<128x64xf32, #tpu.memory_space<vmem>>) dst(%dma_wait3A_149 : memref<10240x64xf32, #tpu.memory_space<vmem_shared>>)
    } else {
    }
    %barrier3A_87 = arith.constant 0 : index
    tpu.barrier barrier_id(%barrier3A_87)
    %mul3A_88 = arith.constant 64 : i32
    %mul3A_89 = arith.muli %arg0, %mul3A_88 : i32
    "tpu.region"() ({
      %run_scoped3A_90 = tpu.sem_alloc : memref<!tpu.dma_semaphore, #tpu.memory_space<semaphore_mem>>
      %dma_start3A_91 = tpu.memref_slice %arg4[%mul3A_9, %mul3A_89] : memref<10240x128xf32, #tpu.memory_space<hbm>> -> memref<640x64xf32, #tpu.memory_space<hbm>>
      %dma_start3A_92 = arith.constant 0 : i32
      %dma_start3A_93 = tpu.memref_slice %arg9[%mul3A_9, %dma_start3A_92] : memref<10240x64xf32, #tpu.memory_space<vmem_shared>> -> memref<640x64xf32, #tpu.memory_space<vmem_shared>>
      tpu.enqueue_dma source(%dma_start3A_93 : memref<640x64xf32, #tpu.memory_space<vmem_shared>>) target(%dma_start3A_91 : memref<640x64xf32, #tpu.memory_space<hbm>>) target_semaphore(%run_scoped3A_90 : memref<!tpu.dma_semaphore, #tpu.memory_space<semaphore_mem>>)
      %dma_wait3A_94 = tpu.memref_slice %arg4[%mul3A_9, %mul3A_89] : memref<10240x128xf32, #tpu.memory_space<hbm>> -> memref<640x64xf32, #tpu.memory_space<hbm>>
      %dma_wait3A_95 = arith.constant 0 : i32
      %dma_wait3A_96 = tpu.memref_slice %arg9[%mul3A_9, %dma_wait3A_95] : memref<10240x64xf32, #tpu.memory_space<vmem_shared>> -> memref<640x64xf32, #tpu.memory_space<vmem_shared>>
      tpu.wait_dma2 semaphore(%run_scoped3A_90 : memref<!tpu.dma_semaphore, #tpu.memory_space<semaphore_mem>>) src(%dma_wait3A_96 : memref<640x64xf32, #tpu.memory_space<vmem_shared>>) dst(%dma_wait3A_94 : memref<640x64xf32, #tpu.memory_space<hbm>>)
      tpu.yield
    }) : () -> ()
    return
  }
}

#map = affine_map<(d0, d1) -> (0, 0, 0)>
#map1 = affine_map<(d0, d1) -> (0, 0)>
module attributes {stable_mosaic.version = 14 : i64} {
  func.func @_deg(%arg0: i32, %arg1: i32, %arg2: memref<2x2500x128xi32, #tpu.memory_space<hbm>>, %arg3: memref<2x10240xf32, #tpu.memory_space<hbm>>, %arg4: memref<78x128xi32, #tpu.memory_space<vmem>>, %arg5: memref<128xf32, #tpu.memory_space<vmem>>, %arg6: memref<128xf32, #tpu.memory_space<vmem>>, %arg7: memref<10240xf32, #tpu.memory_space<vmem_shared>>, %arg8: memref<!tpu.dma_semaphore, #tpu.memory_space<semaphore_mem>>) attributes {dimension_semantics = [#tpu.dimension_semantics<core_parallel>, #tpu.dimension_semantics<subcore_parallel>], iteration_bounds = array<i64: 2, 16>, scalar_prefetch = 0 : i64, scratch_operands = 5 : i64, tpu.core_type = #tpu.core_type<sc_vector_subcore>, window_params = [{transform_indices = #map}, {transform_indices = #map1}]} {
    %mul3A = arith.constant 16 : i32
    %mul3A_0 = arith.muli %arg0, %mul3A : i32
    %add3A = arith.addi %mul3A_0, %arg1 : i32
    %mul3A_1 = arith.constant 78 : i32
    %mul3A_2 = arith.muli %add3A, %mul3A_1 : i32
    %run_scoped3A = arith.constant 1 : i32
    "tpu.region"() ({
      %run_scoped3A_88 = tpu.sem_alloc : memref<!tpu.dma_semaphore, #tpu.memory_space<semaphore_mem>>
      %dma_start3A = arith.constant 0 : i32
      %dma_start3A_89 = tpu.memref_slice %arg2[%run_scoped3A, %mul3A_2, %dma_start3A] : memref<2x2500x128xi32, #tpu.memory_space<hbm>> -> memref<1x78x128xi32, #tpu.memory_space<hbm>>
      %dma_start3A_90 = tpu.memref_squeeze %dma_start3A_89 : memref<1x78x128xi32, #tpu.memory_space<hbm>> -> memref<78x128xi32, #tpu.memory_space<hbm>>
      %dma_start3A_91 = arith.constant 0 : i32
      %dma_start3A_92 = tpu.memref_slice %arg2[%run_scoped3A, %mul3A_2, %dma_start3A_91] : memref<2x2500x128xi32, #tpu.memory_space<hbm>> -> memref<1x78x128xi32, #tpu.memory_space<hbm>>
      %dma_start3A_93 = tpu.memref_squeeze %dma_start3A_92 : memref<1x78x128xi32, #tpu.memory_space<hbm>> -> memref<78x128xi32, #tpu.memory_space<hbm>>
      tpu.enqueue_dma source(%dma_start3A_93 : memref<78x128xi32, #tpu.memory_space<hbm>>) target(%arg4 : memref<78x128xi32, #tpu.memory_space<vmem>>) target_semaphore(%run_scoped3A_88 : memref<!tpu.dma_semaphore, #tpu.memory_space<semaphore_mem>>)
      %dma_wait3A = arith.constant 0 : i32
      %dma_wait3A_94 = tpu.memref_slice %arg2[%run_scoped3A, %mul3A_2, %dma_wait3A] : memref<2x2500x128xi32, #tpu.memory_space<hbm>> -> memref<1x78x128xi32, #tpu.memory_space<hbm>>
      %dma_wait3A_95 = tpu.memref_squeeze %dma_wait3A_94 : memref<1x78x128xi32, #tpu.memory_space<hbm>> -> memref<78x128xi32, #tpu.memory_space<hbm>>
      %dma_wait3A_96 = arith.constant 0 : i32
      %dma_wait3A_97 = tpu.memref_slice %arg2[%run_scoped3A, %mul3A_2, %dma_wait3A_96] : memref<2x2500x128xi32, #tpu.memory_space<hbm>> -> memref<1x78x128xi32, #tpu.memory_space<hbm>>
      %dma_wait3A_98 = tpu.memref_squeeze %dma_wait3A_97 : memref<1x78x128xi32, #tpu.memory_space<hbm>> -> memref<78x128xi32, #tpu.memory_space<hbm>>
      tpu.wait_dma2 semaphore(%run_scoped3A_88 : memref<!tpu.dma_semaphore, #tpu.memory_space<semaphore_mem>>) src(%dma_wait3A_98 : memref<78x128xi32, #tpu.memory_space<hbm>>) dst(%arg4 : memref<78x128xi32, #tpu.memory_space<vmem>>)
      tpu.yield
    }) : () -> ()
    %broadcast_in_dim3A = arith.constant 0.000000e+00 : f32
    %broadcast_in_dim3A_3 = vector.broadcast %broadcast_in_dim3A : f32 to vector<16xf32>
    %broadcast_in_dim3A_4 = arith.constant 1.000000e+00 : f32
    %broadcast_in_dim3A_5 = vector.broadcast %broadcast_in_dim3A_4 : f32 to vector<16xf32>
    %swap3A = arith.constant 0 : index
    %swap3A_6 = tpu.vector_load %arg6[%swap3A] {strides = array<i32>} : memref<128xf32, #tpu.memory_space<vmem>>, vector<16xf32>,
    %swap3A_7 = vector.shape_cast %swap3A_6 : vector<16xf32> to vector<16xf32>
    %swap3A_8 = vector.shape_cast %broadcast_in_dim3A_3 : vector<16xf32> to vector<16xf32>
    tpu.vector_store %arg6[%swap3A], %swap3A_8 {strides = array<i32>} : memref<128xf32, #tpu.memory_space<vmem>>, vector<16xf32>,
    %swap3A_9 = arith.constant 0 : index
    %swap3A_10 = tpu.vector_load %arg5[%swap3A_9] {strides = array<i32>} : memref<128xf32, #tpu.memory_space<vmem>>, vector<16xf32>,
    %swap3A_11 = vector.shape_cast %swap3A_10 : vector<16xf32> to vector<16xf32>
    %swap3A_12 = vector.shape_cast %broadcast_in_dim3A_5 : vector<16xf32> to vector<16xf32>
    tpu.vector_store %arg5[%swap3A_9], %swap3A_12 {strides = array<i32>} : memref<128xf32, #tpu.memory_space<vmem>>, vector<16xf32>,
    %swap3A_13 = arith.constant 16 : index
    %swap3A_14 = tpu.vector_load %arg6[%swap3A_13] {strides = array<i32>} : memref<128xf32, #tpu.memory_space<vmem>>, vector<16xf32>,
    %swap3A_15 = vector.shape_cast %swap3A_14 : vector<16xf32> to vector<16xf32>
    %swap3A_16 = vector.shape_cast %broadcast_in_dim3A_3 : vector<16xf32> to vector<16xf32>
    tpu.vector_store %arg6[%swap3A_13], %swap3A_16 {strides = array<i32>} : memref<128xf32, #tpu.memory_space<vmem>>, vector<16xf32>,
    %swap3A_17 = arith.constant 16 : index
    %swap3A_18 = tpu.vector_load %arg5[%swap3A_17] {strides = array<i32>} : memref<128xf32, #tpu.memory_space<vmem>>, vector<16xf32>,
    %swap3A_19 = vector.shape_cast %swap3A_18 : vector<16xf32> to vector<16xf32>
    %swap3A_20 = vector.shape_cast %broadcast_in_dim3A_5 : vector<16xf32> to vector<16xf32>
    tpu.vector_store %arg5[%swap3A_17], %swap3A_20 {strides = array<i32>} : memref<128xf32, #tpu.memory_space<vmem>>, vector<16xf32>,
    %swap3A_21 = arith.constant 32 : index
    %swap3A_22 = tpu.vector_load %arg6[%swap3A_21] {strides = array<i32>} : memref<128xf32, #tpu.memory_space<vmem>>, vector<16xf32>,
    %swap3A_23 = vector.shape_cast %swap3A_22 : vector<16xf32> to vector<16xf32>
    %swap3A_24 = vector.shape_cast %broadcast_in_dim3A_3 : vector<16xf32> to vector<16xf32>
    tpu.vector_store %arg6[%swap3A_21], %swap3A_24 {strides = array<i32>} : memref<128xf32, #tpu.memory_space<vmem>>, vector<16xf32>,
    %swap3A_25 = arith.constant 32 : index
    %swap3A_26 = tpu.vector_load %arg5[%swap3A_25] {strides = array<i32>} : memref<128xf32, #tpu.memory_space<vmem>>, vector<16xf32>,
    %swap3A_27 = vector.shape_cast %swap3A_26 : vector<16xf32> to vector<16xf32>
    %swap3A_28 = vector.shape_cast %broadcast_in_dim3A_5 : vector<16xf32> to vector<16xf32>
    tpu.vector_store %arg5[%swap3A_25], %swap3A_28 {strides = array<i32>} : memref<128xf32, #tpu.memory_space<vmem>>, vector<16xf32>,
    %swap3A_29 = arith.constant 48 : index
    %swap3A_30 = tpu.vector_load %arg6[%swap3A_29] {strides = array<i32>} : memref<128xf32, #tpu.memory_space<vmem>>, vector<16xf32>,
    %swap3A_31 = vector.shape_cast %swap3A_30 : vector<16xf32> to vector<16xf32>
    %swap3A_32 = vector.shape_cast %broadcast_in_dim3A_3 : vector<16xf32> to vector<16xf32>
    tpu.vector_store %arg6[%swap3A_29], %swap3A_32 {strides = array<i32>} : memref<128xf32, #tpu.memory_space<vmem>>, vector<16xf32>,
    %swap3A_33 = arith.constant 48 : index
    %swap3A_34 = tpu.vector_load %arg5[%swap3A_33] {strides = array<i32>} : memref<128xf32, #tpu.memory_space<vmem>>, vector<16xf32>,
    %swap3A_35 = vector.shape_cast %swap3A_34 : vector<16xf32> to vector<16xf32>
    %swap3A_36 = vector.shape_cast %broadcast_in_dim3A_5 : vector<16xf32> to vector<16xf32>
    tpu.vector_store %arg5[%swap3A_33], %swap3A_36 {strides = array<i32>} : memref<128xf32, #tpu.memory_space<vmem>>, vector<16xf32>,
    %swap3A_37 = arith.constant 64 : index
    %swap3A_38 = tpu.vector_load %arg6[%swap3A_37] {strides = array<i32>} : memref<128xf32, #tpu.memory_space<vmem>>, vector<16xf32>,
    %swap3A_39 = vector.shape_cast %swap3A_38 : vector<16xf32> to vector<16xf32>
    %swap3A_40 = vector.shape_cast %broadcast_in_dim3A_3 : vector<16xf32> to vector<16xf32>
    tpu.vector_store %arg6[%swap3A_37], %swap3A_40 {strides = array<i32>} : memref<128xf32, #tpu.memory_space<vmem>>, vector<16xf32>,
    %swap3A_41 = arith.constant 64 : index
    %swap3A_42 = tpu.vector_load %arg5[%swap3A_41] {strides = array<i32>} : memref<128xf32, #tpu.memory_space<vmem>>, vector<16xf32>,
    %swap3A_43 = vector.shape_cast %swap3A_42 : vector<16xf32> to vector<16xf32>
    %swap3A_44 = vector.shape_cast %broadcast_in_dim3A_5 : vector<16xf32> to vector<16xf32>
    tpu.vector_store %arg5[%swap3A_41], %swap3A_44 {strides = array<i32>} : memref<128xf32, #tpu.memory_space<vmem>>, vector<16xf32>,
    %swap3A_45 = arith.constant 80 : index
    %swap3A_46 = tpu.vector_load %arg6[%swap3A_45] {strides = array<i32>} : memref<128xf32, #tpu.memory_space<vmem>>, vector<16xf32>,
    %swap3A_47 = vector.shape_cast %swap3A_46 : vector<16xf32> to vector<16xf32>
    %swap3A_48 = vector.shape_cast %broadcast_in_dim3A_3 : vector<16xf32> to vector<16xf32>
    tpu.vector_store %arg6[%swap3A_45], %swap3A_48 {strides = array<i32>} : memref<128xf32, #tpu.memory_space<vmem>>, vector<16xf32>,
    %swap3A_49 = arith.constant 80 : index
    %swap3A_50 = tpu.vector_load %arg5[%swap3A_49] {strides = array<i32>} : memref<128xf32, #tpu.memory_space<vmem>>, vector<16xf32>,
    %swap3A_51 = vector.shape_cast %swap3A_50 : vector<16xf32> to vector<16xf32>
    %swap3A_52 = vector.shape_cast %broadcast_in_dim3A_5 : vector<16xf32> to vector<16xf32>
    tpu.vector_store %arg5[%swap3A_49], %swap3A_52 {strides = array<i32>} : memref<128xf32, #tpu.memory_space<vmem>>, vector<16xf32>,
    %swap3A_53 = arith.constant 96 : index
    %swap3A_54 = tpu.vector_load %arg6[%swap3A_53] {strides = array<i32>} : memref<128xf32, #tpu.memory_space<vmem>>, vector<16xf32>,
    %swap3A_55 = vector.shape_cast %swap3A_54 : vector<16xf32> to vector<16xf32>
    %swap3A_56 = vector.shape_cast %broadcast_in_dim3A_3 : vector<16xf32> to vector<16xf32>
    tpu.vector_store %arg6[%swap3A_53], %swap3A_56 {strides = array<i32>} : memref<128xf32, #tpu.memory_space<vmem>>, vector<16xf32>,
    %swap3A_57 = arith.constant 96 : index
    %swap3A_58 = tpu.vector_load %arg5[%swap3A_57] {strides = array<i32>} : memref<128xf32, #tpu.memory_space<vmem>>, vector<16xf32>,
    %swap3A_59 = vector.shape_cast %swap3A_58 : vector<16xf32> to vector<16xf32>
    %swap3A_60 = vector.shape_cast %broadcast_in_dim3A_5 : vector<16xf32> to vector<16xf32>
    tpu.vector_store %arg5[%swap3A_57], %swap3A_60 {strides = array<i32>} : memref<128xf32, #tpu.memory_space<vmem>>, vector<16xf32>,
    %swap3A_61 = arith.constant 112 : index
    %swap3A_62 = tpu.vector_load %arg6[%swap3A_61] {strides = array<i32>} : memref<128xf32, #tpu.memory_space<vmem>>, vector<16xf32>,
    %swap3A_63 = vector.shape_cast %swap3A_62 : vector<16xf32> to vector<16xf32>
    %swap3A_64 = vector.shape_cast %broadcast_in_dim3A_3 : vector<16xf32> to vector<16xf32>
    tpu.vector_store %arg6[%swap3A_61], %swap3A_64 {strides = array<i32>} : memref<128xf32, #tpu.memory_space<vmem>>, vector<16xf32>,
    %swap3A_65 = arith.constant 112 : index
    %swap3A_66 = tpu.vector_load %arg5[%swap3A_65] {strides = array<i32>} : memref<128xf32, #tpu.memory_space<vmem>>, vector<16xf32>,
    %swap3A_67 = vector.shape_cast %swap3A_66 : vector<16xf32> to vector<16xf32>
    %swap3A_68 = vector.shape_cast %broadcast_in_dim3A_5 : vector<16xf32> to vector<16xf32>
    tpu.vector_store %arg5[%swap3A_65], %swap3A_68 {strides = array<i32>} : memref<128xf32, #tpu.memory_space<vmem>>, vector<16xf32>,
    %mul3A_69 = arith.constant 640 : i32
    %mul3A_70 = arith.muli %arg1, %mul3A_69 : i32
    %add3A_71 = arith.constant 0 : i32
    %add3A_72 = arith.addi %mul3A_70, %add3A_71 : i32
    "tpu.region"() ({
      %run_scoped3A_88 = tpu.sem_alloc : memref<!tpu.dma_semaphore, #tpu.memory_space<semaphore_mem>>
      %dma_start3A = tpu.memref_slice %arg7[%add3A_72] : memref<10240xf32, #tpu.memory_space<vmem_shared>> -> memref<128xf32, #tpu.memory_space<vmem_shared>>
      %dma_start3A_89 = tpu.memref_slice %arg7[%add3A_72] : memref<10240xf32, #tpu.memory_space<vmem_shared>> -> memref<128xf32, #tpu.memory_space<vmem_shared>>
      tpu.enqueue_dma source(%arg6 : memref<128xf32, #tpu.memory_space<vmem>>) target(%dma_start3A_89 : memref<128xf32, #tpu.memory_space<vmem_shared>>) target_semaphore(%run_scoped3A_88 : memref<!tpu.dma_semaphore, #tpu.memory_space<semaphore_mem>>)
      %dma_wait3A = tpu.memref_slice %arg7[%add3A_72] : memref<10240xf32, #tpu.memory_space<vmem_shared>> -> memref<128xf32, #tpu.memory_space<vmem_shared>>
      %dma_wait3A_90 = tpu.memref_slice %arg7[%add3A_72] : memref<10240xf32, #tpu.memory_space<vmem_shared>> -> memref<128xf32, #tpu.memory_space<vmem_shared>>
      tpu.wait_dma2 semaphore(%run_scoped3A_88 : memref<!tpu.dma_semaphore, #tpu.memory_space<semaphore_mem>>) src(%arg6 : memref<128xf32, #tpu.memory_space<vmem>>) dst(%dma_wait3A_90 : memref<128xf32, #tpu.memory_space<vmem_shared>>)
      tpu.yield
    }) : () -> ()
    %add3A_73 = arith.constant 128 : i32
    %add3A_74 = arith.addi %mul3A_70, %add3A_73 : i32
    "tpu.region"() ({
      %run_scoped3A_88 = tpu.sem_alloc : memref<!tpu.dma_semaphore, #tpu.memory_space<semaphore_mem>>
      %dma_start3A = tpu.memref_slice %arg7[%add3A_74] : memref<10240xf32, #tpu.memory_space<vmem_shared>> -> memref<128xf32, #tpu.memory_space<vmem_shared>>
      %dma_start3A_89 = tpu.memref_slice %arg7[%add3A_74] : memref<10240xf32, #tpu.memory_space<vmem_shared>> -> memref<128xf32, #tpu.memory_space<vmem_shared>>
      tpu.enqueue_dma source(%arg6 : memref<128xf32, #tpu.memory_space<vmem>>) target(%dma_start3A_89 : memref<128xf32, #tpu.memory_space<vmem_shared>>) target_semaphore(%run_scoped3A_88 : memref<!tpu.dma_semaphore, #tpu.memory_space<semaphore_mem>>)
      %dma_wait3A = tpu.memref_slice %arg7[%add3A_74] : memref<10240xf32, #tpu.memory_space<vmem_shared>> -> memref<128xf32, #tpu.memory_space<vmem_shared>>
      %dma_wait3A_90 = tpu.memref_slice %arg7[%add3A_74] : memref<10240xf32, #tpu.memory_space<vmem_shared>> -> memref<128xf32, #tpu.memory_space<vmem_shared>>
      tpu.wait_dma2 semaphore(%run_scoped3A_88 : memref<!tpu.dma_semaphore, #tpu.memory_space<semaphore_mem>>) src(%arg6 : memref<128xf32, #tpu.memory_space<vmem>>) dst(%dma_wait3A_90 : memref<128xf32, #tpu.memory_space<vmem_shared>>)
      tpu.yield
    }) : () -> ()
    %add3A_75 = arith.constant 256 : i32
    %add3A_76 = arith.addi %mul3A_70, %add3A_75 : i32
    "tpu.region"() ({
      %run_scoped3A_88 = tpu.sem_alloc : memref<!tpu.dma_semaphore, #tpu.memory_space<semaphore_mem>>
      %dma_start3A = tpu.memref_slice %arg7[%add3A_76] : memref<10240xf32, #tpu.memory_space<vmem_shared>> -> memref<128xf32, #tpu.memory_space<vmem_shared>>
      %dma_start3A_89 = tpu.memref_slice %arg7[%add3A_76] : memref<10240xf32, #tpu.memory_space<vmem_shared>> -> memref<128xf32, #tpu.memory_space<vmem_shared>>
      tpu.enqueue_dma source(%arg6 : memref<128xf32, #tpu.memory_space<vmem>>) target(%dma_start3A_89 : memref<128xf32, #tpu.memory_space<vmem_shared>>) target_semaphore(%run_scoped3A_88 : memref<!tpu.dma_semaphore, #tpu.memory_space<semaphore_mem>>)
      %dma_wait3A = tpu.memref_slice %arg7[%add3A_76] : memref<10240xf32, #tpu.memory_space<vmem_shared>> -> memref<128xf32, #tpu.memory_space<vmem_shared>>
      %dma_wait3A_90 = tpu.memref_slice %arg7[%add3A_76] : memref<10240xf32, #tpu.memory_space<vmem_shared>> -> memref<128xf32, #tpu.memory_space<vmem_shared>>
      tpu.wait_dma2 semaphore(%run_scoped3A_88 : memref<!tpu.dma_semaphore, #tpu.memory_space<semaphore_mem>>) src(%arg6 : memref<128xf32, #tpu.memory_space<vmem>>) dst(%dma_wait3A_90 : memref<128xf32, #tpu.memory_space<vmem_shared>>)
      tpu.yield
    }) : () -> ()
    %add3A_77 = arith.constant 384 : i32
    %add3A_78 = arith.addi %mul3A_70, %add3A_77 : i32
    "tpu.region"() ({
      %run_scoped3A_88 = tpu.sem_alloc : memref<!tpu.dma_semaphore, #tpu.memory_space<semaphore_mem>>
      %dma_start3A = tpu.memref_slice %arg7[%add3A_78] : memref<10240xf32, #tpu.memory_space<vmem_shared>> -> memref<128xf32, #tpu.memory_space<vmem_shared>>
      %dma_start3A_89 = tpu.memref_slice %arg7[%add3A_78] : memref<10240xf32, #tpu.memory_space<vmem_shared>> -> memref<128xf32, #tpu.memory_space<vmem_shared>>
      tpu.enqueue_dma source(%arg6 : memref<128xf32, #tpu.memory_space<vmem>>) target(%dma_start3A_89 : memref<128xf32, #tpu.memory_space<vmem_shared>>) target_semaphore(%run_scoped3A_88 : memref<!tpu.dma_semaphore, #tpu.memory_space<semaphore_mem>>)
      %dma_wait3A = tpu.memref_slice %arg7[%add3A_78] : memref<10240xf32, #tpu.memory_space<vmem_shared>> -> memref<128xf32, #tpu.memory_space<vmem_shared>>
      %dma_wait3A_90 = tpu.memref_slice %arg7[%add3A_78] : memref<10240xf32, #tpu.memory_space<vmem_shared>> -> memref<128xf32, #tpu.memory_space<vmem_shared>>
      tpu.wait_dma2 semaphore(%run_scoped3A_88 : memref<!tpu.dma_semaphore, #tpu.memory_space<semaphore_mem>>) src(%arg6 : memref<128xf32, #tpu.memory_space<vmem>>) dst(%dma_wait3A_90 : memref<128xf32, #tpu.memory_space<vmem_shared>>)
      tpu.yield
    }) : () -> ()
    %add3A_79 = arith.constant 512 : i32
    %add3A_80 = arith.addi %mul3A_70, %add3A_79 : i32
    "tpu.region"() ({
      %run_scoped3A_88 = tpu.sem_alloc : memref<!tpu.dma_semaphore, #tpu.memory_space<semaphore_mem>>
      %dma_start3A = tpu.memref_slice %arg7[%add3A_80] : memref<10240xf32, #tpu.memory_space<vmem_shared>> -> memref<128xf32, #tpu.memory_space<vmem_shared>>
      %dma_start3A_89 = tpu.memref_slice %arg7[%add3A_80] : memref<10240xf32, #tpu.memory_space<vmem_shared>> -> memref<128xf32, #tpu.memory_space<vmem_shared>>
      tpu.enqueue_dma source(%arg6 : memref<128xf32, #tpu.memory_space<vmem>>) target(%dma_start3A_89 : memref<128xf32, #tpu.memory_space<vmem_shared>>) target_semaphore(%run_scoped3A_88 : memref<!tpu.dma_semaphore, #tpu.memory_space<semaphore_mem>>)
      %dma_wait3A = tpu.memref_slice %arg7[%add3A_80] : memref<10240xf32, #tpu.memory_space<vmem_shared>> -> memref<128xf32, #tpu.memory_space<vmem_shared>>
      %dma_wait3A_90 = tpu.memref_slice %arg7[%add3A_80] : memref<10240xf32, #tpu.memory_space<vmem_shared>> -> memref<128xf32, #tpu.memory_space<vmem_shared>>
      tpu.wait_dma2 semaphore(%run_scoped3A_88 : memref<!tpu.dma_semaphore, #tpu.memory_space<semaphore_mem>>) src(%arg6 : memref<128xf32, #tpu.memory_space<vmem>>) dst(%dma_wait3A_90 : memref<128xf32, #tpu.memory_space<vmem_shared>>)
      tpu.yield
    }) : () -> ()
    %barrier3A = arith.constant 0 : index
    tpu.barrier barrier_id(%barrier3A)
    %scan3A = arith.constant 0 : i32
    %scan3A_81 = arith.constant 78 : i32
    %scan3A_82 = arith.addi %scan3A, %scan3A_81 : i32
    %scan3A_83 = arith.constant 1 : i32
    scf.for %scan3A_88 = %scan3A to %scan3A_82 step %scan3A_83  : i32 {
      %mul3A_89 = arith.constant 1 : i32
      %mul3A_90 = arith.muli %scan3A_88, %mul3A_89 : i32
      %add3A_91 = arith.constant 0 : i32
      %add3A_92 = arith.addi %add3A_91, %mul3A_90 : i32
      "tpu.region"() ({
        %run_scoped3A_93 = tpu.sem_alloc : memref<!tpu.dma_semaphore, #tpu.memory_space<semaphore_mem>>
        %dma_start3A = arith.constant 0 : i32
        %dma_start3A_94 = tpu.memref_slice %arg4[%add3A_92, %dma_start3A] : memref<78x128xi32, #tpu.memory_space<vmem>> -> memref<1x128xi32, #tpu.memory_space<vmem>>
        %dma_start3A_95 = tpu.memref_squeeze %dma_start3A_94 : memref<1x128xi32, #tpu.memory_space<vmem>> -> memref<128xi32, #tpu.memory_space<vmem>>
        %dma_start3A_96 = arith.constant 0 : i32
        %dma_start3A_97 = tpu.memref_slice %arg7[%dma_start3A_96] : memref<10240xf32, #tpu.memory_space<vmem_shared>> -> memref<10240xf32, #tpu.memory_space<vmem_shared>>
        tpu.enqueue_indirect_dma source(%arg5 : memref<128xf32, #tpu.memory_space<vmem>>) target(%dma_start3A_97 : memref<10240xf32, #tpu.memory_space<vmem_shared>>) offsets(%dma_start3A_95 : memref<128xi32, #tpu.memory_space<vmem>>) semaphore(%run_scoped3A_93 : memref<!tpu.dma_semaphore, #tpu.memory_space<semaphore_mem>>) {add = true}
        %dma_wait3A = arith.constant 0 : i32
        %dma_wait3A_98 = tpu.memref_slice %arg4[%add3A_92, %dma_wait3A] : memref<78x128xi32, #tpu.memory_space<vmem>> -> memref<1x128xi32, #tpu.memory_space<vmem>>
        %dma_wait3A_99 = tpu.memref_squeeze %dma_wait3A_98 : memref<1x128xi32, #tpu.memory_space<vmem>> -> memref<128xi32, #tpu.memory_space<vmem>>
        %dma_wait3A_100 = arith.constant 0 : i32
        %dma_wait3A_101 = tpu.memref_slice %arg7[%dma_wait3A_100] : memref<10240xf32, #tpu.memory_space<vmem_shared>> -> memref<10240xf32, #tpu.memory_space<vmem_shared>>
        tpu.wait_indirect_dma semaphore(%run_scoped3A_93 : memref<!tpu.dma_semaphore, #tpu.memory_space<semaphore_mem>>) src(%arg5 : memref<128xf32, #tpu.memory_space<vmem>>) dst(%dma_wait3A_101 : memref<10240xf32, #tpu.memory_space<vmem_shared>>)
        tpu.yield
      }) : () -> ()
    }
    %scan3A_84 = arith.constant 78 : i32
    %lt3A = arith.constant 4 : i32
    %lt3A_85 = arith.cmpi slt, %add3A, %lt3A : i32
    %convert_element_type3A = arith.extui %lt3A_85 : i1 to i32
    %cond3A = arith.constant 0 : i32
    %cond3A_86 = arith.cmpi ne, %convert_element_type3A, %cond3A : i32
    scf.if %cond3A_86 {
      %add3A_88 = arith.constant 2496 : i32
      %add3A_89 = arith.addi %add3A_88, %add3A : i32
      %run_scoped3A_90 = arith.constant 1 : i32
      "tpu.region"() ({
        %run_scoped3A_92 = tpu.sem_alloc : memref<!tpu.dma_semaphore, #tpu.memory_space<semaphore_mem>>
        %dma_start3A = arith.constant 0 : i32
        %dma_start3A_93 = arith.constant 0 : i32
        %dma_start3A_94 = tpu.memref_slice %arg4[%dma_start3A, %dma_start3A_93] : memref<78x128xi32, #tpu.memory_space<vmem>> -> memref<1x128xi32, #tpu.memory_space<vmem>>
        %dma_start3A_95 = arith.constant 0 : i32
        %dma_start3A_96 = tpu.memref_slice %arg2[%run_scoped3A_90, %add3A_89, %dma_start3A_95] : memref<2x2500x128xi32, #tpu.memory_space<hbm>> -> memref<1x1x128xi32, #tpu.memory_space<hbm>>
        %dma_start3A_97 = tpu.memref_squeeze %dma_start3A_96 : memref<1x1x128xi32, #tpu.memory_space<hbm>> -> memref<1x128xi32, #tpu.memory_space<hbm>>
        %dma_start3A_98 = arith.constant 0 : i32
        %dma_start3A_99 = arith.constant 0 : i32
        %dma_start3A_100 = tpu.memref_slice %arg4[%dma_start3A_98, %dma_start3A_99] : memref<78x128xi32, #tpu.memory_space<vmem>> -> memref<1x128xi32, #tpu.memory_space<vmem>>
        %dma_start3A_101 = arith.constant 0 : i32
        %dma_start3A_102 = tpu.memref_slice %arg2[%run_scoped3A_90, %add3A_89, %dma_start3A_101] : memref<2x2500x128xi32, #tpu.memory_space<hbm>> -> memref<1x1x128xi32, #tpu.memory_space<hbm>>
        %dma_start3A_103 = tpu.memref_squeeze %dma_start3A_102 : memref<1x1x128xi32, #tpu.memory_space<hbm>> -> memref<1x128xi32, #tpu.memory_space<hbm>>
        tpu.enqueue_dma source(%dma_start3A_103 : memref<1x128xi32, #tpu.memory_space<hbm>>) target(%dma_start3A_100 : memref<1x128xi32, #tpu.memory_space<vmem>>) target_semaphore(%run_scoped3A_92 : memref<!tpu.dma_semaphore, #tpu.memory_space<semaphore_mem>>)
        %dma_wait3A = arith.constant 0 : i32
        %dma_wait3A_104 = arith.constant 0 : i32
        %dma_wait3A_105 = tpu.memref_slice %arg4[%dma_wait3A, %dma_wait3A_104] : memref<78x128xi32, #tpu.memory_space<vmem>> -> memref<1x128xi32, #tpu.memory_space<vmem>>
        %dma_wait3A_106 = arith.constant 0 : i32
        %dma_wait3A_107 = tpu.memref_slice %arg2[%run_scoped3A_90, %add3A_89, %dma_wait3A_106] : memref<2x2500x128xi32, #tpu.memory_space<hbm>> -> memref<1x1x128xi32, #tpu.memory_space<hbm>>
        %dma_wait3A_108 = tpu.memref_squeeze %dma_wait3A_107 : memref<1x1x128xi32, #tpu.memory_space<hbm>> -> memref<1x128xi32, #tpu.memory_space<hbm>>
        %dma_wait3A_109 = arith.constant 0 : i32
        %dma_wait3A_110 = arith.constant 0 : i32
        %dma_wait3A_111 = tpu.memref_slice %arg4[%dma_wait3A_109, %dma_wait3A_110] : memref<78x128xi32, #tpu.memory_space<vmem>> -> memref<1x128xi32, #tpu.memory_space<vmem>>
        %dma_wait3A_112 = arith.constant 0 : i32
        %dma_wait3A_113 = tpu.memref_slice %arg2[%run_scoped3A_90, %add3A_89, %dma_wait3A_112] : memref<2x2500x128xi32, #tpu.memory_space<hbm>> -> memref<1x1x128xi32, #tpu.memory_space<hbm>>
        %dma_wait3A_114 = tpu.memref_squeeze %dma_wait3A_113 : memref<1x1x128xi32, #tpu.memory_space<hbm>> -> memref<1x128xi32, #tpu.memory_space<hbm>>
        tpu.wait_dma2 semaphore(%run_scoped3A_92 : memref<!tpu.dma_semaphore, #tpu.memory_space<semaphore_mem>>) src(%dma_wait3A_114 : memref<1x128xi32, #tpu.memory_space<hbm>>) dst(%dma_wait3A_111 : memref<1x128xi32, #tpu.memory_space<vmem>>)
        tpu.yield
      }) : () -> ()
      %run_scoped3A_91 = arith.constant 0 : i32
      "tpu.region"() ({
        %run_scoped3A_92 = tpu.sem_alloc : memref<!tpu.dma_semaphore, #tpu.memory_space<semaphore_mem>>
        %dma_start3A = arith.constant 0 : i32
        %dma_start3A_93 = tpu.memref_slice %arg4[%run_scoped3A_91, %dma_start3A] : memref<78x128xi32, #tpu.memory_space<vmem>> -> memref<1x128xi32, #tpu.memory_space<vmem>>
        %dma_start3A_94 = tpu.memref_squeeze %dma_start3A_93 : memref<1x128xi32, #tpu.memory_space<vmem>> -> memref<128xi32, #tpu.memory_space<vmem>>
        %dma_start3A_95 = arith.constant 0 : i32
        %dma_start3A_96 = tpu.memref_slice %arg7[%dma_start3A_95] : memref<10240xf32, #tpu.memory_space<vmem_shared>> -> memref<10240xf32, #tpu.memory_space<vmem_shared>>
        tpu.enqueue_indirect_dma source(%arg5 : memref<128xf32, #tpu.memory_space<vmem>>) target(%dma_start3A_96 : memref<10240xf32, #tpu.memory_space<vmem_shared>>) offsets(%dma_start3A_94 : memref<128xi32, #tpu.memory_space<vmem>>) semaphore(%run_scoped3A_92 : memref<!tpu.dma_semaphore, #tpu.memory_space<semaphore_mem>>) {add = true}
        %dma_wait3A = arith.constant 0 : i32
        %dma_wait3A_97 = tpu.memref_slice %arg4[%run_scoped3A_91, %dma_wait3A] : memref<78x128xi32, #tpu.memory_space<vmem>> -> memref<1x128xi32, #tpu.memory_space<vmem>>
        %dma_wait3A_98 = tpu.memref_squeeze %dma_wait3A_97 : memref<1x128xi32, #tpu.memory_space<vmem>> -> memref<128xi32, #tpu.memory_space<vmem>>
        %dma_wait3A_99 = arith.constant 0 : i32
        %dma_wait3A_100 = tpu.memref_slice %arg7[%dma_wait3A_99] : memref<10240xf32, #tpu.memory_space<vmem_shared>> -> memref<10240xf32, #tpu.memory_space<vmem_shared>>
        tpu.wait_indirect_dma semaphore(%run_scoped3A_92 : memref<!tpu.dma_semaphore, #tpu.memory_space<semaphore_mem>>) src(%arg5 : memref<128xf32, #tpu.memory_space<vmem>>) dst(%dma_wait3A_100 : memref<10240xf32, #tpu.memory_space<vmem_shared>>)
        tpu.yield
      }) : () -> ()
    } else {
    }
    %barrier3A_87 = arith.constant 0 : index
    tpu.barrier barrier_id(%barrier3A_87)
    "tpu.region"() ({
      %run_scoped3A_88 = tpu.sem_alloc : memref<!tpu.dma_semaphore, #tpu.memory_space<semaphore_mem>>
      %dma_start3A = tpu.memref_slice %arg3[%arg0, %mul3A_70] : memref<2x10240xf32, #tpu.memory_space<hbm>> -> memref<1x640xf32, #tpu.memory_space<hbm>>
      %dma_start3A_89 = tpu.memref_squeeze %dma_start3A : memref<1x640xf32, #tpu.memory_space<hbm>> -> memref<640xf32, #tpu.memory_space<hbm>>
      %dma_start3A_90 = tpu.memref_slice %arg7[%mul3A_70] : memref<10240xf32, #tpu.memory_space<vmem_shared>> -> memref<640xf32, #tpu.memory_space<vmem_shared>>
      tpu.enqueue_dma source(%dma_start3A_90 : memref<640xf32, #tpu.memory_space<vmem_shared>>) target(%dma_start3A_89 : memref<640xf32, #tpu.memory_space<hbm>>) target_semaphore(%run_scoped3A_88 : memref<!tpu.dma_semaphore, #tpu.memory_space<semaphore_mem>>)
      %dma_wait3A = tpu.memref_slice %arg3[%arg0, %mul3A_70] : memref<2x10240xf32, #tpu.memory_space<hbm>> -> memref<1x640xf32, #tpu.memory_space<hbm>>
      %dma_wait3A_91 = tpu.memref_squeeze %dma_wait3A : memref<1x640xf32, #tpu.memory_space<hbm>> -> memref<640xf32, #tpu.memory_space<hbm>>
      %dma_wait3A_92 = tpu.memref_slice %arg7[%mul3A_70] : memref<10240xf32, #tpu.memory_space<vmem_shared>> -> memref<640xf32, #tpu.memory_space<vmem_shared>>
      tpu.wait_dma2 semaphore(%run_scoped3A_88 : memref<!tpu.dma_semaphore, #tpu.memory_space<semaphore_mem>>) src(%dma_wait3A_92 : memref<640xf32, #tpu.memory_space<vmem_shared>>) dst(%dma_wait3A_91 : memref<640xf32, #tpu.memory_space<hbm>>)
      tpu.yield
    }) : () -> ()
    return
  }
}

#map = affine_map<(d0, d1) -> (0, 0)>
#map1 = affine_map<(d0, d1) -> (0, 0, 0)>
module attributes {stable_mosaic.version = 14 : i64} {
  func.func @agg(%arg0: i32, %arg1: i32, %arg2: memref<10240x128xf32, #tpu.memory_space<hbm>>, %arg3: memref<2x2500x128xi32, #tpu.memory_space<hbm>>, %arg4: memref<10240x128xf32, #tpu.memory_space<hbm>>, %arg5: memref<2x12x128xi32, #tpu.memory_space<vmem>>, %arg6: memref<2x12x128xi32, #tpu.memory_space<vmem>>, %arg7: memref<4x128x64xf32, #tpu.memory_space<vmem>>, %arg8: memref<10240x64xf32, #tpu.memory_space<vmem_shared>>, %arg9: memref<10240x64xf32, #tpu.memory_space<vmem_shared>>, %arg10: memref<!tpu.dma_semaphore, #tpu.memory_space<semaphore_mem>>, %arg11: memref<!tpu.dma_semaphore, #tpu.memory_space<semaphore_mem>>, %arg12: memref<!tpu.dma_semaphore, #tpu.memory_space<semaphore_mem>>) attributes {dimension_semantics = [#tpu.dimension_semantics<core_parallel>, #tpu.dimension_semantics<subcore_parallel>], iteration_bounds = array<i64: 2, 16>, scalar_prefetch = 0 : i64, scratch_operands = 8 : i64, tpu.core_type = #tpu.core_type<sc_vector_subcore>, window_params = [{transform_indices = #map}, {transform_indices = #map1}, {transform_indices = #map}]} {
    %mul3A = arith.constant 156 : i32
    %mul3A_0 = arith.muli %arg1, %mul3A : i32
    %broadcast_in_dim3A = arith.constant 0.000000e+00 : f32
    %broadcast_in_dim3A_1 = vector.broadcast %broadcast_in_dim3A : f32 to vector<16xf32>
    %scan3A = arith.constant 0 : i32
    %scan3A_2 = arith.constant 128 : i32
    %scan3A_3 = arith.addi %scan3A, %scan3A_2 : i32
    %scan3A_4 = arith.constant 1 : i32
    scf.for %scan3A_87 = %scan3A to %scan3A_3 step %scan3A_4  : i32 {
      %mul3A_88 = arith.constant 1 : i32
      %mul3A_89 = arith.muli %scan3A_87, %mul3A_88 : i32
      %add3A_90 = arith.constant 0 : i32
      %add3A_91 = arith.addi %add3A_90, %mul3A_89 : i32
      %swap3A = arith.constant 0 : i32
      %swap3A_92 = arith.index_cast %swap3A : i32 to index
      %swap3A_93 = arith.index_cast %add3A_91 : i32 to index
      %swap3A_94 = arith.constant 0 : index
      %swap3A_95 = tpu.vector_load %arg7[%swap3A_92, %swap3A_93, %swap3A_94] {strides = array<i32>} : memref<4x128x64xf32, #tpu.memory_space<vmem>>, vector<1x1x16xf32>,
      %swap3A_96 = vector.shape_cast %swap3A_95 : vector<1x1x16xf32> to vector<16xf32>
      %swap3A_97 = vector.shape_cast %broadcast_in_dim3A_1 : vector<16xf32> to vector<1x1x16xf32>
      tpu.vector_store %arg7[%swap3A_92, %swap3A_93, %swap3A_94], %swap3A_97 {strides = array<i32>} : memref<4x128x64xf32, #tpu.memory_space<vmem>>, vector<1x1x16xf32>,
      %swap3A_98 = arith.constant 0 : i32
      %swap3A_99 = arith.index_cast %swap3A_98 : i32 to index
      %swap3A_100 = arith.index_cast %add3A_91 : i32 to index
      %swap3A_101 = arith.constant 16 : index
      %swap3A_102 = tpu.vector_load %arg7[%swap3A_99, %swap3A_100, %swap3A_101] {strides = array<i32>} : memref<4x128x64xf32, #tpu.memory_space<vmem>>, vector<1x1x16xf32>,
      %swap3A_103 = vector.shape_cast %swap3A_102 : vector<1x1x16xf32> to vector<16xf32>
      %swap3A_104 = vector.shape_cast %broadcast_in_dim3A_1 : vector<16xf32> to vector<1x1x16xf32>
      tpu.vector_store %arg7[%swap3A_99, %swap3A_100, %swap3A_101], %swap3A_104 {strides = array<i32>} : memref<4x128x64xf32, #tpu.memory_space<vmem>>, vector<1x1x16xf32>,
      %swap3A_105 = arith.constant 0 : i32
      %swap3A_106 = arith.index_cast %swap3A_105 : i32 to index
      %swap3A_107 = arith.index_cast %add3A_91 : i32 to index
      %swap3A_108 = arith.constant 32 : index
      %swap3A_109 = tpu.vector_load %arg7[%swap3A_106, %swap3A_107, %swap3A_108] {strides = array<i32>} : memref<4x128x64xf32, #tpu.memory_space<vmem>>, vector<1x1x16xf32>,
      %swap3A_110 = vector.shape_cast %swap3A_109 : vector<1x1x16xf32> to vector<16xf32>
      %swap3A_111 = vector.shape_cast %broadcast_in_dim3A_1 : vector<16xf32> to vector<1x1x16xf32>
      tpu.vector_store %arg7[%swap3A_106, %swap3A_107, %swap3A_108], %swap3A_111 {strides = array<i32>} : memref<4x128x64xf32, #tpu.memory_space<vmem>>, vector<1x1x16xf32>,
      %swap3A_112 = arith.constant 0 : i32
      %swap3A_113 = arith.index_cast %swap3A_112 : i32 to index
      %swap3A_114 = arith.index_cast %add3A_91 : i32 to index
      %swap3A_115 = arith.constant 48 : index
      %swap3A_116 = tpu.vector_load %arg7[%swap3A_113, %swap3A_114, %swap3A_115] {strides = array<i32>} : memref<4x128x64xf32, #tpu.memory_space<vmem>>, vector<1x1x16xf32>,
      %swap3A_117 = vector.shape_cast %swap3A_116 : vector<1x1x16xf32> to vector<16xf32>
      %swap3A_118 = vector.shape_cast %broadcast_in_dim3A_1 : vector<16xf32> to vector<1x1x16xf32>
      tpu.vector_store %arg7[%swap3A_113, %swap3A_114, %swap3A_115], %swap3A_118 {strides = array<i32>} : memref<4x128x64xf32, #tpu.memory_space<vmem>>, vector<1x1x16xf32>,
    }
    %scan3A_5 = arith.constant 128 : i32
    %mul3A_6 = arith.constant 640 : i32
    %mul3A_7 = arith.muli %arg1, %mul3A_6 : i32
    %mul3A_8 = arith.constant 64 : i32
    %mul3A_9 = arith.muli %arg0, %mul3A_8 : i32
    "tpu.region"() ({
      %run_scoped3A_87 = tpu.sem_alloc : memref<!tpu.dma_semaphore, #tpu.memory_space<semaphore_mem>>
      %dma_start3A_88 = arith.constant 0 : i32
      %dma_start3A_89 = tpu.memref_slice %arg8[%mul3A_7, %dma_start3A_88] : memref<10240x64xf32, #tpu.memory_space<vmem_shared>> -> memref<640x64xf32, #tpu.memory_space<vmem_shared>>
      %dma_start3A_90 = tpu.memref_slice %arg2[%mul3A_7, %mul3A_9] : memref<10240x128xf32, #tpu.memory_space<hbm>> -> memref<640x64xf32, #tpu.memory_space<hbm>>
      tpu.enqueue_dma source(%dma_start3A_90 : memref<640x64xf32, #tpu.memory_space<hbm>>) target(%dma_start3A_89 : memref<640x64xf32, #tpu.memory_space<vmem_shared>>) target_semaphore(%run_scoped3A_87 : memref<!tpu.dma_semaphore, #tpu.memory_space<semaphore_mem>>)
      %dma_wait3A_91 = arith.constant 0 : i32
      %dma_wait3A_92 = tpu.memref_slice %arg8[%mul3A_7, %dma_wait3A_91] : memref<10240x64xf32, #tpu.memory_space<vmem_shared>> -> memref<640x64xf32, #tpu.memory_space<vmem_shared>>
      %dma_wait3A_93 = tpu.memref_slice %arg2[%mul3A_7, %mul3A_9] : memref<10240x128xf32, #tpu.memory_space<hbm>> -> memref<640x64xf32, #tpu.memory_space<hbm>>
      tpu.wait_dma2 semaphore(%run_scoped3A_87 : memref<!tpu.dma_semaphore, #tpu.memory_space<semaphore_mem>>) src(%dma_wait3A_93 : memref<640x64xf32, #tpu.memory_space<hbm>>) dst(%dma_wait3A_92 : memref<640x64xf32, #tpu.memory_space<vmem_shared>>)
      tpu.yield
    }) : () -> ()
    %add3A = arith.constant 0 : i32
    %add3A_10 = arith.addi %mul3A_7, %add3A : i32
    %run_scoped3A = arith.constant 0 : i32
    "tpu.region"() ({
      %run_scoped3A_87 = tpu.sem_alloc : memref<!tpu.dma_semaphore, #tpu.memory_space<semaphore_mem>>
      %dma_start3A_88 = arith.constant 0 : i32
      %dma_start3A_89 = arith.constant 0 : i32
      %dma_start3A_90 = tpu.memref_slice %arg7[%run_scoped3A, %dma_start3A_88, %dma_start3A_89] : memref<4x128x64xf32, #tpu.memory_space<vmem>> -> memref<1x128x64xf32, #tpu.memory_space<vmem>>
      %dma_start3A_91 = tpu.memref_squeeze %dma_start3A_90 : memref<1x128x64xf32, #tpu.memory_space<vmem>> -> memref<128x64xf32, #tpu.memory_space<vmem>>
      %dma_start3A_92 = arith.constant 0 : i32
      %dma_start3A_93 = tpu.memref_slice %arg9[%add3A_10, %dma_start3A_92] : memref<10240x64xf32, #tpu.memory_space<vmem_shared>> -> memref<128x64xf32, #tpu.memory_space<vmem_shared>>
      %dma_start3A_94 = arith.constant 0 : i32
      %dma_start3A_95 = tpu.memref_slice %arg9[%add3A_10, %dma_start3A_94] : memref<10240x64xf32, #tpu.memory_space<vmem_shared>> -> memref<128x64xf32, #tpu.memory_space<vmem_shared>>
      %dma_start3A_96 = arith.constant 0 : i32
      %dma_start3A_97 = arith.constant 0 : i32
      %dma_start3A_98 = tpu.memref_slice %arg7[%run_scoped3A, %dma_start3A_96, %dma_start3A_97] : memref<4x128x64xf32, #tpu.memory_space<vmem>> -> memref<1x128x64xf32, #tpu.memory_space<vmem>>
      %dma_start3A_99 = tpu.memref_squeeze %dma_start3A_98 : memref<1x128x64xf32, #tpu.memory_space<vmem>> -> memref<128x64xf32, #tpu.memory_space<vmem>>
      tpu.enqueue_dma source(%dma_start3A_99 : memref<128x64xf32, #tpu.memory_space<vmem>>) target(%dma_start3A_95 : memref<128x64xf32, #tpu.memory_space<vmem_shared>>) target_semaphore(%run_scoped3A_87 : memref<!tpu.dma_semaphore, #tpu.memory_space<semaphore_mem>>)
      %dma_wait3A_100 = arith.constant 0 : i32
      %dma_wait3A_101 = arith.constant 0 : i32
      %dma_wait3A_102 = tpu.memref_slice %arg7[%run_scoped3A, %dma_wait3A_100, %dma_wait3A_101] : memref<4x128x64xf32, #tpu.memory_space<vmem>> -> memref<1x128x64xf32, #tpu.memory_space<vmem>>
      %dma_wait3A_103 = tpu.memref_squeeze %dma_wait3A_102 : memref<1x128x64xf32, #tpu.memory_space<vmem>> -> memref<128x64xf32, #tpu.memory_space<vmem>>
      %dma_wait3A_104 = arith.constant 0 : i32
      %dma_wait3A_105 = tpu.memref_slice %arg9[%add3A_10, %dma_wait3A_104] : memref<10240x64xf32, #tpu.memory_space<vmem_shared>> -> memref<128x64xf32, #tpu.memory_space<vmem_shared>>
      %dma_wait3A_106 = arith.constant 0 : i32
      %dma_wait3A_107 = tpu.memref_slice %arg9[%add3A_10, %dma_wait3A_106] : memref<10240x64xf32, #tpu.memory_space<vmem_shared>> -> memref<128x64xf32, #tpu.memory_space<vmem_shared>>
      %dma_wait3A_108 = arith.constant 0 : i32
      %dma_wait3A_109 = arith.constant 0 : i32
      %dma_wait3A_110 = tpu.memref_slice %arg7[%run_scoped3A, %dma_wait3A_108, %dma_wait3A_109] : memref<4x128x64xf32, #tpu.memory_space<vmem>> -> memref<1x128x64xf32, #tpu.memory_space<vmem>>
      %dma_wait3A_111 = tpu.memref_squeeze %dma_wait3A_110 : memref<1x128x64xf32, #tpu.memory_space<vmem>> -> memref<128x64xf32, #tpu.memory_space<vmem>>
      tpu.wait_dma2 semaphore(%run_scoped3A_87 : memref<!tpu.dma_semaphore, #tpu.memory_space<semaphore_mem>>) src(%dma_wait3A_111 : memref<128x64xf32, #tpu.memory_space<vmem>>) dst(%dma_wait3A_107 : memref<128x64xf32, #tpu.memory_space<vmem_shared>>)
      tpu.yield
    }) : () -> ()
    %add3A_11 = arith.constant 128 : i32
    %add3A_12 = arith.addi %mul3A_7, %add3A_11 : i32
    %run_scoped3A_13 = arith.constant 0 : i32
    "tpu.region"() ({
      %run_scoped3A_87 = tpu.sem_alloc : memref<!tpu.dma_semaphore, #tpu.memory_space<semaphore_mem>>
      %dma_start3A_88 = arith.constant 0 : i32
      %dma_start3A_89 = arith.constant 0 : i32
      %dma_start3A_90 = tpu.memref_slice %arg7[%run_scoped3A_13, %dma_start3A_88, %dma_start3A_89] : memref<4x128x64xf32, #tpu.memory_space<vmem>> -> memref<1x128x64xf32, #tpu.memory_space<vmem>>
      %dma_start3A_91 = tpu.memref_squeeze %dma_start3A_90 : memref<1x128x64xf32, #tpu.memory_space<vmem>> -> memref<128x64xf32, #tpu.memory_space<vmem>>
      %dma_start3A_92 = arith.constant 0 : i32
      %dma_start3A_93 = tpu.memref_slice %arg9[%add3A_12, %dma_start3A_92] : memref<10240x64xf32, #tpu.memory_space<vmem_shared>> -> memref<128x64xf32, #tpu.memory_space<vmem_shared>>
      %dma_start3A_94 = arith.constant 0 : i32
      %dma_start3A_95 = tpu.memref_slice %arg9[%add3A_12, %dma_start3A_94] : memref<10240x64xf32, #tpu.memory_space<vmem_shared>> -> memref<128x64xf32, #tpu.memory_space<vmem_shared>>
      %dma_start3A_96 = arith.constant 0 : i32
      %dma_start3A_97 = arith.constant 0 : i32
      %dma_start3A_98 = tpu.memref_slice %arg7[%run_scoped3A_13, %dma_start3A_96, %dma_start3A_97] : memref<4x128x64xf32, #tpu.memory_space<vmem>> -> memref<1x128x64xf32, #tpu.memory_space<vmem>>
      %dma_start3A_99 = tpu.memref_squeeze %dma_start3A_98 : memref<1x128x64xf32, #tpu.memory_space<vmem>> -> memref<128x64xf32, #tpu.memory_space<vmem>>
      tpu.enqueue_dma source(%dma_start3A_99 : memref<128x64xf32, #tpu.memory_space<vmem>>) target(%dma_start3A_95 : memref<128x64xf32, #tpu.memory_space<vmem_shared>>) target_semaphore(%run_scoped3A_87 : memref<!tpu.dma_semaphore, #tpu.memory_space<semaphore_mem>>)
      %dma_wait3A_100 = arith.constant 0 : i32
      %dma_wait3A_101 = arith.constant 0 : i32
      %dma_wait3A_102 = tpu.memref_slice %arg7[%run_scoped3A_13, %dma_wait3A_100, %dma_wait3A_101] : memref<4x128x64xf32, #tpu.memory_space<vmem>> -> memref<1x128x64xf32, #tpu.memory_space<vmem>>
      %dma_wait3A_103 = tpu.memref_squeeze %dma_wait3A_102 : memref<1x128x64xf32, #tpu.memory_space<vmem>> -> memref<128x64xf32, #tpu.memory_space<vmem>>
      %dma_wait3A_104 = arith.constant 0 : i32
      %dma_wait3A_105 = tpu.memref_slice %arg9[%add3A_12, %dma_wait3A_104] : memref<10240x64xf32, #tpu.memory_space<vmem_shared>> -> memref<128x64xf32, #tpu.memory_space<vmem_shared>>
      %dma_wait3A_106 = arith.constant 0 : i32
      %dma_wait3A_107 = tpu.memref_slice %arg9[%add3A_12, %dma_wait3A_106] : memref<10240x64xf32, #tpu.memory_space<vmem_shared>> -> memref<128x64xf32, #tpu.memory_space<vmem_shared>>
      %dma_wait3A_108 = arith.constant 0 : i32
      %dma_wait3A_109 = arith.constant 0 : i32
      %dma_wait3A_110 = tpu.memref_slice %arg7[%run_scoped3A_13, %dma_wait3A_108, %dma_wait3A_109] : memref<4x128x64xf32, #tpu.memory_space<vmem>> -> memref<1x128x64xf32, #tpu.memory_space<vmem>>
      %dma_wait3A_111 = tpu.memref_squeeze %dma_wait3A_110 : memref<1x128x64xf32, #tpu.memory_space<vmem>> -> memref<128x64xf32, #tpu.memory_space<vmem>>
      tpu.wait_dma2 semaphore(%run_scoped3A_87 : memref<!tpu.dma_semaphore, #tpu.memory_space<semaphore_mem>>) src(%dma_wait3A_111 : memref<128x64xf32, #tpu.memory_space<vmem>>) dst(%dma_wait3A_107 : memref<128x64xf32, #tpu.memory_space<vmem_shared>>)
      tpu.yield
    }) : () -> ()
    %add3A_14 = arith.constant 256 : i32
    %add3A_15 = arith.addi %mul3A_7, %add3A_14 : i32
    %run_scoped3A_16 = arith.constant 0 : i32
    "tpu.region"() ({
      %run_scoped3A_87 = tpu.sem_alloc : memref<!tpu.dma_semaphore, #tpu.memory_space<semaphore_mem>>
      %dma_start3A_88 = arith.constant 0 : i32
      %dma_start3A_89 = arith.constant 0 : i32
      %dma_start3A_90 = tpu.memref_slice %arg7[%run_scoped3A_16, %dma_start3A_88, %dma_start3A_89] : memref<4x128x64xf32, #tpu.memory_space<vmem>> -> memref<1x128x64xf32, #tpu.memory_space<vmem>>
      %dma_start3A_91 = tpu.memref_squeeze %dma_start3A_90 : memref<1x128x64xf32, #tpu.memory_space<vmem>> -> memref<128x64xf32, #tpu.memory_space<vmem>>
      %dma_start3A_92 = arith.constant 0 : i32
      %dma_start3A_93 = tpu.memref_slice %arg9[%add3A_15, %dma_start3A_92] : memref<10240x64xf32, #tpu.memory_space<vmem_shared>> -> memref<128x64xf32, #tpu.memory_space<vmem_shared>>
      %dma_start3A_94 = arith.constant 0 : i32
      %dma_start3A_95 = tpu.memref_slice %arg9[%add3A_15, %dma_start3A_94] : memref<10240x64xf32, #tpu.memory_space<vmem_shared>> -> memref<128x64xf32, #tpu.memory_space<vmem_shared>>
      %dma_start3A_96 = arith.constant 0 : i32
      %dma_start3A_97 = arith.constant 0 : i32
      %dma_start3A_98 = tpu.memref_slice %arg7[%run_scoped3A_16, %dma_start3A_96, %dma_start3A_97] : memref<4x128x64xf32, #tpu.memory_space<vmem>> -> memref<1x128x64xf32, #tpu.memory_space<vmem>>
      %dma_start3A_99 = tpu.memref_squeeze %dma_start3A_98 : memref<1x128x64xf32, #tpu.memory_space<vmem>> -> memref<128x64xf32, #tpu.memory_space<vmem>>
      tpu.enqueue_dma source(%dma_start3A_99 : memref<128x64xf32, #tpu.memory_space<vmem>>) target(%dma_start3A_95 : memref<128x64xf32, #tpu.memory_space<vmem_shared>>) target_semaphore(%run_scoped3A_87 : memref<!tpu.dma_semaphore, #tpu.memory_space<semaphore_mem>>)
      %dma_wait3A_100 = arith.constant 0 : i32
      %dma_wait3A_101 = arith.constant 0 : i32
      %dma_wait3A_102 = tpu.memref_slice %arg7[%run_scoped3A_16, %dma_wait3A_100, %dma_wait3A_101] : memref<4x128x64xf32, #tpu.memory_space<vmem>> -> memref<1x128x64xf32, #tpu.memory_space<vmem>>
      %dma_wait3A_103 = tpu.memref_squeeze %dma_wait3A_102 : memref<1x128x64xf32, #tpu.memory_space<vmem>> -> memref<128x64xf32, #tpu.memory_space<vmem>>
      %dma_wait3A_104 = arith.constant 0 : i32
      %dma_wait3A_105 = tpu.memref_slice %arg9[%add3A_15, %dma_wait3A_104] : memref<10240x64xf32, #tpu.memory_space<vmem_shared>> -> memref<128x64xf32, #tpu.memory_space<vmem_shared>>
      %dma_wait3A_106 = arith.constant 0 : i32
      %dma_wait3A_107 = tpu.memref_slice %arg9[%add3A_15, %dma_wait3A_106] : memref<10240x64xf32, #tpu.memory_space<vmem_shared>> -> memref<128x64xf32, #tpu.memory_space<vmem_shared>>
      %dma_wait3A_108 = arith.constant 0 : i32
      %dma_wait3A_109 = arith.constant 0 : i32
      %dma_wait3A_110 = tpu.memref_slice %arg7[%run_scoped3A_16, %dma_wait3A_108, %dma_wait3A_109] : memref<4x128x64xf32, #tpu.memory_space<vmem>> -> memref<1x128x64xf32, #tpu.memory_space<vmem>>
      %dma_wait3A_111 = tpu.memref_squeeze %dma_wait3A_110 : memref<1x128x64xf32, #tpu.memory_space<vmem>> -> memref<128x64xf32, #tpu.memory_space<vmem>>
      tpu.wait_dma2 semaphore(%run_scoped3A_87 : memref<!tpu.dma_semaphore, #tpu.memory_space<semaphore_mem>>) src(%dma_wait3A_111 : memref<128x64xf32, #tpu.memory_space<vmem>>) dst(%dma_wait3A_107 : memref<128x64xf32, #tpu.memory_space<vmem_shared>>)
      tpu.yield
    }) : () -> ()
    %add3A_17 = arith.constant 384 : i32
    %add3A_18 = arith.addi %mul3A_7, %add3A_17 : i32
    %run_scoped3A_19 = arith.constant 0 : i32
    "tpu.region"() ({
      %run_scoped3A_87 = tpu.sem_alloc : memref<!tpu.dma_semaphore, #tpu.memory_space<semaphore_mem>>
      %dma_start3A_88 = arith.constant 0 : i32
      %dma_start3A_89 = arith.constant 0 : i32
      %dma_start3A_90 = tpu.memref_slice %arg7[%run_scoped3A_19, %dma_start3A_88, %dma_start3A_89] : memref<4x128x64xf32, #tpu.memory_space<vmem>> -> memref<1x128x64xf32, #tpu.memory_space<vmem>>
      %dma_start3A_91 = tpu.memref_squeeze %dma_start3A_90 : memref<1x128x64xf32, #tpu.memory_space<vmem>> -> memref<128x64xf32, #tpu.memory_space<vmem>>
      %dma_start3A_92 = arith.constant 0 : i32
      %dma_start3A_93 = tpu.memref_slice %arg9[%add3A_18, %dma_start3A_92] : memref<10240x64xf32, #tpu.memory_space<vmem_shared>> -> memref<128x64xf32, #tpu.memory_space<vmem_shared>>
      %dma_start3A_94 = arith.constant 0 : i32
      %dma_start3A_95 = tpu.memref_slice %arg9[%add3A_18, %dma_start3A_94] : memref<10240x64xf32, #tpu.memory_space<vmem_shared>> -> memref<128x64xf32, #tpu.memory_space<vmem_shared>>
      %dma_start3A_96 = arith.constant 0 : i32
      %dma_start3A_97 = arith.constant 0 : i32
      %dma_start3A_98 = tpu.memref_slice %arg7[%run_scoped3A_19, %dma_start3A_96, %dma_start3A_97] : memref<4x128x64xf32, #tpu.memory_space<vmem>> -> memref<1x128x64xf32, #tpu.memory_space<vmem>>
      %dma_start3A_99 = tpu.memref_squeeze %dma_start3A_98 : memref<1x128x64xf32, #tpu.memory_space<vmem>> -> memref<128x64xf32, #tpu.memory_space<vmem>>
      tpu.enqueue_dma source(%dma_start3A_99 : memref<128x64xf32, #tpu.memory_space<vmem>>) target(%dma_start3A_95 : memref<128x64xf32, #tpu.memory_space<vmem_shared>>) target_semaphore(%run_scoped3A_87 : memref<!tpu.dma_semaphore, #tpu.memory_space<semaphore_mem>>)
      %dma_wait3A_100 = arith.constant 0 : i32
      %dma_wait3A_101 = arith.constant 0 : i32
      %dma_wait3A_102 = tpu.memref_slice %arg7[%run_scoped3A_19, %dma_wait3A_100, %dma_wait3A_101] : memref<4x128x64xf32, #tpu.memory_space<vmem>> -> memref<1x128x64xf32, #tpu.memory_space<vmem>>
      %dma_wait3A_103 = tpu.memref_squeeze %dma_wait3A_102 : memref<1x128x64xf32, #tpu.memory_space<vmem>> -> memref<128x64xf32, #tpu.memory_space<vmem>>
      %dma_wait3A_104 = arith.constant 0 : i32
      %dma_wait3A_105 = tpu.memref_slice %arg9[%add3A_18, %dma_wait3A_104] : memref<10240x64xf32, #tpu.memory_space<vmem_shared>> -> memref<128x64xf32, #tpu.memory_space<vmem_shared>>
      %dma_wait3A_106 = arith.constant 0 : i32
      %dma_wait3A_107 = tpu.memref_slice %arg9[%add3A_18, %dma_wait3A_106] : memref<10240x64xf32, #tpu.memory_space<vmem_shared>> -> memref<128x64xf32, #tpu.memory_space<vmem_shared>>
      %dma_wait3A_108 = arith.constant 0 : i32
      %dma_wait3A_109 = arith.constant 0 : i32
      %dma_wait3A_110 = tpu.memref_slice %arg7[%run_scoped3A_19, %dma_wait3A_108, %dma_wait3A_109] : memref<4x128x64xf32, #tpu.memory_space<vmem>> -> memref<1x128x64xf32, #tpu.memory_space<vmem>>
      %dma_wait3A_111 = tpu.memref_squeeze %dma_wait3A_110 : memref<1x128x64xf32, #tpu.memory_space<vmem>> -> memref<128x64xf32, #tpu.memory_space<vmem>>
      tpu.wait_dma2 semaphore(%run_scoped3A_87 : memref<!tpu.dma_semaphore, #tpu.memory_space<semaphore_mem>>) src(%dma_wait3A_111 : memref<128x64xf32, #tpu.memory_space<vmem>>) dst(%dma_wait3A_107 : memref<128x64xf32, #tpu.memory_space<vmem_shared>>)
      tpu.yield
    }) : () -> ()
    %add3A_20 = arith.constant 512 : i32
    %add3A_21 = arith.addi %mul3A_7, %add3A_20 : i32
    %run_scoped3A_22 = arith.constant 0 : i32
    "tpu.region"() ({
      %run_scoped3A_87 = tpu.sem_alloc : memref<!tpu.dma_semaphore, #tpu.memory_space<semaphore_mem>>
      %dma_start3A_88 = arith.constant 0 : i32
      %dma_start3A_89 = arith.constant 0 : i32
      %dma_start3A_90 = tpu.memref_slice %arg7[%run_scoped3A_22, %dma_start3A_88, %dma_start3A_89] : memref<4x128x64xf32, #tpu.memory_space<vmem>> -> memref<1x128x64xf32, #tpu.memory_space<vmem>>
      %dma_start3A_91 = tpu.memref_squeeze %dma_start3A_90 : memref<1x128x64xf32, #tpu.memory_space<vmem>> -> memref<128x64xf32, #tpu.memory_space<vmem>>
      %dma_start3A_92 = arith.constant 0 : i32
      %dma_start3A_93 = tpu.memref_slice %arg9[%add3A_21, %dma_start3A_92] : memref<10240x64xf32, #tpu.memory_space<vmem_shared>> -> memref<128x64xf32, #tpu.memory_space<vmem_shared>>
      %dma_start3A_94 = arith.constant 0 : i32
      %dma_start3A_95 = tpu.memref_slice %arg9[%add3A_21, %dma_start3A_94] : memref<10240x64xf32, #tpu.memory_space<vmem_shared>> -> memref<128x64xf32, #tpu.memory_space<vmem_shared>>
      %dma_start3A_96 = arith.constant 0 : i32
      %dma_start3A_97 = arith.constant 0 : i32
      %dma_start3A_98 = tpu.memref_slice %arg7[%run_scoped3A_22, %dma_start3A_96, %dma_start3A_97] : memref<4x128x64xf32, #tpu.memory_space<vmem>> -> memref<1x128x64xf32, #tpu.memory_space<vmem>>
      %dma_start3A_99 = tpu.memref_squeeze %dma_start3A_98 : memref<1x128x64xf32, #tpu.memory_space<vmem>> -> memref<128x64xf32, #tpu.memory_space<vmem>>
      tpu.enqueue_dma source(%dma_start3A_99 : memref<128x64xf32, #tpu.memory_space<vmem>>) target(%dma_start3A_95 : memref<128x64xf32, #tpu.memory_space<vmem_shared>>) target_semaphore(%run_scoped3A_87 : memref<!tpu.dma_semaphore, #tpu.memory_space<semaphore_mem>>)
      %dma_wait3A_100 = arith.constant 0 : i32
      %dma_wait3A_101 = arith.constant 0 : i32
      %dma_wait3A_102 = tpu.memref_slice %arg7[%run_scoped3A_22, %dma_wait3A_100, %dma_wait3A_101] : memref<4x128x64xf32, #tpu.memory_space<vmem>> -> memref<1x128x64xf32, #tpu.memory_space<vmem>>
      %dma_wait3A_103 = tpu.memref_squeeze %dma_wait3A_102 : memref<1x128x64xf32, #tpu.memory_space<vmem>> -> memref<128x64xf32, #tpu.memory_space<vmem>>
      %dma_wait3A_104 = arith.constant 0 : i32
      %dma_wait3A_105 = tpu.memref_slice %arg9[%add3A_21, %dma_wait3A_104] : memref<10240x64xf32, #tpu.memory_space<vmem_shared>> -> memref<128x64xf32, #tpu.memory_space<vmem_shared>>
      %dma_wait3A_106 = arith.constant 0 : i32
      %dma_wait3A_107 = tpu.memref_slice %arg9[%add3A_21, %dma_wait3A_106] : memref<10240x64xf32, #tpu.memory_space<vmem_shared>> -> memref<128x64xf32, #tpu.memory_space<vmem_shared>>
      %dma_wait3A_108 = arith.constant 0 : i32
      %dma_wait3A_109 = arith.constant 0 : i32
      %dma_wait3A_110 = tpu.memref_slice %arg7[%run_scoped3A_22, %dma_wait3A_108, %dma_wait3A_109] : memref<4x128x64xf32, #tpu.memory_space<vmem>> -> memref<1x128x64xf32, #tpu.memory_space<vmem>>
      %dma_wait3A_111 = tpu.memref_squeeze %dma_wait3A_110 : memref<1x128x64xf32, #tpu.memory_space<vmem>> -> memref<128x64xf32, #tpu.memory_space<vmem>>
      tpu.wait_dma2 semaphore(%run_scoped3A_87 : memref<!tpu.dma_semaphore, #tpu.memory_space<semaphore_mem>>) src(%dma_wait3A_111 : memref<128x64xf32, #tpu.memory_space<vmem>>) dst(%dma_wait3A_107 : memref<128x64xf32, #tpu.memory_space<vmem_shared>>)
      tpu.yield
    }) : () -> ()
    %barrier3A = arith.constant 0 : index
    tpu.barrier barrier_id(%barrier3A)
    %run_scoped3A_23 = arith.constant 0 : i32
    %run_scoped3A_24 = arith.constant 0 : i32
    "tpu.region"() ({
      %run_scoped3A_87 = tpu.sem_alloc : memref<!tpu.dma_semaphore, #tpu.memory_space<semaphore_mem>>
      %dma_start3A_88 = arith.constant 0 : i32
      %dma_start3A_89 = arith.constant 0 : i32
      %dma_start3A_90 = tpu.memref_slice %arg5[%run_scoped3A_24, %dma_start3A_88, %dma_start3A_89] : memref<2x12x128xi32, #tpu.memory_space<vmem>> -> memref<1x12x128xi32, #tpu.memory_space<vmem>>
      %dma_start3A_91 = tpu.memref_squeeze %dma_start3A_90 : memref<1x12x128xi32, #tpu.memory_space<vmem>> -> memref<12x128xi32, #tpu.memory_space<vmem>>
      %dma_start3A_92 = arith.constant 0 : i32
      %dma_start3A_93 = tpu.memref_slice %arg3[%run_scoped3A_23, %mul3A_0, %dma_start3A_92] : memref<2x2500x128xi32, #tpu.memory_space<hbm>> -> memref<1x12x128xi32, #tpu.memory_space<hbm>>
      %dma_start3A_94 = tpu.memref_squeeze %dma_start3A_93 : memref<1x12x128xi32, #tpu.memory_space<hbm>> -> memref<12x128xi32, #tpu.memory_space<hbm>>
      %dma_start3A_95 = arith.constant 0 : i32
      %dma_start3A_96 = arith.constant 0 : i32
      %dma_start3A_97 = tpu.memref_slice %arg5[%run_scoped3A_24, %dma_start3A_95, %dma_start3A_96] : memref<2x12x128xi32, #tpu.memory_space<vmem>> -> memref<1x12x128xi32, #tpu.memory_space<vmem>>
      %dma_start3A_98 = tpu.memref_squeeze %dma_start3A_97 : memref<1x12x128xi32, #tpu.memory_space<vmem>> -> memref<12x128xi32, #tpu.memory_space<vmem>>
      %dma_start3A_99 = arith.constant 0 : i32
      %dma_start3A_100 = tpu.memref_slice %arg3[%run_scoped3A_23, %mul3A_0, %dma_start3A_99] : memref<2x2500x128xi32, #tpu.memory_space<hbm>> -> memref<1x12x128xi32, #tpu.memory_space<hbm>>
      %dma_start3A_101 = tpu.memref_squeeze %dma_start3A_100 : memref<1x12x128xi32, #tpu.memory_space<hbm>> -> memref<12x128xi32, #tpu.memory_space<hbm>>
      tpu.enqueue_dma source(%dma_start3A_101 : memref<12x128xi32, #tpu.memory_space<hbm>>) target(%dma_start3A_98 : memref<12x128xi32, #tpu.memory_space<vmem>>) target_semaphore(%run_scoped3A_87 : memref<!tpu.dma_semaphore, #tpu.memory_space<semaphore_mem>>)
      %dma_wait3A_102 = arith.constant 0 : i32
      %dma_wait3A_103 = arith.constant 0 : i32
      %dma_wait3A_104 = tpu.memref_slice %arg5[%run_scoped3A_24, %dma_wait3A_102, %dma_wait3A_103] : memref<2x12x128xi32, #tpu.memory_space<vmem>> -> memref<1x12x128xi32, #tpu.memory_space<vmem>>
      %dma_wait3A_105 = tpu.memref_squeeze %dma_wait3A_104 : memref<1x12x128xi32, #tpu.memory_space<vmem>> -> memref<12x128xi32, #tpu.memory_space<vmem>>
      %dma_wait3A_106 = arith.constant 0 : i32
      %dma_wait3A_107 = tpu.memref_slice %arg3[%run_scoped3A_23, %mul3A_0, %dma_wait3A_106] : memref<2x2500x128xi32, #tpu.memory_space<hbm>> -> memref<1x12x128xi32, #tpu.memory_space<hbm>>
      %dma_wait3A_108 = tpu.memref_squeeze %dma_wait3A_107 : memref<1x12x128xi32, #tpu.memory_space<hbm>> -> memref<12x128xi32, #tpu.memory_space<hbm>>
      %dma_wait3A_109 = arith.constant 0 : i32
      %dma_wait3A_110 = arith.constant 0 : i32
      %dma_wait3A_111 = tpu.memref_slice %arg5[%run_scoped3A_24, %dma_wait3A_109, %dma_wait3A_110] : memref<2x12x128xi32, #tpu.memory_space<vmem>> -> memref<1x12x128xi32, #tpu.memory_space<vmem>>
      %dma_wait3A_112 = tpu.memref_squeeze %dma_wait3A_111 : memref<1x12x128xi32, #tpu.memory_space<vmem>> -> memref<12x128xi32, #tpu.memory_space<vmem>>
      %dma_wait3A_113 = arith.constant 0 : i32
      %dma_wait3A_114 = tpu.memref_slice %arg3[%run_scoped3A_23, %mul3A_0, %dma_wait3A_113] : memref<2x2500x128xi32, #tpu.memory_space<hbm>> -> memref<1x12x128xi32, #tpu.memory_space<hbm>>
      %dma_wait3A_115 = tpu.memref_squeeze %dma_wait3A_114 : memref<1x12x128xi32, #tpu.memory_space<hbm>> -> memref<12x128xi32, #tpu.memory_space<hbm>>
      tpu.wait_dma2 semaphore(%run_scoped3A_87 : memref<!tpu.dma_semaphore, #tpu.memory_space<semaphore_mem>>) src(%dma_wait3A_115 : memref<12x128xi32, #tpu.memory_space<hbm>>) dst(%dma_wait3A_112 : memref<12x128xi32, #tpu.memory_space<vmem>>)
      tpu.yield
    }) : () -> ()
    %run_scoped3A_25 = arith.constant 1 : i32
    %run_scoped3A_26 = arith.constant 0 : i32
    "tpu.region"() ({
      %run_scoped3A_87 = tpu.sem_alloc : memref<!tpu.dma_semaphore, #tpu.memory_space<semaphore_mem>>
      %dma_start3A_88 = arith.constant 0 : i32
      %dma_start3A_89 = arith.constant 0 : i32
      %dma_start3A_90 = tpu.memref_slice %arg6[%run_scoped3A_26, %dma_start3A_88, %dma_start3A_89] : memref<2x12x128xi32, #tpu.memory_space<vmem>> -> memref<1x12x128xi32, #tpu.memory_space<vmem>>
      %dma_start3A_91 = tpu.memref_squeeze %dma_start3A_90 : memref<1x12x128xi32, #tpu.memory_space<vmem>> -> memref<12x128xi32, #tpu.memory_space<vmem>>
      %dma_start3A_92 = arith.constant 0 : i32
      %dma_start3A_93 = tpu.memref_slice %arg3[%run_scoped3A_25, %mul3A_0, %dma_start3A_92] : memref<2x2500x128xi32, #tpu.memory_space<hbm>> -> memref<1x12x128xi32, #tpu.memory_space<hbm>>
      %dma_start3A_94 = tpu.memref_squeeze %dma_start3A_93 : memref<1x12x128xi32, #tpu.memory_space<hbm>> -> memref<12x128xi32, #tpu.memory_space<hbm>>
      %dma_start3A_95 = arith.constant 0 : i32
      %dma_start3A_96 = arith.constant 0 : i32
      %dma_start3A_97 = tpu.memref_slice %arg6[%run_scoped3A_26, %dma_start3A_95, %dma_start3A_96] : memref<2x12x128xi32, #tpu.memory_space<vmem>> -> memref<1x12x128xi32, #tpu.memory_space<vmem>>
      %dma_start3A_98 = tpu.memref_squeeze %dma_start3A_97 : memref<1x12x128xi32, #tpu.memory_space<vmem>> -> memref<12x128xi32, #tpu.memory_space<vmem>>
      %dma_start3A_99 = arith.constant 0 : i32
      %dma_start3A_100 = tpu.memref_slice %arg3[%run_scoped3A_25, %mul3A_0, %dma_start3A_99] : memref<2x2500x128xi32, #tpu.memory_space<hbm>> -> memref<1x12x128xi32, #tpu.memory_space<hbm>>
      %dma_start3A_101 = tpu.memref_squeeze %dma_start3A_100 : memref<1x12x128xi32, #tpu.memory_space<hbm>> -> memref<12x128xi32, #tpu.memory_space<hbm>>
      tpu.enqueue_dma source(%dma_start3A_101 : memref<12x128xi32, #tpu.memory_space<hbm>>) target(%dma_start3A_98 : memref<12x128xi32, #tpu.memory_space<vmem>>) target_semaphore(%run_scoped3A_87 : memref<!tpu.dma_semaphore, #tpu.memory_space<semaphore_mem>>)
      %dma_wait3A_102 = arith.constant 0 : i32
      %dma_wait3A_103 = arith.constant 0 : i32
      %dma_wait3A_104 = tpu.memref_slice %arg6[%run_scoped3A_26, %dma_wait3A_102, %dma_wait3A_103] : memref<2x12x128xi32, #tpu.memory_space<vmem>> -> memref<1x12x128xi32, #tpu.memory_space<vmem>>
      %dma_wait3A_105 = tpu.memref_squeeze %dma_wait3A_104 : memref<1x12x128xi32, #tpu.memory_space<vmem>> -> memref<12x128xi32, #tpu.memory_space<vmem>>
      %dma_wait3A_106 = arith.constant 0 : i32
      %dma_wait3A_107 = tpu.memref_slice %arg3[%run_scoped3A_25, %mul3A_0, %dma_wait3A_106] : memref<2x2500x128xi32, #tpu.memory_space<hbm>> -> memref<1x12x128xi32, #tpu.memory_space<hbm>>
      %dma_wait3A_108 = tpu.memref_squeeze %dma_wait3A_107 : memref<1x12x128xi32, #tpu.memory_space<hbm>> -> memref<12x128xi32, #tpu.memory_space<hbm>>
      %dma_wait3A_109 = arith.constant 0 : i32
      %dma_wait3A_110 = arith.constant 0 : i32
      %dma_wait3A_111 = tpu.memref_slice %arg6[%run_scoped3A_26, %dma_wait3A_109, %dma_wait3A_110] : memref<2x12x128xi32, #tpu.memory_space<vmem>> -> memref<1x12x128xi32, #tpu.memory_space<vmem>>
      %dma_wait3A_112 = tpu.memref_squeeze %dma_wait3A_111 : memref<1x12x128xi32, #tpu.memory_space<vmem>> -> memref<12x128xi32, #tpu.memory_space<vmem>>
      %dma_wait3A_113 = arith.constant 0 : i32
      %dma_wait3A_114 = tpu.memref_slice %arg3[%run_scoped3A_25, %mul3A_0, %dma_wait3A_113] : memref<2x2500x128xi32, #tpu.memory_space<hbm>> -> memref<1x12x128xi32, #tpu.memory_space<hbm>>
      %dma_wait3A_115 = tpu.memref_squeeze %dma_wait3A_114 : memref<1x12x128xi32, #tpu.memory_space<hbm>> -> memref<12x128xi32, #tpu.memory_space<hbm>>
      tpu.wait_dma2 semaphore(%run_scoped3A_87 : memref<!tpu.dma_semaphore, #tpu.memory_space<semaphore_mem>>) src(%dma_wait3A_115 : memref<12x128xi32, #tpu.memory_space<hbm>>) dst(%dma_wait3A_112 : memref<12x128xi32, #tpu.memory_space<vmem>>)
      tpu.yield
    }) : () -> ()
    %dma_start3A = arith.constant 0 : i32
    %dma_start3A_27 = arith.constant 0 : i32
    %dma_start3A_28 = arith.constant 0 : i32
    %dma_start3A_29 = arith.constant 0 : i32
    %dma_start3A_30 = arith.constant 0 : i32
    %dma_start3A_31 = tpu.memref_slice %arg7[%dma_start3A_28, %dma_start3A_29, %dma_start3A_30] : memref<4x128x64xf32, #tpu.memory_space<vmem>> -> memref<1x128x64xf32, #tpu.memory_space<vmem>>
    %dma_start3A_32 = tpu.memref_squeeze %dma_start3A_31 : memref<1x128x64xf32, #tpu.memory_space<vmem>> -> memref<128x64xf32, #tpu.memory_space<vmem>>
    %dma_start3A_33 = arith.constant 0 : i32
    %dma_start3A_34 = tpu.memref_slice %arg5[%dma_start3A, %dma_start3A_27, %dma_start3A_33] : memref<2x12x128xi32, #tpu.memory_space<vmem>> -> memref<1x1x128xi32, #tpu.memory_space<vmem>>
    %dma_start3A_35 = tpu.memref_squeeze %dma_start3A_34 : memref<1x1x128xi32, #tpu.memory_space<vmem>> -> memref<128xi32, #tpu.memory_space<vmem>>
    %dma_start3A_36 = arith.constant 0 : i32
    %dma_start3A_37 = arith.constant 0 : i32
    %dma_start3A_38 = tpu.memref_slice %arg8[%dma_start3A_36, %dma_start3A_37] : memref<10240x64xf32, #tpu.memory_space<vmem_shared>> -> memref<10240x64xf32, #tpu.memory_space<vmem_shared>>
    tpu.enqueue_indirect_dma source(%dma_start3A_38 : memref<10240x64xf32, #tpu.memory_space<vmem_shared>>) target(%dma_start3A_32 : memref<128x64xf32, #tpu.memory_space<vmem>>) offsets(%dma_start3A_35 : memref<128xi32, #tpu.memory_space<vmem>>) semaphore(%arg10 : memref<!tpu.dma_semaphore, #tpu.memory_space<semaphore_mem>>)
    %dma_start3A_39 = arith.constant 0 : i32
    %dma_start3A_40 = arith.constant 1 : i32
    %dma_start3A_41 = arith.constant 1 : i32
    %dma_start3A_42 = arith.constant 0 : i32
    %dma_start3A_43 = arith.constant 0 : i32
    %dma_start3A_44 = tpu.memref_slice %arg7[%dma_start3A_41, %dma_start3A_42, %dma_start3A_43] : memref<4x128x64xf32, #tpu.memory_space<vmem>> -> memref<1x128x64xf32, #tpu.memory_space<vmem>>
    %dma_start3A_45 = tpu.memref_squeeze %dma_start3A_44 : memref<1x128x64xf32, #tpu.memory_space<vmem>> -> memref<128x64xf32, #tpu.memory_space<vmem>>
    %dma_start3A_46 = arith.constant 0 : i32
    %dma_start3A_47 = tpu.memref_slice %arg5[%dma_start3A_39, %dma_start3A_40, %dma_start3A_46] : memref<2x12x128xi32, #tpu.memory_space<vmem>> -> memref<1x1x128xi32, #tpu.memory_space<vmem>>
    %dma_start3A_48 = tpu.memref_squeeze %dma_start3A_47 : memref<1x1x128xi32, #tpu.memory_space<vmem>> -> memref<128xi32, #tpu.memory_space<vmem>>
    %dma_start3A_49 = arith.constant 0 : i32
    %dma_start3A_50 = arith.constant 0 : i32
    %dma_start3A_51 = tpu.memref_slice %arg8[%dma_start3A_49, %dma_start3A_50] : memref<10240x64xf32, #tpu.memory_space<vmem_shared>> -> memref<10240x64xf32, #tpu.memory_space<vmem_shared>>
    tpu.enqueue_indirect_dma source(%dma_start3A_51 : memref<10240x64xf32, #tpu.memory_space<vmem_shared>>) target(%dma_start3A_45 : memref<128x64xf32, #tpu.memory_space<vmem>>) offsets(%dma_start3A_48 : memref<128xi32, #tpu.memory_space<vmem>>) semaphore(%arg10 : memref<!tpu.dma_semaphore, #tpu.memory_space<semaphore_mem>>)
    %scan3A_52 = arith.constant 0 : i32
    %scan3A_53 = arith.constant 13 : i32
    %scan3A_54 = arith.addi %scan3A_52, %scan3A_53 : i32
    %scan3A_55 = arith.constant 1 : i32
    scf.for %scan3A_87 = %scan3A_52 to %scan3A_54 step %scan3A_55  : i32 {
      %mul3A_88 = arith.constant 1 : i32
      %mul3A_89 = arith.muli %scan3A_87, %mul3A_88 : i32
      %add3A_90 = arith.constant 0 : i32
      %add3A_91 = arith.addi %add3A_90, %mul3A_89 : i32
      %jit3A = arith.constant 2 : i32
      %eq3A = arith.constant 0 : i32
      %eq3A_92 = arith.cmpi eq, %jit3A, %eq3A : i32
      %jit3A_93 = arith.constant 1 : i32
      %select_n3A = arith.select %eq3A_92, %jit3A_93, %jit3A : i32
      %rem3A = arith.remsi %add3A_91, %select_n3A : i32
      %ne3A = arith.constant 0 : i32
      %ne3A_94 = arith.cmpi ne, %rem3A, %ne3A : i32
      %lt3A_95 = arith.constant 0 : i32
      %lt3A_96 = arith.cmpi slt, %rem3A, %lt3A_95 : i32
      %lt3A_97 = arith.constant 0 : i32
      %lt3A_98 = arith.cmpi slt, %select_n3A, %lt3A_97 : i32
      %ne3A_99 = arith.xori %lt3A_96, %lt3A_98 : i1
      %and3A = arith.andi %ne3A_99, %ne3A_94 : i1
      %add3A_100 = arith.addi %rem3A, %select_n3A : i32
      %select_n3A_101 = arith.select %and3A, %add3A_100, %rem3A : i32
      %scan3A_102 = arith.constant 0 : i32
      %scan3A_103 = arith.constant 12 : i32
      %scan3A_104 = arith.addi %scan3A_102, %scan3A_103 : i32
      %scan3A_105 = arith.constant 1 : i32
      scf.for %scan3A_107 = %scan3A_102 to %scan3A_104 step %scan3A_105  : i32 {
        %mul3A_108 = arith.constant 1 : i32
        %mul3A_109 = arith.muli %scan3A_107, %mul3A_108 : i32
        %add3A_110 = arith.constant 0 : i32
        %add3A_111 = arith.addi %add3A_110, %mul3A_109 : i32
        %mul3A_112 = arith.constant 12 : i32
        %mul3A_113 = arith.muli %add3A_91, %mul3A_112 : i32
        %add3A_114 = arith.addi %mul3A_113, %add3A_111 : i32
        %jit3A_115 = arith.constant 4 : i32
        %eq3A_116 = arith.constant 0 : i32
        %eq3A_117 = arith.cmpi eq, %jit3A_115, %eq3A_116 : i32
        %jit3A_118 = arith.constant 1 : i32
        %select_n3A_119 = arith.select %eq3A_117, %jit3A_118, %jit3A_115 : i32
        %rem3A_120 = arith.remsi %add3A_114, %select_n3A_119 : i32
        %ne3A_121 = arith.constant 0 : i32
        %ne3A_122 = arith.cmpi ne, %rem3A_120, %ne3A_121 : i32
        %lt3A_123 = arith.constant 0 : i32
        %lt3A_124 = arith.cmpi slt, %rem3A_120, %lt3A_123 : i32
        %lt3A_125 = arith.constant 0 : i32
        %lt3A_126 = arith.cmpi slt, %select_n3A_119, %lt3A_125 : i32
        %ne3A_127 = arith.xori %lt3A_124, %lt3A_126 : i1
        %and3A_128 = arith.andi %ne3A_127, %ne3A_122 : i1
        %add3A_129 = arith.addi %rem3A_120, %select_n3A_119 : i32
        %select_n3A_130 = arith.select %and3A_128, %add3A_129, %rem3A_120 : i32
        %dma_wait3A_131 = arith.constant 0 : i32
        %dma_wait3A_132 = arith.constant 0 : i32
        %dma_wait3A_133 = arith.constant 0 : i32
        %dma_wait3A_134 = arith.constant 0 : i32
        %dma_wait3A_135 = tpu.memref_slice %arg7[%select_n3A_130, %dma_wait3A_133, %dma_wait3A_134] : memref<4x128x64xf32, #tpu.memory_space<vmem>> -> memref<1x128x64xf32, #tpu.memory_space<vmem>>
        %dma_wait3A_136 = tpu.memref_squeeze %dma_wait3A_135 : memref<1x128x64xf32, #tpu.memory_space<vmem>> -> memref<128x64xf32, #tpu.memory_space<vmem>>
        %dma_wait3A_137 = arith.constant 0 : i32
        %dma_wait3A_138 = tpu.memref_slice %arg5[%dma_wait3A_131, %dma_wait3A_132, %dma_wait3A_137] : memref<2x12x128xi32, #tpu.memory_space<vmem>> -> memref<1x1x128xi32, #tpu.memory_space<vmem>>
        %dma_wait3A_139 = tpu.memref_squeeze %dma_wait3A_138 : memref<1x1x128xi32, #tpu.memory_space<vmem>> -> memref<128xi32, #tpu.memory_space<vmem>>
        %dma_wait3A_140 = arith.constant 0 : i32
        %dma_wait3A_141 = arith.constant 0 : i32
        %dma_wait3A_142 = tpu.memref_slice %arg8[%dma_wait3A_140, %dma_wait3A_141] : memref<10240x64xf32, #tpu.memory_space<vmem_shared>> -> memref<10240x64xf32, #tpu.memory_space<vmem_shared>>
        tpu.wait_indirect_dma semaphore(%arg10 : memref<!tpu.dma_semaphore, #tpu.memory_space<semaphore_mem>>) src(%dma_wait3A_142 : memref<10240x64xf32, #tpu.memory_space<vmem_shared>>) dst(%dma_wait3A_136 : memref<128x64xf32, #tpu.memory_space<vmem>>)
        %ge3A = arith.constant 2 : i32
        %ge3A_143 = arith.cmpi sge, %add3A_114, %ge3A : i32
        %convert_element_type3A_144 = arith.extui %ge3A_143 : i1 to i32
        %cond3A_145 = arith.constant 0 : i32
        %cond3A_146 = arith.cmpi ne, %convert_element_type3A_144, %cond3A_145 : i32
        scf.if %cond3A_146 {
          %add3A_184 = arith.constant 2 : i32
          %add3A_185 = arith.addi %add3A_114, %add3A_184 : i32
          %jit3A_186 = arith.constant 4 : i32
          %eq3A_187 = arith.constant 0 : i32
          %eq3A_188 = arith.cmpi eq, %jit3A_186, %eq3A_187 : i32
          %jit3A_189 = arith.constant 1 : i32
          %select_n3A_190 = arith.select %eq3A_188, %jit3A_189, %jit3A_186 : i32
          %rem3A_191 = arith.remsi %add3A_185, %select_n3A_190 : i32
          %ne3A_192 = arith.constant 0 : i32
          %ne3A_193 = arith.cmpi ne, %rem3A_191, %ne3A_192 : i32
          %lt3A_194 = arith.constant 0 : i32
          %lt3A_195 = arith.cmpi slt, %rem3A_191, %lt3A_194 : i32
          %lt3A_196 = arith.constant 0 : i32
          %lt3A_197 = arith.cmpi slt, %select_n3A_190, %lt3A_196 : i32
          %ne3A_198 = arith.xori %lt3A_195, %lt3A_197 : i1
          %and3A_199 = arith.andi %ne3A_198, %ne3A_193 : i1
          %add3A_200 = arith.addi %rem3A_191, %select_n3A_190 : i32
          %select_n3A_201 = arith.select %and3A_199, %add3A_200, %rem3A_191 : i32
          %dma_wait3A_202 = arith.constant 0 : i32
          %dma_wait3A_203 = arith.constant 0 : i32
          %dma_wait3A_204 = arith.constant 0 : i32
          %dma_wait3A_205 = arith.constant 0 : i32
          %dma_wait3A_206 = tpu.memref_slice %arg7[%select_n3A_201, %dma_wait3A_204, %dma_wait3A_205] : memref<4x128x64xf32, #tpu.memory_space<vmem>> -> memref<1x128x64xf32, #tpu.memory_space<vmem>>
          %dma_wait3A_207 = tpu.memref_squeeze %dma_wait3A_206 : memref<1x128x64xf32, #tpu.memory_space<vmem>> -> memref<128x64xf32, #tpu.memory_space<vmem>>
          %dma_wait3A_208 = arith.constant 0 : i32
          %dma_wait3A_209 = tpu.memref_slice %arg6[%dma_wait3A_202, %dma_wait3A_203, %dma_wait3A_208] : memref<2x12x128xi32, #tpu.memory_space<vmem>> -> memref<1x1x128xi32, #tpu.memory_space<vmem>>
          %dma_wait3A_210 = tpu.memref_squeeze %dma_wait3A_209 : memref<1x1x128xi32, #tpu.memory_space<vmem>> -> memref<128xi32, #tpu.memory_space<vmem>>
          %dma_wait3A_211 = arith.constant 0 : i32
          %dma_wait3A_212 = arith.constant 0 : i32
          %dma_wait3A_213 = tpu.memref_slice %arg9[%dma_wait3A_211, %dma_wait3A_212] : memref<10240x64xf32, #tpu.memory_space<vmem_shared>> -> memref<10240x64xf32, #tpu.memory_space<vmem_shared>>
          tpu.wait_indirect_dma semaphore(%arg11 : memref<!tpu.dma_semaphore, #tpu.memory_space<semaphore_mem>>) src(%dma_wait3A_207 : memref<128x64xf32, #tpu.memory_space<vmem>>) dst(%dma_wait3A_213 : memref<10240x64xf32, #tpu.memory_space<vmem_shared>>)
        } else {
        }
        %eq3A_147 = arith.constant 2 : i32
        %eq3A_148 = arith.cmpi eq, %add3A_111, %eq3A_147 : i32
        %add3A_149 = arith.constant 1 : i32
        %add3A_150 = arith.addi %add3A_91, %add3A_149 : i32
        %lt3A_151 = arith.constant 13 : i32
        %lt3A_152 = arith.cmpi slt, %add3A_150, %lt3A_151 : i32
        %and3A_153 = arith.andi %eq3A_148, %lt3A_152 : i1
        %convert_element_type3A_154 = arith.extui %and3A_153 : i1 to i32
        %cond3A_155 = arith.constant 0 : i32
        %cond3A_156 = arith.cmpi ne, %convert_element_type3A_154, %cond3A_155 : i32
        scf.if %cond3A_156 {
          %add3A_184 = arith.constant 1 : i32
          %add3A_185 = arith.addi %add3A_91, %add3A_184 : i32
          %mul3A_186 = arith.constant 12 : i32
          %mul3A_187 = arith.muli %add3A_185, %mul3A_186 : i32
          %add3A_188 = arith.addi %mul3A_0, %mul3A_187 : i32
          %add3A_189 = arith.constant 1 : i32
          %add3A_190 = arith.addi %add3A_91, %add3A_189 : i32
          %jit3A_191 = arith.constant 2 : i32
          %eq3A_192 = arith.constant 0 : i32
          %eq3A_193 = arith.cmpi eq, %jit3A_191, %eq3A_192 : i32
          %jit3A_194 = arith.constant 1 : i32
          %select_n3A_195 = arith.select %eq3A_193, %jit3A_194, %jit3A_191 : i32
          %rem3A_196 = arith.remsi %add3A_190, %select_n3A_195 : i32
          %ne3A_197 = arith.constant 0 : i32
          %ne3A_198 = arith.cmpi ne, %rem3A_196, %ne3A_197 : i32
          %lt3A_199 = arith.constant 0 : i32
          %lt3A_200 = arith.cmpi slt, %rem3A_196, %lt3A_199 : i32
          %lt3A_201 = arith.constant 0 : i32
          %lt3A_202 = arith.cmpi slt, %select_n3A_195, %lt3A_201 : i32
          %ne3A_203 = arith.xori %lt3A_200, %lt3A_202 : i1
          %and3A_204 = arith.andi %ne3A_203, %ne3A_198 : i1
          %add3A_205 = arith.addi %rem3A_196, %select_n3A_195 : i32
          %select_n3A_206 = arith.select %and3A_204, %add3A_205, %rem3A_196 : i32
          %dma_start3A_207 = arith.constant 0 : i32
          %dma_start3A_208 = arith.constant 0 : i32
          %dma_start3A_209 = arith.constant 0 : i32
          %dma_start3A_210 = tpu.memref_slice %arg5[%select_n3A_206, %dma_start3A_208, %dma_start3A_209] : memref<2x12x128xi32, #tpu.memory_space<vmem>> -> memref<1x12x128xi32, #tpu.memory_space<vmem>>
          %dma_start3A_211 = tpu.memref_squeeze %dma_start3A_210 : memref<1x12x128xi32, #tpu.memory_space<vmem>> -> memref<12x128xi32, #tpu.memory_space<vmem>>
          %dma_start3A_212 = arith.constant 0 : i32
          %dma_start3A_213 = tpu.memref_slice %arg3[%dma_start3A_207, %add3A_188, %dma_start3A_212] : memref<2x2500x128xi32, #tpu.memory_space<hbm>> -> memref<1x12x128xi32, #tpu.memory_space<hbm>>
          %dma_start3A_214 = tpu.memref_squeeze %dma_start3A_213 : memref<1x12x128xi32, #tpu.memory_space<hbm>> -> memref<12x128xi32, #tpu.memory_space<hbm>>
          %dma_start3A_215 = arith.constant 0 : i32
          %dma_start3A_216 = arith.constant 0 : i32
          %dma_start3A_217 = tpu.memref_slice %arg5[%select_n3A_206, %dma_start3A_215, %dma_start3A_216] : memref<2x12x128xi32, #tpu.memory_space<vmem>> -> memref<1x12x128xi32, #tpu.memory_space<vmem>>
          %dma_start3A_218 = tpu.memref_squeeze %dma_start3A_217 : memref<1x12x128xi32, #tpu.memory_space<vmem>> -> memref<12x128xi32, #tpu.memory_space<vmem>>
          %dma_start3A_219 = arith.constant 0 : i32
          %dma_start3A_220 = tpu.memref_slice %arg3[%dma_start3A_207, %add3A_188, %dma_start3A_219] : memref<2x2500x128xi32, #tpu.memory_space<hbm>> -> memref<1x12x128xi32, #tpu.memory_space<hbm>>
          %dma_start3A_221 = tpu.memref_squeeze %dma_start3A_220 : memref<1x12x128xi32, #tpu.memory_space<hbm>> -> memref<12x128xi32, #tpu.memory_space<hbm>>
          tpu.enqueue_dma source(%dma_start3A_221 : memref<12x128xi32, #tpu.memory_space<hbm>>) target(%dma_start3A_218 : memref<12x128xi32, #tpu.memory_space<vmem>>) target_semaphore(%arg12 : memref<!tpu.dma_semaphore, #tpu.memory_space<semaphore_mem>>)
          %add3A_222 = arith.constant 1 : i32
          %add3A_223 = arith.addi %add3A_91, %add3A_222 : i32
          %mul3A_224 = arith.constant 12 : i32
          %mul3A_225 = arith.muli %add3A_223, %mul3A_224 : i32
          %add3A_226 = arith.addi %mul3A_0, %mul3A_225 : i32
          %add3A_227 = arith.constant 1 : i32
          %add3A_228 = arith.addi %add3A_91, %add3A_227 : i32
          %jit3A_229 = arith.constant 2 : i32
          %eq3A_230 = arith.constant 0 : i32
          %eq3A_231 = arith.cmpi eq, %jit3A_229, %eq3A_230 : i32
          %jit3A_232 = arith.constant 1 : i32
          %select_n3A_233 = arith.select %eq3A_231, %jit3A_232, %jit3A_229 : i32
          %rem3A_234 = arith.remsi %add3A_228, %select_n3A_233 : i32
          %ne3A_235 = arith.constant 0 : i32
          %ne3A_236 = arith.cmpi ne, %rem3A_234, %ne3A_235 : i32
          %lt3A_237 = arith.constant 0 : i32
          %lt3A_238 = arith.cmpi slt, %rem3A_234, %lt3A_237 : i32
          %lt3A_239 = arith.constant 0 : i32
          %lt3A_240 = arith.cmpi slt, %select_n3A_233, %lt3A_239 : i32
          %ne3A_241 = arith.xori %lt3A_238, %lt3A_240 : i1
          %and3A_242 = arith.andi %ne3A_241, %ne3A_236 : i1
          %add3A_243 = arith.addi %rem3A_234, %select_n3A_233 : i32
          %select_n3A_244 = arith.select %and3A_242, %add3A_243, %rem3A_234 : i32
          %dma_start3A_245 = arith.constant 1 : i32
          %dma_start3A_246 = arith.constant 0 : i32
          %dma_start3A_247 = arith.constant 0 : i32
          %dma_start3A_248 = tpu.memref_slice %arg6[%select_n3A_244, %dma_start3A_246, %dma_start3A_247] : memref<2x12x128xi32, #tpu.memory_space<vmem>> -> memref<1x12x128xi32, #tpu.memory_space<vmem>>
          %dma_start3A_249 = tpu.memref_squeeze %dma_start3A_248 : memref<1x12x128xi32, #tpu.memory_space<vmem>> -> memref<12x128xi32, #tpu.memory_space<vmem>>
          %dma_start3A_250 = arith.constant 0 : i32
          %dma_start3A_251 = tpu.memref_slice %arg3[%dma_start3A_245, %add3A_226, %dma_start3A_250] : memref<2x2500x128xi32, #tpu.memory_space<hbm>> -> memref<1x12x128xi32, #tpu.memory_space<hbm>>
          %dma_start3A_252 = tpu.memref_squeeze %dma_start3A_251 : memref<1x12x128xi32, #tpu.memory_space<hbm>> -> memref<12x128xi32, #tpu.memory_space<hbm>>
          %dma_start3A_253 = arith.constant 0 : i32
          %dma_start3A_254 = arith.constant 0 : i32
          %dma_start3A_255 = tpu.memref_slice %arg6[%select_n3A_244, %dma_start3A_253, %dma_start3A_254] : memref<2x12x128xi32, #tpu.memory_space<vmem>> -> memref<1x12x128xi32, #tpu.memory_space<vmem>>
          %dma_start3A_256 = tpu.memref_squeeze %dma_start3A_255 : memref<1x12x128xi32, #tpu.memory_space<vmem>> -> memref<12x128xi32, #tpu.memory_space<vmem>>
          %dma_start3A_257 = arith.constant 0 : i32
          %dma_start3A_258 = tpu.memref_slice %arg3[%dma_start3A_245, %add3A_226, %dma_start3A_257] : memref<2x2500x128xi32, #tpu.memory_space<hbm>> -> memref<1x12x128xi32, #tpu.memory_space<hbm>>
          %dma_start3A_259 = tpu.memref_squeeze %dma_start3A_258 : memref<1x12x128xi32, #tpu.memory_space<hbm>> -> memref<12x128xi32, #tpu.memory_space<hbm>>
          tpu.enqueue_dma source(%dma_start3A_259 : memref<12x128xi32, #tpu.memory_space<hbm>>) target(%dma_start3A_256 : memref<12x128xi32, #tpu.memory_space<vmem>>) target_semaphore(%arg12 : memref<!tpu.dma_semaphore, #tpu.memory_space<semaphore_mem>>)
        } else {
        }
        %eq3A_157 = arith.constant 10 : i32
        %eq3A_158 = arith.cmpi eq, %add3A_111, %eq3A_157 : i32
        %add3A_159 = arith.constant 1 : i32
        %add3A_160 = arith.addi %add3A_91, %add3A_159 : i32
        %lt3A_161 = arith.constant 13 : i32
        %lt3A_162 = arith.cmpi slt, %add3A_160, %lt3A_161 : i32
        %and3A_163 = arith.andi %eq3A_158, %lt3A_162 : i1
        %convert_element_type3A_164 = arith.extui %and3A_163 : i1 to i32
        %cond3A_165 = arith.constant 0 : i32
        %cond3A_166 = arith.cmpi ne, %convert_element_type3A_164, %cond3A_165 : i32
        scf.if %cond3A_166 {
          %dma_wait3A_184 = arith.constant 0 : i32
          %dma_wait3A_185 = arith.constant 0 : i32
          %dma_wait3A_186 = arith.constant 0 : i32
          %dma_wait3A_187 = arith.constant 0 : i32
          %dma_wait3A_188 = tpu.memref_slice %arg5[%dma_wait3A_185, %dma_wait3A_186, %dma_wait3A_187] : memref<2x12x128xi32, #tpu.memory_space<vmem>> -> memref<1x12x128xi32, #tpu.memory_space<vmem>>
          %dma_wait3A_189 = tpu.memref_squeeze %dma_wait3A_188 : memref<1x12x128xi32, #tpu.memory_space<vmem>> -> memref<12x128xi32, #tpu.memory_space<vmem>>
          %dma_wait3A_190 = arith.constant 0 : i32
          %dma_wait3A_191 = arith.constant 0 : i32
          %dma_wait3A_192 = tpu.memref_slice %arg3[%dma_wait3A_184, %dma_wait3A_190, %dma_wait3A_191] : memref<2x2500x128xi32, #tpu.memory_space<hbm>> -> memref<1x12x128xi32, #tpu.memory_space<hbm>>
          %dma_wait3A_193 = tpu.memref_squeeze %dma_wait3A_192 : memref<1x12x128xi32, #tpu.memory_space<hbm>> -> memref<12x128xi32, #tpu.memory_space<hbm>>
          %dma_wait3A_194 = arith.constant 0 : i32
          %dma_wait3A_195 = arith.constant 0 : i32
          %dma_wait3A_196 = tpu.memref_slice %arg5[%dma_wait3A_185, %dma_wait3A_194, %dma_wait3A_195] : memref<2x12x128xi32, #tpu.memory_space<vmem>> -> memref<1x12x128xi32, #tpu.memory_space<vmem>>
          %dma_wait3A_197 = tpu.memref_squeeze %dma_wait3A_196 : memref<1x12x128xi32, #tpu.memory_space<vmem>> -> memref<12x128xi32, #tpu.memory_space<vmem>>
          %dma_wait3A_198 = arith.constant 0 : i32
          %dma_wait3A_199 = arith.constant 0 : i32
          %dma_wait3A_200 = tpu.memref_slice %arg3[%dma_wait3A_184, %dma_wait3A_198, %dma_wait3A_199] : memref<2x2500x128xi32, #tpu.memory_space<hbm>> -> memref<1x12x128xi32, #tpu.memory_space<hbm>>
          %dma_wait3A_201 = tpu.memref_squeeze %dma_wait3A_200 : memref<1x12x128xi32, #tpu.memory_space<hbm>> -> memref<12x128xi32, #tpu.memory_space<hbm>>
          tpu.wait_dma2 semaphore(%arg12 : memref<!tpu.dma_semaphore, #tpu.memory_space<semaphore_mem>>) src(%dma_wait3A_201 : memref<12x128xi32, #tpu.memory_space<hbm>>) dst(%dma_wait3A_197 : memref<12x128xi32, #tpu.memory_space<vmem>>)
          %dma_wait3A_202 = arith.constant 1 : i32
          %dma_wait3A_203 = arith.constant 0 : i32
          %dma_wait3A_204 = arith.constant 0 : i32
          %dma_wait3A_205 = arith.constant 0 : i32
          %dma_wait3A_206 = tpu.memref_slice %arg6[%dma_wait3A_203, %dma_wait3A_204, %dma_wait3A_205] : memref<2x12x128xi32, #tpu.memory_space<vmem>> -> memref<1x12x128xi32, #tpu.memory_space<vmem>>
          %dma_wait3A_207 = tpu.memref_squeeze %dma_wait3A_206 : memref<1x12x128xi32, #tpu.memory_space<vmem>> -> memref<12x128xi32, #tpu.memory_space<vmem>>
          %dma_wait3A_208 = arith.constant 0 : i32
          %dma_wait3A_209 = arith.constant 0 : i32
          %dma_wait3A_210 = tpu.memref_slice %arg3[%dma_wait3A_202, %dma_wait3A_208, %dma_wait3A_209] : memref<2x2500x128xi32, #tpu.memory_space<hbm>> -> memref<1x12x128xi32, #tpu.memory_space<hbm>>
          %dma_wait3A_211 = tpu.memref_squeeze %dma_wait3A_210 : memref<1x12x128xi32, #tpu.memory_space<hbm>> -> memref<12x128xi32, #tpu.memory_space<hbm>>
          %dma_wait3A_212 = arith.constant 0 : i32
          %dma_wait3A_213 = arith.constant 0 : i32
          %dma_wait3A_214 = tpu.memref_slice %arg6[%dma_wait3A_203, %dma_wait3A_212, %dma_wait3A_213] : memref<2x12x128xi32, #tpu.memory_space<vmem>> -> memref<1x12x128xi32, #tpu.memory_space<vmem>>
          %dma_wait3A_215 = tpu.memref_squeeze %dma_wait3A_214 : memref<1x12x128xi32, #tpu.memory_space<vmem>> -> memref<12x128xi32, #tpu.memory_space<vmem>>
          %dma_wait3A_216 = arith.constant 0 : i32
          %dma_wait3A_217 = arith.constant 0 : i32
          %dma_wait3A_218 = tpu.memref_slice %arg3[%dma_wait3A_202, %dma_wait3A_216, %dma_wait3A_217] : memref<2x2500x128xi32, #tpu.memory_space<hbm>> -> memref<1x12x128xi32, #tpu.memory_space<hbm>>
          %dma_wait3A_219 = tpu.memref_squeeze %dma_wait3A_218 : memref<1x12x128xi32, #tpu.memory_space<hbm>> -> memref<12x128xi32, #tpu.memory_space<hbm>>
          tpu.wait_dma2 semaphore(%arg12 : memref<!tpu.dma_semaphore, #tpu.memory_space<semaphore_mem>>) src(%dma_wait3A_219 : memref<12x128xi32, #tpu.memory_space<hbm>>) dst(%dma_wait3A_215 : memref<12x128xi32, #tpu.memory_space<vmem>>)
        } else {
        }
        %add3A_167 = arith.constant 2 : i32
        %add3A_168 = arith.addi %add3A_114, %add3A_167 : i32
        %lt3A_169 = arith.constant 156 : i32
        %lt3A_170 = arith.cmpi slt, %add3A_168, %lt3A_169 : i32
        %convert_element_type3A_171 = arith.extui %lt3A_170 : i1 to i32
        %cond3A_172 = arith.constant 0 : i32
        %cond3A_173 = arith.cmpi ne, %convert_element_type3A_171, %cond3A_172 : i32
        scf.if %cond3A_173 {
          %add3A_184 = arith.constant 2 : i32
          %add3A_185 = arith.addi %add3A_114, %add3A_184 : i32
          %jit3A_186 = arith.constant 12 : i32
          %eq3A_187 = arith.constant 0 : i32
          %eq3A_188 = arith.cmpi eq, %jit3A_186, %eq3A_187 : i32
          %jit3A_189 = arith.constant 1 : i32
          %select_n3A_190 = arith.select %eq3A_188, %jit3A_189, %jit3A_186 : i32
          %rem3A_191 = arith.remsi %add3A_185, %select_n3A_190 : i32
          %ne3A_192 = arith.constant 0 : i32
          %ne3A_193 = arith.cmpi ne, %rem3A_191, %ne3A_192 : i32
          %lt3A_194 = arith.constant 0 : i32
          %lt3A_195 = arith.cmpi slt, %rem3A_191, %lt3A_194 : i32
          %lt3A_196 = arith.constant 0 : i32
          %lt3A_197 = arith.cmpi slt, %select_n3A_190, %lt3A_196 : i32
          %ne3A_198 = arith.xori %lt3A_195, %lt3A_197 : i1
          %and3A_199 = arith.andi %ne3A_198, %ne3A_193 : i1
          %add3A_200 = arith.addi %rem3A_191, %select_n3A_190 : i32
          %select_n3A_201 = arith.select %and3A_199, %add3A_200, %rem3A_191 : i32
          %ge3A_202 = arith.constant 10 : i32
          %ge3A_203 = arith.cmpi sge, %add3A_111, %ge3A_202 : i32
          %sub3A = arith.constant 1 : i32
          %sub3A_204 = arith.subi %sub3A, %select_n3A_101 : i32
          %select_n3A_205 = arith.select %ge3A_203, %sub3A_204, %select_n3A_101 : i32
          %add3A_206 = arith.constant 2 : i32
          %add3A_207 = arith.addi %add3A_114, %add3A_206 : i32
          %jit3A_208 = arith.constant 4 : i32
          %eq3A_209 = arith.constant 0 : i32
          %eq3A_210 = arith.cmpi eq, %jit3A_208, %eq3A_209 : i32
          %jit3A_211 = arith.constant 1 : i32
          %select_n3A_212 = arith.select %eq3A_210, %jit3A_211, %jit3A_208 : i32
          %rem3A_213 = arith.remsi %add3A_207, %select_n3A_212 : i32
          %ne3A_214 = arith.constant 0 : i32
          %ne3A_215 = arith.cmpi ne, %rem3A_213, %ne3A_214 : i32
          %lt3A_216 = arith.constant 0 : i32
          %lt3A_217 = arith.cmpi slt, %rem3A_213, %lt3A_216 : i32
          %lt3A_218 = arith.constant 0 : i32
          %lt3A_219 = arith.cmpi slt, %select_n3A_212, %lt3A_218 : i32
          %ne3A_220 = arith.xori %lt3A_217, %lt3A_219 : i1
          %and3A_221 = arith.andi %ne3A_220, %ne3A_215 : i1
          %add3A_222 = arith.addi %rem3A_213, %select_n3A_212 : i32
          %select_n3A_223 = arith.select %and3A_221, %add3A_222, %rem3A_213 : i32
          %dma_start3A_224 = arith.constant 0 : i32
          %dma_start3A_225 = arith.constant 0 : i32
          %dma_start3A_226 = tpu.memref_slice %arg7[%select_n3A_223, %dma_start3A_224, %dma_start3A_225] : memref<4x128x64xf32, #tpu.memory_space<vmem>> -> memref<1x128x64xf32, #tpu.memory_space<vmem>>
          %dma_start3A_227 = tpu.memref_squeeze %dma_start3A_226 : memref<1x128x64xf32, #tpu.memory_space<vmem>> -> memref<128x64xf32, #tpu.memory_space<vmem>>
          %dma_start3A_228 = arith.constant 0 : i32
          %dma_start3A_229 = tpu.memref_slice %arg5[%select_n3A_205, %select_n3A_201, %dma_start3A_228] : memref<2x12x128xi32, #tpu.memory_space<vmem>> -> memref<1x1x128xi32, #tpu.memory_space<vmem>>
          %dma_start3A_230 = tpu.memref_squeeze %dma_start3A_229 : memref<1x1x128xi32, #tpu.memory_space<vmem>> -> memref<128xi32, #tpu.memory_space<vmem>>
          %dma_start3A_231 = arith.constant 0 : i32
          %dma_start3A_232 = arith.constant 0 : i32
          %dma_start3A_233 = tpu.memref_slice %arg8[%dma_start3A_231, %dma_start3A_232] : memref<10240x64xf32, #tpu.memory_space<vmem_shared>> -> memref<10240x64xf32, #tpu.memory_space<vmem_shared>>
          tpu.enqueue_indirect_dma source(%dma_start3A_233 : memref<10240x64xf32, #tpu.memory_space<vmem_shared>>) target(%dma_start3A_227 : memref<128x64xf32, #tpu.memory_space<vmem>>) offsets(%dma_start3A_230 : memref<128xi32, #tpu.memory_space<vmem>>) semaphore(%arg10 : memref<!tpu.dma_semaphore, #tpu.memory_space<semaphore_mem>>)
        } else {
        }
        %dma_start3A_174 = arith.constant 0 : i32
        %dma_start3A_175 = arith.constant 0 : i32
        %dma_start3A_176 = tpu.memref_slice %arg7[%select_n3A_130, %dma_start3A_174, %dma_start3A_175] : memref<4x128x64xf32, #tpu.memory_space<vmem>> -> memref<1x128x64xf32, #tpu.memory_space<vmem>>
        %dma_start3A_177 = tpu.memref_squeeze %dma_start3A_176 : memref<1x128x64xf32, #tpu.memory_space<vmem>> -> memref<128x64xf32, #tpu.memory_space<vmem>>
        %dma_start3A_178 = arith.constant 0 : i32
        %dma_start3A_179 = tpu.memref_slice %arg6[%select_n3A_101, %add3A_111, %dma_start3A_178] : memref<2x12x128xi32, #tpu.memory_space<vmem>> -> memref<1x1x128xi32, #tpu.memory_space<vmem>>
        %dma_start3A_180 = tpu.memref_squeeze %dma_start3A_179 : memref<1x1x128xi32, #tpu.memory_space<vmem>> -> memref<128xi32, #tpu.memory_space<vmem>>
        %dma_start3A_181 = arith.constant 0 : i32
        %dma_start3A_182 = arith.constant 0 : i32
        %dma_start3A_183 = tpu.memref_slice %arg9[%dma_start3A_181, %dma_start3A_182] : memref<10240x64xf32, #tpu.memory_space<vmem_shared>> -> memref<10240x64xf32, #tpu.memory_space<vmem_shared>>
        tpu.enqueue_indirect_dma source(%dma_start3A_177 : memref<128x64xf32, #tpu.memory_space<vmem>>) target(%dma_start3A_183 : memref<10240x64xf32, #tpu.memory_space<vmem_shared>>) offsets(%dma_start3A_180 : memref<128xi32, #tpu.memory_space<vmem>>) semaphore(%arg11 : memref<!tpu.dma_semaphore, #tpu.memory_space<semaphore_mem>>) {add = true}
      }
      %scan3A_106 = arith.constant 12 : i32
    }
    %scan3A_56 = arith.constant 13 : i32
    %dma_wait3A = arith.constant 2 : i32
    %dma_wait3A_57 = arith.constant 0 : i32
    %dma_wait3A_58 = arith.constant 0 : i32
    %dma_wait3A_59 = arith.constant 0 : i32
    %dma_wait3A_60 = arith.constant 0 : i32
    %dma_wait3A_61 = tpu.memref_slice %arg7[%dma_wait3A, %dma_wait3A_59, %dma_wait3A_60] : memref<4x128x64xf32, #tpu.memory_space<vmem>> -> memref<1x128x64xf32, #tpu.memory_space<vmem>>
    %dma_wait3A_62 = tpu.memref_squeeze %dma_wait3A_61 : memref<1x128x64xf32, #tpu.memory_space<vmem>> -> memref<128x64xf32, #tpu.memory_space<vmem>>
    %dma_wait3A_63 = arith.constant 0 : i32
    %dma_wait3A_64 = tpu.memref_slice %arg6[%dma_wait3A_57, %dma_wait3A_58, %dma_wait3A_63] : memref<2x12x128xi32, #tpu.memory_space<vmem>> -> memref<1x1x128xi32, #tpu.memory_space<vmem>>
    %dma_wait3A_65 = tpu.memref_squeeze %dma_wait3A_64 : memref<1x1x128xi32, #tpu.memory_space<vmem>> -> memref<128xi32, #tpu.memory_space<vmem>>
    %dma_wait3A_66 = arith.constant 0 : i32
    %dma_wait3A_67 = arith.constant 0 : i32
    %dma_wait3A_68 = tpu.memref_slice %arg9[%dma_wait3A_66, %dma_wait3A_67] : memref<10240x64xf32, #tpu.memory_space<vmem_shared>> -> memref<10240x64xf32, #tpu.memory_space<vmem_shared>>
    tpu.wait_indirect_dma semaphore(%arg11 : memref<!tpu.dma_semaphore, #tpu.memory_space<semaphore_mem>>) src(%dma_wait3A_62 : memref<128x64xf32, #tpu.memory_space<vmem>>) dst(%dma_wait3A_68 : memref<10240x64xf32, #tpu.memory_space<vmem_shared>>)
    %dma_wait3A_69 = arith.constant 3 : i32
    %dma_wait3A_70 = arith.constant 0 : i32
    %dma_wait3A_71 = arith.constant 0 : i32
    %dma_wait3A_72 = arith.constant 0 : i32
    %dma_wait3A_73 = arith.constant 0 : i32
    %dma_wait3A_74 = tpu.memref_slice %arg7[%dma_wait3A_69, %dma_wait3A_72, %dma_wait3A_73] : memref<4x128x64xf32, #tpu.memory_space<vmem>> -> memref<1x128x64xf32, #tpu.memory_space<vmem>>
    %dma_wait3A_75 = tpu.memref_squeeze %dma_wait3A_74 : memref<1x128x64xf32, #tpu.memory_space<vmem>> -> memref<128x64xf32, #tpu.memory_space<vmem>>
    %dma_wait3A_76 = arith.constant 0 : i32
    %dma_wait3A_77 = tpu.memref_slice %arg6[%dma_wait3A_70, %dma_wait3A_71, %dma_wait3A_76] : memref<2x12x128xi32, #tpu.memory_space<vmem>> -> memref<1x1x128xi32, #tpu.memory_space<vmem>>
    %dma_wait3A_78 = tpu.memref_squeeze %dma_wait3A_77 : memref<1x1x128xi32, #tpu.memory_space<vmem>> -> memref<128xi32, #tpu.memory_space<vmem>>
    %dma_wait3A_79 = arith.constant 0 : i32
    %dma_wait3A_80 = arith.constant 0 : i32
    %dma_wait3A_81 = tpu.memref_slice %arg9[%dma_wait3A_79, %dma_wait3A_80] : memref<10240x64xf32, #tpu.memory_space<vmem_shared>> -> memref<10240x64xf32, #tpu.memory_space<vmem_shared>>
    tpu.wait_indirect_dma semaphore(%arg11 : memref<!tpu.dma_semaphore, #tpu.memory_space<semaphore_mem>>) src(%dma_wait3A_75 : memref<128x64xf32, #tpu.memory_space<vmem>>) dst(%dma_wait3A_81 : memref<10240x64xf32, #tpu.memory_space<vmem_shared>>)
    %lt3A = arith.constant 4 : i32
    %lt3A_82 = arith.cmpi slt, %arg1, %lt3A : i32
    %convert_element_type3A = arith.extui %lt3A_82 : i1 to i32
    %cond3A = arith.constant 0 : i32
    %cond3A_83 = arith.cmpi ne, %convert_element_type3A, %cond3A : i32
    scf.if %cond3A_83 {
      %add3A_87 = arith.constant 2496 : i32
      %add3A_88 = arith.addi %add3A_87, %arg1 : i32
      %run_scoped3A_89 = arith.constant 0 : i32
      %run_scoped3A_90 = arith.constant 0 : i32
      "tpu.region"() ({
        %run_scoped3A_147 = tpu.sem_alloc : memref<!tpu.dma_semaphore, #tpu.memory_space<semaphore_mem>>
        %dma_start3A_148 = arith.constant 0 : i32
        %dma_start3A_149 = arith.constant 0 : i32
        %dma_start3A_150 = tpu.memref_slice %arg5[%run_scoped3A_90, %dma_start3A_148, %dma_start3A_149] : memref<2x12x128xi32, #tpu.memory_space<vmem>> -> memref<1x1x128xi32, #tpu.memory_space<vmem>>
        %dma_start3A_151 = tpu.memref_squeeze %dma_start3A_150 : memref<1x1x128xi32, #tpu.memory_space<vmem>> -> memref<1x128xi32, #tpu.memory_space<vmem>>
        %dma_start3A_152 = arith.constant 0 : i32
        %dma_start3A_153 = tpu.memref_slice %arg3[%run_scoped3A_89, %add3A_88, %dma_start3A_152] : memref<2x2500x128xi32, #tpu.memory_space<hbm>> -> memref<1x1x128xi32, #tpu.memory_space<hbm>>
        %dma_start3A_154 = tpu.memref_squeeze %dma_start3A_153 : memref<1x1x128xi32, #tpu.memory_space<hbm>> -> memref<1x128xi32, #tpu.memory_space<hbm>>
        %dma_start3A_155 = arith.constant 0 : i32
        %dma_start3A_156 = arith.constant 0 : i32
        %dma_start3A_157 = tpu.memref_slice %arg5[%run_scoped3A_90, %dma_start3A_155, %dma_start3A_156] : memref<2x12x128xi32, #tpu.memory_space<vmem>> -> memref<1x1x128xi32, #tpu.memory_space<vmem>>
        %dma_start3A_158 = tpu.memref_squeeze %dma_start3A_157 : memref<1x1x128xi32, #tpu.memory_space<vmem>> -> memref<1x128xi32, #tpu.memory_space<vmem>>
        %dma_start3A_159 = arith.constant 0 : i32
        %dma_start3A_160 = tpu.memref_slice %arg3[%run_scoped3A_89, %add3A_88, %dma_start3A_159] : memref<2x2500x128xi32, #tpu.memory_space<hbm>> -> memref<1x1x128xi32, #tpu.memory_space<hbm>>
        %dma_start3A_161 = tpu.memref_squeeze %dma_start3A_160 : memref<1x1x128xi32, #tpu.memory_space<hbm>> -> memref<1x128xi32, #tpu.memory_space<hbm>>
        tpu.enqueue_dma source(%dma_start3A_161 : memref<1x128xi32, #tpu.memory_space<hbm>>) target(%dma_start3A_158 : memref<1x128xi32, #tpu.memory_space<vmem>>) target_semaphore(%run_scoped3A_147 : memref<!tpu.dma_semaphore, #tpu.memory_space<semaphore_mem>>)
        %dma_wait3A_162 = arith.constant 0 : i32
        %dma_wait3A_163 = arith.constant 0 : i32
        %dma_wait3A_164 = tpu.memref_slice %arg5[%run_scoped3A_90, %dma_wait3A_162, %dma_wait3A_163] : memref<2x12x128xi32, #tpu.memory_space<vmem>> -> memref<1x1x128xi32, #tpu.memory_space<vmem>>
        %dma_wait3A_165 = tpu.memref_squeeze %dma_wait3A_164 : memref<1x1x128xi32, #tpu.memory_space<vmem>> -> memref<1x128xi32, #tpu.memory_space<vmem>>
        %dma_wait3A_166 = arith.constant 0 : i32
        %dma_wait3A_167 = tpu.memref_slice %arg3[%run_scoped3A_89, %add3A_88, %dma_wait3A_166] : memref<2x2500x128xi32, #tpu.memory_space<hbm>> -> memref<1x1x128xi32, #tpu.memory_space<hbm>>
        %dma_wait3A_168 = tpu.memref_squeeze %dma_wait3A_167 : memref<1x1x128xi32, #tpu.memory_space<hbm>> -> memref<1x128xi32, #tpu.memory_space<hbm>>
        %dma_wait3A_169 = arith.constant 0 : i32
        %dma_wait3A_170 = arith.constant 0 : i32
        %dma_wait3A_171 = tpu.memref_slice %arg5[%run_scoped3A_90, %dma_wait3A_169, %dma_wait3A_170] : memref<2x12x128xi32, #tpu.memory_space<vmem>> -> memref<1x1x128xi32, #tpu.memory_space<vmem>>
        %dma_wait3A_172 = tpu.memref_squeeze %dma_wait3A_171 : memref<1x1x128xi32, #tpu.memory_space<vmem>> -> memref<1x128xi32, #tpu.memory_space<vmem>>
        %dma_wait3A_173 = arith.constant 0 : i32
        %dma_wait3A_174 = tpu.memref_slice %arg3[%run_scoped3A_89, %add3A_88, %dma_wait3A_173] : memref<2x2500x128xi32, #tpu.memory_space<hbm>> -> memref<1x1x128xi32, #tpu.memory_space<hbm>>
        %dma_wait3A_175 = tpu.memref_squeeze %dma_wait3A_174 : memref<1x1x128xi32, #tpu.memory_space<hbm>> -> memref<1x128xi32, #tpu.memory_space<hbm>>
        tpu.wait_dma2 semaphore(%run_scoped3A_147 : memref<!tpu.dma_semaphore, #tpu.memory_space<semaphore_mem>>) src(%dma_wait3A_175 : memref<1x128xi32, #tpu.memory_space<hbm>>) dst(%dma_wait3A_172 : memref<1x128xi32, #tpu.memory_space<vmem>>)
        tpu.yield
      }) : () -> ()
      %add3A_91 = arith.constant 2496 : i32
      %add3A_92 = arith.addi %add3A_91, %arg1 : i32
      %run_scoped3A_93 = arith.constant 1 : i32
      %run_scoped3A_94 = arith.constant 0 : i32
      "tpu.region"() ({
        %run_scoped3A_147 = tpu.sem_alloc : memref<!tpu.dma_semaphore, #tpu.memory_space<semaphore_mem>>
        %dma_start3A_148 = arith.constant 0 : i32
        %dma_start3A_149 = arith.constant 0 : i32
        %dma_start3A_150 = tpu.memref_slice %arg6[%run_scoped3A_94, %dma_start3A_148, %dma_start3A_149] : memref<2x12x128xi32, #tpu.memory_space<vmem>> -> memref<1x1x128xi32, #tpu.memory_space<vmem>>
        %dma_start3A_151 = tpu.memref_squeeze %dma_start3A_150 : memref<1x1x128xi32, #tpu.memory_space<vmem>> -> memref<1x128xi32, #tpu.memory_space<vmem>>
        %dma_start3A_152 = arith.constant 0 : i32
        %dma_start3A_153 = tpu.memref_slice %arg3[%run_scoped3A_93, %add3A_92, %dma_start3A_152] : memref<2x2500x128xi32, #tpu.memory_space<hbm>> -> memref<1x1x128xi32, #tpu.memory_space<hbm>>
        %dma_start3A_154 = tpu.memref_squeeze %dma_start3A_153 : memref<1x1x128xi32, #tpu.memory_space<hbm>> -> memref<1x128xi32, #tpu.memory_space<hbm>>
        %dma_start3A_155 = arith.constant 0 : i32
        %dma_start3A_156 = arith.constant 0 : i32
        %dma_start3A_157 = tpu.memref_slice %arg6[%run_scoped3A_94, %dma_start3A_155, %dma_start3A_156] : memref<2x12x128xi32, #tpu.memory_space<vmem>> -> memref<1x1x128xi32, #tpu.memory_space<vmem>>
        %dma_start3A_158 = tpu.memref_squeeze %dma_start3A_157 : memref<1x1x128xi32, #tpu.memory_space<vmem>> -> memref<1x128xi32, #tpu.memory_space<vmem>>
        %dma_start3A_159 = arith.constant 0 : i32
        %dma_start3A_160 = tpu.memref_slice %arg3[%run_scoped3A_93, %add3A_92, %dma_start3A_159] : memref<2x2500x128xi32, #tpu.memory_space<hbm>> -> memref<1x1x128xi32, #tpu.memory_space<hbm>>
        %dma_start3A_161 = tpu.memref_squeeze %dma_start3A_160 : memref<1x1x128xi32, #tpu.memory_space<hbm>> -> memref<1x128xi32, #tpu.memory_space<hbm>>
        tpu.enqueue_dma source(%dma_start3A_161 : memref<1x128xi32, #tpu.memory_space<hbm>>) target(%dma_start3A_158 : memref<1x128xi32, #tpu.memory_space<vmem>>) target_semaphore(%run_scoped3A_147 : memref<!tpu.dma_semaphore, #tpu.memory_space<semaphore_mem>>)
        %dma_wait3A_162 = arith.constant 0 : i32
        %dma_wait3A_163 = arith.constant 0 : i32
        %dma_wait3A_164 = tpu.memref_slice %arg6[%run_scoped3A_94, %dma_wait3A_162, %dma_wait3A_163] : memref<2x12x128xi32, #tpu.memory_space<vmem>> -> memref<1x1x128xi32, #tpu.memory_space<vmem>>
        %dma_wait3A_165 = tpu.memref_squeeze %dma_wait3A_164 : memref<1x1x128xi32, #tpu.memory_space<vmem>> -> memref<1x128xi32, #tpu.memory_space<vmem>>
        %dma_wait3A_166 = arith.constant 0 : i32
        %dma_wait3A_167 = tpu.memref_slice %arg3[%run_scoped3A_93, %add3A_92, %dma_wait3A_166] : memref<2x2500x128xi32, #tpu.memory_space<hbm>> -> memref<1x1x128xi32, #tpu.memory_space<hbm>>
        %dma_wait3A_168 = tpu.memref_squeeze %dma_wait3A_167 : memref<1x1x128xi32, #tpu.memory_space<hbm>> -> memref<1x128xi32, #tpu.memory_space<hbm>>
        %dma_wait3A_169 = arith.constant 0 : i32
        %dma_wait3A_170 = arith.constant 0 : i32
        %dma_wait3A_171 = tpu.memref_slice %arg6[%run_scoped3A_94, %dma_wait3A_169, %dma_wait3A_170] : memref<2x12x128xi32, #tpu.memory_space<vmem>> -> memref<1x1x128xi32, #tpu.memory_space<vmem>>
        %dma_wait3A_172 = tpu.memref_squeeze %dma_wait3A_171 : memref<1x1x128xi32, #tpu.memory_space<vmem>> -> memref<1x128xi32, #tpu.memory_space<vmem>>
        %dma_wait3A_173 = arith.constant 0 : i32
        %dma_wait3A_174 = tpu.memref_slice %arg3[%run_scoped3A_93, %add3A_92, %dma_wait3A_173] : memref<2x2500x128xi32, #tpu.memory_space<hbm>> -> memref<1x1x128xi32, #tpu.memory_space<hbm>>
        %dma_wait3A_175 = tpu.memref_squeeze %dma_wait3A_174 : memref<1x1x128xi32, #tpu.memory_space<hbm>> -> memref<1x128xi32, #tpu.memory_space<hbm>>
        tpu.wait_dma2 semaphore(%run_scoped3A_147 : memref<!tpu.dma_semaphore, #tpu.memory_space<semaphore_mem>>) src(%dma_wait3A_175 : memref<1x128xi32, #tpu.memory_space<hbm>>) dst(%dma_wait3A_172 : memref<1x128xi32, #tpu.memory_space<vmem>>)
        tpu.yield
      }) : () -> ()
      %dma_start3A_95 = arith.constant 0 : i32
      %dma_start3A_96 = arith.constant 0 : i32
      %dma_start3A_97 = arith.constant 0 : i32
      %dma_start3A_98 = arith.constant 0 : i32
      %dma_start3A_99 = arith.constant 0 : i32
      %dma_start3A_100 = tpu.memref_slice %arg7[%dma_start3A_97, %dma_start3A_98, %dma_start3A_99] : memref<4x128x64xf32, #tpu.memory_space<vmem>> -> memref<1x128x64xf32, #tpu.memory_space<vmem>>
      %dma_start3A_101 = tpu.memref_squeeze %dma_start3A_100 : memref<1x128x64xf32, #tpu.memory_space<vmem>> -> memref<128x64xf32, #tpu.memory_space<vmem>>
      %dma_start3A_102 = arith.constant 0 : i32
      %dma_start3A_103 = tpu.memref_slice %arg5[%dma_start3A_95, %dma_start3A_96, %dma_start3A_102] : memref<2x12x128xi32, #tpu.memory_space<vmem>> -> memref<1x1x128xi32, #tpu.memory_space<vmem>>
      %dma_start3A_104 = tpu.memref_squeeze %dma_start3A_103 : memref<1x1x128xi32, #tpu.memory_space<vmem>> -> memref<128xi32, #tpu.memory_space<vmem>>
      %dma_start3A_105 = arith.constant 0 : i32
      %dma_start3A_106 = arith.constant 0 : i32
      %dma_start3A_107 = tpu.memref_slice %arg8[%dma_start3A_105, %dma_start3A_106] : memref<10240x64xf32, #tpu.memory_space<vmem_shared>> -> memref<10240x64xf32, #tpu.memory_space<vmem_shared>>
      tpu.enqueue_indirect_dma source(%dma_start3A_107 : memref<10240x64xf32, #tpu.memory_space<vmem_shared>>) target(%dma_start3A_101 : memref<128x64xf32, #tpu.memory_space<vmem>>) offsets(%dma_start3A_104 : memref<128xi32, #tpu.memory_space<vmem>>) semaphore(%arg10 : memref<!tpu.dma_semaphore, #tpu.memory_space<semaphore_mem>>)
      %dma_wait3A_108 = arith.constant 0 : i32
      %dma_wait3A_109 = arith.constant 0 : i32
      %dma_wait3A_110 = arith.constant 0 : i32
      %dma_wait3A_111 = arith.constant 0 : i32
      %dma_wait3A_112 = arith.constant 0 : i32
      %dma_wait3A_113 = tpu.memref_slice %arg7[%dma_wait3A_110, %dma_wait3A_111, %dma_wait3A_112] : memref<4x128x64xf32, #tpu.memory_space<vmem>> -> memref<1x128x64xf32, #tpu.memory_space<vmem>>
      %dma_wait3A_114 = tpu.memref_squeeze %dma_wait3A_113 : memref<1x128x64xf32, #tpu.memory_space<vmem>> -> memref<128x64xf32, #tpu.memory_space<vmem>>
      %dma_wait3A_115 = arith.constant 0 : i32
      %dma_wait3A_116 = tpu.memref_slice %arg5[%dma_wait3A_108, %dma_wait3A_109, %dma_wait3A_115] : memref<2x12x128xi32, #tpu.memory_space<vmem>> -> memref<1x1x128xi32, #tpu.memory_space<vmem>>
      %dma_wait3A_117 = tpu.memref_squeeze %dma_wait3A_116 : memref<1x1x128xi32, #tpu.memory_space<vmem>> -> memref<128xi32, #tpu.memory_space<vmem>>
      %dma_wait3A_118 = arith.constant 0 : i32
      %dma_wait3A_119 = arith.constant 0 : i32
      %dma_wait3A_120 = tpu.memref_slice %arg8[%dma_wait3A_118, %dma_wait3A_119] : memref<10240x64xf32, #tpu.memory_space<vmem_shared>> -> memref<10240x64xf32, #tpu.memory_space<vmem_shared>>
      tpu.wait_indirect_dma semaphore(%arg10 : memref<!tpu.dma_semaphore, #tpu.memory_space<semaphore_mem>>) src(%dma_wait3A_120 : memref<10240x64xf32, #tpu.memory_space<vmem_shared>>) dst(%dma_wait3A_114 : memref<128x64xf32, #tpu.memory_space<vmem>>)
      %dma_start3A_121 = arith.constant 0 : i32
      %dma_start3A_122 = arith.constant 0 : i32
      %dma_start3A_123 = arith.constant 0 : i32
      %dma_start3A_124 = arith.constant 0 : i32
      %dma_start3A_125 = arith.constant 0 : i32
      %dma_start3A_126 = tpu.memref_slice %arg7[%dma_start3A_121, %dma_start3A_124, %dma_start3A_125] : memref<4x128x64xf32, #tpu.memory_space<vmem>> -> memref<1x128x64xf32, #tpu.memory_space<vmem>>
      %dma_start3A_127 = tpu.memref_squeeze %dma_start3A_126 : memref<1x128x64xf32, #tpu.memory_space<vmem>> -> memref<128x64xf32, #tpu.memory_space<vmem>>
      %dma_start3A_128 = arith.constant 0 : i32
      %dma_start3A_129 = tpu.memref_slice %arg6[%dma_start3A_122, %dma_start3A_123, %dma_start3A_128] : memref<2x12x128xi32, #tpu.memory_space<vmem>> -> memref<1x1x128xi32, #tpu.memory_space<vmem>>
      %dma_start3A_130 = tpu.memref_squeeze %dma_start3A_129 : memref<1x1x128xi32, #tpu.memory_space<vmem>> -> memref<128xi32, #tpu.memory_space<vmem>>
      %dma_start3A_131 = arith.constant 0 : i32
      %dma_start3A_132 = arith.constant 0 : i32
      %dma_start3A_133 = tpu.memref_slice %arg9[%dma_start3A_131, %dma_start3A_132] : memref<10240x64xf32, #tpu.memory_space<vmem_shared>> -> memref<10240x64xf32, #tpu.memory_space<vmem_shared>>
      tpu.enqueue_indirect_dma source(%dma_start3A_127 : memref<128x64xf32, #tpu.memory_space<vmem>>) target(%dma_start3A_133 : memref<10240x64xf32, #tpu.memory_space<vmem_shared>>) offsets(%dma_start3A_130 : memref<128xi32, #tpu.memory_space<vmem>>) semaphore(%arg11 : memref<!tpu.dma_semaphore, #tpu.memory_space<semaphore_mem>>) {add = true}
      %dma_wait3A_134 = arith.constant 0 : i32
      %dma_wait3A_135 = arith.constant 0 : i32
      %dma_wait3A_136 = arith.constant 0 : i32
      %dma_wait3A_137 = arith.constant 0 : i32
      %dma_wait3A_138 = arith.constant 0 : i32
      %dma_wait3A_139 = tpu.memref_slice %arg7[%dma_wait3A_134, %dma_wait3A_137, %dma_wait3A_138] : memref<4x128x64xf32, #tpu.memory_space<vmem>> -> memref<1x128x64xf32, #tpu.memory_space<vmem>>
      %dma_wait3A_140 = tpu.memref_squeeze %dma_wait3A_139 : memref<1x128x64xf32, #tpu.memory_space<vmem>> -> memref<128x64xf32, #tpu.memory_space<vmem>>
      %dma_wait3A_141 = arith.constant 0 : i32
      %dma_wait3A_142 = tpu.memref_slice %arg6[%dma_wait3A_135, %dma_wait3A_136, %dma_wait3A_141] : memref<2x12x128xi32, #tpu.memory_space<vmem>> -> memref<1x1x128xi32, #tpu.memory_space<vmem>>
      %dma_wait3A_143 = tpu.memref_squeeze %dma_wait3A_142 : memref<1x1x128xi32, #tpu.memory_space<vmem>> -> memref<128xi32, #tpu.memory_space<vmem>>
      %dma_wait3A_144 = arith.constant 0 : i32
      %dma_wait3A_145 = arith.constant 0 : i32
      %dma_wait3A_146 = tpu.memref_slice %arg9[%dma_wait3A_144, %dma_wait3A_145] : memref<10240x64xf32, #tpu.memory_space<vmem_shared>> -> memref<10240x64xf32, #tpu.memory_space<vmem_shared>>
      tpu.wait_indirect_dma semaphore(%arg11 : memref<!tpu.dma_semaphore, #tpu.memory_space<semaphore_mem>>) src(%dma_wait3A_140 : memref<128x64xf32, #tpu.memory_space<vmem>>) dst(%dma_wait3A_146 : memref<10240x64xf32, #tpu.memory_space<vmem_shared>>)
    } else {
    }
    %barrier3A_84 = arith.constant 0 : index
    tpu.barrier barrier_id(%barrier3A_84)
    %mul3A_85 = arith.constant 64 : i32
    %mul3A_86 = arith.muli %arg0, %mul3A_85 : i32
    "tpu.region"() ({
      %run_scoped3A_87 = tpu.sem_alloc : memref<!tpu.dma_semaphore, #tpu.memory_space<semaphore_mem>>
      %dma_start3A_88 = tpu.memref_slice %arg4[%mul3A_7, %mul3A_86] : memref<10240x128xf32, #tpu.memory_space<hbm>> -> memref<640x64xf32, #tpu.memory_space<hbm>>
      %dma_start3A_89 = arith.constant 0 : i32
      %dma_start3A_90 = tpu.memref_slice %arg9[%mul3A_7, %dma_start3A_89] : memref<10240x64xf32, #tpu.memory_space<vmem_shared>> -> memref<640x64xf32, #tpu.memory_space<vmem_shared>>
      tpu.enqueue_dma source(%dma_start3A_90 : memref<640x64xf32, #tpu.memory_space<vmem_shared>>) target(%dma_start3A_88 : memref<640x64xf32, #tpu.memory_space<hbm>>) target_semaphore(%run_scoped3A_87 : memref<!tpu.dma_semaphore, #tpu.memory_space<semaphore_mem>>)
      %dma_wait3A_91 = tpu.memref_slice %arg4[%mul3A_7, %mul3A_86] : memref<10240x128xf32, #tpu.memory_space<hbm>> -> memref<640x64xf32, #tpu.memory_space<hbm>>
      %dma_wait3A_92 = arith.constant 0 : i32
      %dma_wait3A_93 = tpu.memref_slice %arg9[%mul3A_7, %dma_wait3A_92] : memref<10240x64xf32, #tpu.memory_space<vmem_shared>> -> memref<640x64xf32, #tpu.memory_space<vmem_shared>>
      tpu.wait_dma2 semaphore(%run_scoped3A_87 : memref<!tpu.dma_semaphore, #tpu.memory_space<semaphore_mem>>) src(%dma_wait3A_93 : memref<640x64xf32, #tpu.memory_space<vmem_shared>>) dst(%dma_wait3A_91 : memref<640x64xf32, #tpu.memory_space<hbm>>)
      tpu.yield
    }) : () -> ()
    return
  }
}

module attributes {stable_mosaic.version = 14 : i64} {
  func.func @body(%arg0: memref<2x10240xf32, #tpu.memory_space<vmem>>, %arg1: memref<10000x128xf32, #tpu.memory_space<vmem>>, %arg2: memref<128x128xf32, #tpu.memory_space<vmem>>, %arg3: memref<10240x128xf32, #tpu.memory_space<vmem>>) attributes {dimension_semantics = [], scalar_prefetch = 0 : i64, scratch_operands = 0 : i64, tpu.core_type = #tpu.core_type<tc>} {
    %get3A = arith.constant 0 : index
    %get3A_0 = arith.constant 0 : index
    %get3A_1 = vector.load %arg0[%get3A, %get3A_0] : memref<2x10240xf32, #tpu.memory_space<vmem>>, vector<1x10240xf32>
    %get3A_2 = vector.shape_cast %get3A_1 : vector<1x10240xf32> to vector<10240xf32>
    %get3A_3 = arith.constant 1 : index
    %get3A_4 = arith.constant 0 : index
    %get3A_5 = vector.load %arg0[%get3A_3, %get3A_4] : memref<2x10240xf32, #tpu.memory_space<vmem>>, vector<1x10240xf32>
    %get3A_6 = vector.shape_cast %get3A_5 : vector<1x10240xf32> to vector<10240xf32>
    %add3A = arith.addf %get3A_2, %get3A_6 : vector<10240xf32>
    %add3A_7 = arith.constant 1.000000e+00 : f32
    %add3A_8 = vector.broadcast %add3A_7 : f32 to vector<10240xf32>
    %add3A_9 = arith.addf %add3A, %add3A_8 : vector<10240xf32>
    %rsqrt3A = math.rsqrt %add3A_9 : vector<10240xf32>
    %slice3A = vector.extract_strided_slice %rsqrt3A {offsets = [0], sizes = [10000], strides = [1]} : vector<10240xf32> to vector<10000xf32>
    %broadcast_in_dim3A = vector.shape_cast %slice3A : vector<10000xf32> to vector<10000x1xf32>
    %get3A_10 = arith.constant 0 : index
    %get3A_11 = arith.constant 0 : index
    %get3A_12 = vector.load %arg1[%get3A_10, %get3A_11] : memref<10000x128xf32, #tpu.memory_space<vmem>>, vector<10000x128xf32>
    %get3A_13 = arith.constant 0 : index
    %get3A_14 = arith.constant 0 : index
    %get3A_15 = vector.load %arg2[%get3A_13, %get3A_14] : memref<128x128xf32, #tpu.memory_space<vmem>>, vector<128x128xf32>
    %dot_general3A = arith.constant dense<0.000000e+00> : vector<10000x128xf32>
    %dot_general3A_16 = tpu.matmul %get3A_12, %get3A_15, %dot_general3A {dimension_numbers = #tpu.dot_dimension_numbers<[1], [0], [0], [1], [0, 0, 1, 1], [], []>, transpose_lhs_hint = false} : vector<10000x128xf32>, vector<128x128xf32>, vector<10000x128xf32> -> vector<10000x128xf32>
    %mul3A = vector.broadcast %broadcast_in_dim3A : vector<10000x1xf32> to vector<10000x128xf32>
    %mul3A_17 = arith.mulf %dot_general3A_16, %mul3A : vector<10000x128xf32>
    %swap3A = arith.constant 0 : index
    %swap3A_18 = arith.constant 0 : index
    %swap3A_19 = vector.load %arg3[%swap3A, %swap3A_18] : memref<10240x128xf32, #tpu.memory_space<vmem>>, vector<10000x128xf32>
    tpu.vector_store %arg3[%swap3A, %swap3A_18], %mul3A_17 {strides = array<i32>} : memref<10240x128xf32, #tpu.memory_space<vmem>>, vector<10000x128xf32>,
    return
  }
}

module attributes {stable_mosaic.version = 14 : i64} {
  func.func @body(%arg0: memref<2x10240xf32, #tpu.memory_space<vmem>>, %arg1: memref<10240x128xf32, #tpu.memory_space<vmem>>, %arg2: memref<10240x128xf32, #tpu.memory_space<vmem>>, %arg3: memref<128xf32, #tpu.memory_space<vmem>>, %arg4: memref<128x64xf32, #tpu.memory_space<vmem>>, %arg5: memref<10240x128xf32, #tpu.memory_space<vmem>>) attributes {dimension_semantics = [], scalar_prefetch = 0 : i64, scratch_operands = 0 : i64, tpu.core_type = #tpu.core_type<tc>} {
    %get3A = arith.constant 0 : index
    %get3A_0 = arith.constant 0 : index
    %get3A_1 = vector.load %arg0[%get3A, %get3A_0] : memref<2x10240xf32, #tpu.memory_space<vmem>>, vector<1x10240xf32>
    %get3A_2 = vector.shape_cast %get3A_1 : vector<1x10240xf32> to vector<10240xf32>
    %get3A_3 = arith.constant 1 : index
    %get3A_4 = arith.constant 0 : index
    %get3A_5 = vector.load %arg0[%get3A_3, %get3A_4] : memref<2x10240xf32, #tpu.memory_space<vmem>>, vector<1x10240xf32>
    %get3A_6 = vector.shape_cast %get3A_5 : vector<1x10240xf32> to vector<10240xf32>
    %add3A = arith.addf %get3A_2, %get3A_6 : vector<10240xf32>
    %add3A_7 = arith.constant 1.000000e+00 : f32
    %add3A_8 = vector.broadcast %add3A_7 : f32 to vector<10240xf32>
    %add3A_9 = arith.addf %add3A, %add3A_8 : vector<10240xf32>
    %rsqrt3A = math.rsqrt %add3A_9 : vector<10240xf32>
    %broadcast_in_dim3A = vector.shape_cast %rsqrt3A : vector<10240xf32> to vector<10240x1xf32>
    %get3A_10 = arith.constant 0 : index
    %get3A_11 = arith.constant 0 : index
    %get3A_12 = vector.load %arg1[%get3A_10, %get3A_11] : memref<10240x128xf32, #tpu.memory_space<vmem>>, vector<10240x128xf32>
    %get3A_13 = arith.constant 0 : index
    %get3A_14 = arith.constant 0 : index
    %get3A_15 = vector.load %arg2[%get3A_13, %get3A_14] : memref<10240x128xf32, #tpu.memory_space<vmem>>, vector<10240x128xf32>
    %add3A_16 = arith.addf %get3A_12, %get3A_15 : vector<10240x128xf32>
    %mul3A = vector.broadcast %broadcast_in_dim3A : vector<10240x1xf32> to vector<10240x128xf32>
    %mul3A_17 = arith.mulf %add3A_16, %mul3A : vector<10240x128xf32>
    %get3A_18 = arith.constant 0 : index
    %get3A_19 = vector.load %arg3[%get3A_18] : memref<128xf32, #tpu.memory_space<vmem>>, vector<128xf32>
    %broadcast_in_dim3A_20 = vector.shape_cast %get3A_19 : vector<128xf32> to vector<1x128xf32>
    %add3A_21 = vector.broadcast %broadcast_in_dim3A_20 : vector<1x128xf32> to vector<10240x128xf32>
    %add3A_22 = arith.addf %mul3A_17, %add3A_21 : vector<10240x128xf32>
    %max3A = arith.constant 0.000000e+00 : f32
    %max3A_23 = vector.broadcast %max3A : f32 to vector<10240x128xf32>
    %max3A_24 = arith.maximumf %add3A_22, %max3A_23 : vector<10240x128xf32>
    %get3A_25 = arith.constant 0 : index
    %get3A_26 = arith.constant 0 : index
    %get3A_27 = vector.load %arg4[%get3A_25, %get3A_26] : memref<128x64xf32, #tpu.memory_space<vmem>>, vector<128x64xf32>
    %dot_general3A = arith.constant dense<0.000000e+00> : vector<10240x64xf32>
    %dot_general3A_28 = tpu.matmul %max3A_24, %get3A_27, %dot_general3A {dimension_numbers = #tpu.dot_dimension_numbers<[1], [0], [0], [1], [0, 0, 1, 1], [], []>, transpose_lhs_hint = false} : vector<10240x128xf32>, vector<128x64xf32>, vector<10240x64xf32> -> vector<10240x64xf32>
    %mul3A_29 = vector.broadcast %broadcast_in_dim3A : vector<10240x1xf32> to vector<10240x64xf32>
    %mul3A_30 = arith.mulf %dot_general3A_28, %mul3A_29 : vector<10240x64xf32>
    %swap3A = arith.constant 0 : index
    %swap3A_31 = arith.constant 0 : index
    %swap3A_32 = vector.load %arg5[%swap3A, %swap3A_31] : memref<10240x128xf32, #tpu.memory_space<vmem>>, vector<10240x64xf32>
    tpu.vector_store %arg5[%swap3A, %swap3A_31], %mul3A_30 {strides = array<i32>} : memref<10240x128xf32, #tpu.memory_space<vmem>>, vector<10240x64xf32>,
    %swap3A_33 = arith.constant 0 : index
    %swap3A_34 = arith.constant 64 : index
    %swap3A_35 = vector.load %arg5[%swap3A_33, %swap3A_34] : memref<10240x128xf32, #tpu.memory_space<vmem>>, vector<10240x64xf32>
    tpu.vector_store %arg5[%swap3A_33, %swap3A_34], %mul3A_30 {strides = array<i32>} : memref<10240x128xf32, #tpu.memory_space<vmem>>, vector<10240x64xf32>,
    return
  }
}

module attributes {stable_mosaic.version = 14 : i64} {
  func.func @body(%arg0: memref<2x10240xf32, #tpu.memory_space<vmem>>, %arg1: memref<10240x128xf32, #tpu.memory_space<vmem>>, %arg2: memref<10240x128xf32, #tpu.memory_space<vmem>>, %arg3: memref<64xf32, #tpu.memory_space<vmem>>, %arg4: memref<10000x64xf32, #tpu.memory_space<vmem>>) attributes {dimension_semantics = [], scalar_prefetch = 0 : i64, scratch_operands = 0 : i64, tpu.core_type = #tpu.core_type<tc>} {
    %get3A = arith.constant 0 : index
    %get3A_0 = arith.constant 0 : index
    %get3A_1 = vector.load %arg0[%get3A, %get3A_0] : memref<2x10240xf32, #tpu.memory_space<vmem>>, vector<1x10240xf32>
    %get3A_2 = vector.shape_cast %get3A_1 : vector<1x10240xf32> to vector<10240xf32>
    %get3A_3 = arith.constant 1 : index
    %get3A_4 = arith.constant 0 : index
    %get3A_5 = vector.load %arg0[%get3A_3, %get3A_4] : memref<2x10240xf32, #tpu.memory_space<vmem>>, vector<1x10240xf32>
    %get3A_6 = vector.shape_cast %get3A_5 : vector<1x10240xf32> to vector<10240xf32>
    %add3A = arith.addf %get3A_2, %get3A_6 : vector<10240xf32>
    %add3A_7 = arith.constant 1.000000e+00 : f32
    %add3A_8 = vector.broadcast %add3A_7 : f32 to vector<10240xf32>
    %add3A_9 = arith.addf %add3A, %add3A_8 : vector<10240xf32>
    %rsqrt3A = math.rsqrt %add3A_9 : vector<10240xf32>
    %slice3A = vector.extract_strided_slice %rsqrt3A {offsets = [0], sizes = [10000], strides = [1]} : vector<10240xf32> to vector<10000xf32>
    %broadcast_in_dim3A = vector.shape_cast %slice3A : vector<10000xf32> to vector<10000x1xf32>
    %get3A_10 = arith.constant 0 : index
    %get3A_11 = arith.constant 0 : index
    %get3A_12 = vector.load %arg1[%get3A_10, %get3A_11] : memref<10240x128xf32, #tpu.memory_space<vmem>>, vector<10000x64xf32>
    %get3A_13 = arith.constant 0 : index
    %get3A_14 = arith.constant 64 : index
    %get3A_15 = vector.load %arg1[%get3A_13, %get3A_14] : memref<10240x128xf32, #tpu.memory_space<vmem>>, vector<10000x64xf32>
    %add3A_16 = arith.addf %get3A_12, %get3A_15 : vector<10000x64xf32>
    %get3A_17 = arith.constant 0 : index
    %get3A_18 = arith.constant 0 : index
    %get3A_19 = vector.load %arg2[%get3A_17, %get3A_18] : memref<10240x128xf32, #tpu.memory_space<vmem>>, vector<10000x64xf32>
    %add3A_20 = arith.addf %add3A_16, %get3A_19 : vector<10000x64xf32>
    %mul3A = vector.broadcast %broadcast_in_dim3A : vector<10000x1xf32> to vector<10000x64xf32>
    %mul3A_21 = arith.mulf %add3A_20, %mul3A : vector<10000x64xf32>
    %get3A_22 = arith.constant 0 : index
    %get3A_23 = vector.load %arg3[%get3A_22] : memref<64xf32, #tpu.memory_space<vmem>>, vector<64xf32>
    %broadcast_in_dim3A_24 = vector.shape_cast %get3A_23 : vector<64xf32> to vector<1x64xf32>
    %add3A_25 = vector.broadcast %broadcast_in_dim3A_24 : vector<1x64xf32> to vector<10000x64xf32>
    %add3A_26 = arith.addf %mul3A_21, %add3A_25 : vector<10000x64xf32>
    %swap3A = arith.constant 0 : index
    %swap3A_27 = arith.constant 0 : index
    %swap3A_28 = vector.load %arg4[%swap3A, %swap3A_27] : memref<10000x64xf32, #tpu.memory_space<vmem>>, vector<10000x64xf32>
    tpu.vector_store %arg4[%swap3A, %swap3A_27], %add3A_26 {strides = array<i32>} : memref<10000x64xf32, #tpu.memory_space<vmem>>, vector<10000x64xf32>,
    return
  }
}

</mosaic_0001>

<sc_bundles>
// kernel: kernel.11.cloned.1.call-start
scs
__scs_entry_jumppad:
0x0: {  	(pc) =	sbr.rel $0x88, $3  }
0x1: {  	(tag) =	ssettag $0x0;
	lr =	simm.s32 $0x1  }
0x2: {  	[smem:$0x3F9B] =	sst lr;
	_ =	strace $0xD0000000  }
0x3: {  	_ = 	snop  }
0x4: {  	_ = 	snop  }
0x5: {  	_ = 	snop  }
0x6: {  	_ = 	snop  }
0x7: {  	_ = 	snop  }
__scs_overlays_trampoline_lowered:
0x8: {  	[smem:$0x3FAA] =	sst s0  }
0x9: {  	[smem:$0x3FAB] =	sst s1  }
0xa: {  	[smem:$0x3FAC] =	sst s2  }
0xb: {  	[smem:$0x3FAD] =	sst s3  }
0xc: {  	[smem:$0x3FAE] =	sst s4  }
0xd: {  	[smem:$0x3FAF] =	sst s5  }
0xe: {  	[smem:$0x3FB0] =	sst s6  }
0xf: {  	[smem:$0x3FB1] =	sst s7  }
0x10: {  	[smem:$0x3FB2] =	sst s8  }
0x11: {  	[smem:$0x3FB3] =	sst s9;
	s0 =	simm.s32 @!p0 $0x0  }
0x12: {  	s1 =	sld [smem:$0x3F99];
	s0 =	simm.s32 @p0 $0x1  }
0x13: {  	[smem:$0x3FB4] =	sst s0;
	s0 =	simm.s32 @!p1 $0x0  }
0x14: {  	s2 =	sld [smem:$0x3F98];
	s0 =	simm.s32 @p1 $0x1  }
0x15: {  	[smem:$0x3FB5] =	sst s0;
	s0 =	simm.s32 @!p2 $0x0  }
0x16: {  	s3 =	sld [smem:$0x3FDB];
	s0 =	simm.s32 @p2 $0x1  }
0x17: {  	s4 =	simm.s32 $0x1BF5;
	[smem:$0x3FB7] =	sst s0  }
0x18: {  	s0 =	sld [smem:$0x3F9A];
	_ =	swait.ge [sflag:s4], $0x0  }
0x19: {  	s7 =	sld [smem:$0x3F9B]  }
0x1a: {  	s8 =	sadd.s32 $0xFFFFE003, lr  }
0x1b: {  	s9 =	sadd.s32 $0xFFFFFEF7, lr;
	s5 =	simm.s32 $0xFFFFFFFF;
	p2 =	slt.u32 s8, $0xFFFFF086  }
0x1c: {  	p1 =	slt.u32 s9, $0xF7A;
	s5 =	simm.s32 @!p2 $0x0  }
0x1d: {  	s5 =	simm.s32 @p1 $0x1;
	p0 =	seq.s32 s7, s2  }
0x1e: {  	s7 =	smul.u32 @!p0 $0xF7A, s2;
	p2 =	seq.s32 @!p0 s5, $0x0  }
0x1f: {  	s9 =	smul.u32 $0xF7A, s1;
	s8 =	simm.s32 @!p0 $0x1BF5;
	p2 =	por !p2, p0  }
0x20: {  	[sflag:s8] =	ssyncset.s32 @!p0 $0xFFFFF086;
	s6 =	sadd.s32 @!p0 s3, s7;
	s7 =	simm.s32 @!p0 $0x108  }
0x21: {  	s3 =	sadd.s32 s3, s9;
	s6 =	sadd.s32 @!p0 $0x88, s6;
	s7 =	simm.s32 @p2 $0x1082  }
0x22: {  	[simem:s7], [sflag:s8] =	dma.local @!p0 [hbm:s6], $0xF7A  }
0x23: {  	s9 =	sor.u32 $0xD0000000, s2;
	s6 =	simm.s32 $0x108;
	_ =	swait.ge @!p0 [sflag:s8], $0x0  }
0x24: {  	s3 =	sadd.s32 $0x88, s3;
	s6 =	simm.s32 @!p1 $0x1082;
	[sflag:s4] =	ssyncset.s32 $0xFFFFF086  }
0x25: {  	[simem:s6], [sflag:s4] =	dma.local [hbm:s3], $0xF7A  }
0x26: {  	[smem:$0x3F9B] =	sst s1;
	(tag) =	ssettag s2;
	_ =	strace s9  }
0x27: {  	s1 =	sld [smem:$0x3FAB]  }
0x28: {  	s2 =	sld [smem:$0x3FAC]  }
0x29: {  	s4 =	sld [smem:$0x3FAE]  }
0x2a: {  	p0 =	seq.s32 s5, $0x0;
	s5 =	sld [smem:$0x3FAF]  }
0x2b: {  	s6 =	sld [smem:$0x3FB0]  }
0x2c: {  	s7 =	sld [smem:$0x3FB1]  }
0x2d: {  	s3 =	simm.s32 $0x108;
	s8 =	sld [smem:$0x3FB2]  }
0x2e: {  	s3 =	simm.s32 @!p0 $0x1082;
	s9 =	sld [smem:$0x3FB3]  }
0x2f: {  	lr =	sadd.s32 s0, s3;
	s0 =	sld [smem:$0x3FAA]  }
0x30: {  	s3 =	sld [smem:$0x3FAD]  }
0x31: {  	[smem:$0x3FB6] =	sst s10  }
0x32: {  	s10 =	sld [smem:$0x3FB4];
	_ =	sdelay $0x3  }
0x33: {  	p0 =	seq.s32 s10, $0x1;
	s10 =	sld [smem:$0x3FB6];
	_ =	sdelay $0x3  }
0x34: {  	[smem:$0x3FB6] =	sst s10  }
0x35: {  	s10 =	sld [smem:$0x3FB5];
	_ =	sdelay $0x3  }
0x36: {  	p1 =	seq.s32 s10, $0x1;
	s10 =	sld [smem:$0x3FB6];
	_ =	sdelay $0x3  }
0x37: {  	[smem:$0x3FB6] =	sst s10  }
0x38: {  	s10 =	sld [smem:$0x3FB7]  }
0x39: {  	_ = 	snop;
	(pc) =	sbr.ind lr, $3  }
0x3a: {  	_ = 	snop  }
0x3b: {  	_ = 	snop  }
0x3c: {  	p2 =	seq.s32 s10, $0x1;
	s10 =	sld [smem:$0x3FB6]  }
0x3d: {  	_ =	shalt  }
0x3e: {  	_ =	shalt  }
0x3f: {  	_ =	shalt  }
0x40: {  	_ =	shalt  }
0x41: {  	_ =	shalt  }
0x42: {  	_ =	shalt  }
0x43: {  	_ =	shalt  }
0x44: {  	_ =	shalt  }
0x45: {  	_ =	shalt  }
0x46: {  	_ =	shalt  }
0x47: {  	_ =	shalt  }
0x48: {  	_ =	shalt  }
0x49: {  	_ =	shalt  }
0x4a: {  	_ =	shalt  }
0x4b: {  	_ =	shalt  }
0x4c: {  	_ =	shalt  }
0x4d: {  	_ =	shalt  }
0x4e: {  	_ =	shalt  }
0x4f: {  	_ =	shalt  }
0x50: {  	_ =	shalt  }
0x51: {  	_ =	shalt  }
0x52: {  	_ =	shalt  }
0x53: {  	_ =	shalt  }
0x54: {  	_ =	shalt  }
0x55: {  	_ =	shalt  }
0x56: {  	_ =	shalt  }
0x57: {  	_ =	shalt  }
0x58: {  	_ =	shalt  }
0x59: {  	_ =	shalt  }
0x5a: {  	_ =	shalt  }
0x5b: {  	_ =	shalt  }
0x5c: {  	_ =	shalt  }
0x5d: {  	_ =	shalt  }
0x5e: {  	_ =	shalt  }
0x5f: {  	_ =	shalt  }
0x60: {  	_ =	shalt  }
0x61: {  	_ =	shalt  }
0x62: {  	_ =	shalt  }
0x63: {  	_ =	shalt  }
0x64: {  	_ =	shalt  }
0x65: {  	_ =	shalt  }
0x66: {  	_ =	shalt  }
0x67: {  	_ =	shalt  }
0x68: {  	_ =	shalt  }
0x69: {  	_ =	shalt  }
0x6a: {  	_ =	shalt  }
0x6b: {  	_ =	shalt  }
0x6c: {  	_ =	shalt  }
0x6d: {  	_ =	shalt  }
0x6e: {  	_ =	shalt  }
0x6f: {  	_ =	shalt  }
0x70: {  	_ =	shalt  }
0x71: {  	_ =	shalt  }
0x72: {  	_ =	shalt  }
0x73: {  	_ =	shalt  }
0x74: {  	_ =	shalt  }
0x75: {  	_ =	shalt  }
0x76: {  	_ =	shalt  }
0x77: {  	_ =	shalt  }
0x78: {  	_ =	shalt  }
0x79: {  	_ =	shalt  }
0x7a: {  	_ =	shalt  }
0x7b: {  	_ =	shalt  }
0x7c: {  	_ =	shalt  }
0x7d: {  	_ =	shalt  }
0x7e: {  	_ =	shalt  }
0x7f: {  	_ =	shalt  }
0x80: {  	_ =	shalt  }
0x81: {  	_ =	shalt  }
0x82: {  	_ =	shalt  }
0x83: {  	_ =	shalt  }
0x84: {  	_ =	shalt  }
0x85: {  	_ =	shalt  }
0x86: {  	_ =	shalt  }
0x87: {  	_ =	shalt  }
.Lfunc_end0:
.L_simem_size_0:
called_computation.1_lowered:
.L_overlay_start_0:
0x88: {  	s2 =	sld [smem:$0x3FD9]  }
0x89: {  	s3 =	sld [smem:$0x3FFE];
	_ =	sdelay $0x1  }
0x8a: {  	s1 =	srdreg.scid  }
0x8b: {  	s0 =	sand.u32 $0x1, s1  }
0x8c: {  	s17 =	sshll.u32 s0, $0xA;
	s2 =	sadd.s32 s3, s2  }
0x8d: {  	s2 =	sadd.s32 s2, s17  }
0x8e: {  	[smem:$0x3FC2] =	sst s2  }
0x8f: {  	_ = 	snop  }
0x90: {  	s2 =	sld [smem:$0x3FD0];
	(tm) =	ssettm $0x1  }
0x91: {  	s18 =	sld [smem:$0x3FFB];
	_ =	sdelay $0x3  }
0x92: {  	_ =	strace s18  }
0x93: {  	s3 =	sld [smem:$0x3FFC];
	_ =	sdelay $0x3  }
0x94: {  	_ =	strace s3  }
0x95: {  	s3 =	sld [smem:$0x3FFD];
	_ =	sdelay $0x3  }
0x96: {  	_ =	strace s3  }
0x97: {  	_ =	strace $0x8FFFFFFF  }
0x98: {  	s19 =	sld [smem:$0x3FDB];
	_ =	sdelay $0x1  }
0x99: {  	s4 =	simm.s32 $_scs_section_size  }
0x9a: {  	s5 =	simm.s32 $_size__tile_overlayer_lowered;
	s6 =	simm.s32 $_tile_overlayer_lowered  }
0x9b: {  	s22 =	simm.s32 $0x1BFF;
	s21 =	sshll.u32 s6, $0x1;
	s3 =	sadd.s32 s4, s19  }
0x9c: {  	s7 =	simm.s32 $0x0;
	s20 =	sshll.u32 s5, $0x1;
	s5 =	sadd.s32 s21, s3  }
0x9d: {  	[timem:s7], [sflag:s22] =	dma.local [hbm:s5], s20  }
0x9e: {  	_ =	swait.ge [sflag:s22], s20  }
0x9f: {  	s4 =	ssub.s32 $0x0, s20;
	[sflag:s22] =	ssyncset.done $0x0  }
0xa0: {  	[sflag:s22] =	ssyncadd.s32 s4;
	_ =	sdelay $0x1  }
0xa1: {  	s23 =	simm.s32 $0x1B8B  }
0xa2: {  	_ =	swait.ge [sflag:s23], $0x1  }
0xa3: {  	[sflag:s23] =	ssyncset.done $0x0  }
0xa4: {  	s25 =	simm.s32 $0x1B8E;
	s24 =	sld [smem:$0x3FFE];
	[sflag:s23] =	ssyncadd.s32 $0xFFFFFFFF  }
0xa5: {  	s26 =	simm.s32 $execute0_lowered;
	[smem:$0x3FD2] =	sst s25  }
0xa6: {  	s5 =	sshll.u32 s26, $0x1;
	_ =	strace $0x80000049;
	[dreg:$0x1] =	wrdreg $0xFFFFFFFF  }
0xa7: {  	s28 =	simm.s32 $_size_execute0_lowered;
	s3 =	sadd.s32 s3, s5;
	[dreg:$0x0] =	wrdreg $0x0  }
0xa8: {  	s5 =	sshll.u32 s28, $0x1;
	[dreg:$0x2] =	wrdreg s3  }
0xa9: {  	[dreg:$0x3] =	wrdreg s5  }
0xaa: {  	[dreg:$0x4] =	wrdreg $0xC0  }
0xab: {  	_ =	task [dreg:s7], $0x5FFFF  }
0xac: {  	[dreg:$0x1] =	wrdreg $0xFFFFFFFF  }
0xad: {  	[dreg:$0x0] =	wrdreg $0x60  }
0xae: {  	[dreg:$0x2] =	wrdreg s24  }
0xaf: {  	[dreg:$0x3] =	wrdreg s2  }
0xb0: {  	[dreg:$0x4] =	wrdreg $0x98000  }
0xb1: {  	[dreg:$0x5] =	wrdreg $0x138000  }
0xb2: {  	[dreg:$0x6] =	wrdreg $0x9  }
0xb3: {  	_ =	task.clear_ibuf [dreg:s7], $0x7FFFF;
	_ =	strace $0x90000049  }
0xb4: {  	s29 =	simm.s32 $0x9;
	_ =	strace $0x8000004B  }
0xb5: {  	_ =	swait.ge [sflag:s29], $0x1  }
0xb6: {  	[sflag:s29] =	ssyncadd.s32 $0xFFFFFFFF  }
0xb7: {  	_ =	strace $0x9000004B  }
0xb8: {  	_ =	sfence  }
0xb9: {  	s30 =	sld [smem:$0x0];
	_ =	sdelay $0x2  }
0xba: {  	s31 =	sshll.u32 s1, $0xD;
	s1 =	sshrl.u32 s1, $0x2  }
0xbb: {  	s3 =	sand.u32 $0x4000, s31;
	s1 =	sadd.s32 s1, s30  }
0xbc: {  	s0 =	sor.u32 s3, s0;
	s1 =	sshll.u32 s1, $0x11  }
0xbd: {  	s0 =	sor.u32 s1, s0  }
0xbe: {  	s0 =	sadd.s32 $0x8F2B, s0  }
0xbf: {  	[sflag:s0] =	ssyncadd.remote.s32 $0x1  }
0xc0: {  	_ =	sfence.sel $0xFFFF  }
0xc1: {  	[dreg:$0x0] =	wrdreg $0xFFFFFFFF;
	(pc) =	sbr.abs _section_cstart, $3  }
0xc2: {  	[dreg:$0x1] =	wrdreg $0xFFFFFFFF  }
0xc3: {  	_ =	task.clear_ibuf [dreg:s7], $0x2FFFF;
	_ =	strace $0x9FFFFFFF  }
0xc4: {  	(tm) =	ssettm $0x7FFFFFFF  }
0xc5: {  	_ =	shalt  }
tec
execute0_lowered:
.L_overlay_start_1:
0x0: {  	(tag) =	ssettag $0x1  }
0x1: {  	s0 =	rddreg [dreg:$0x0]  }
0x2: {  	s1 =	rddreg [dreg:$0x1]  }
0x3: {  	s3 =	rddreg [dreg:$0x2]  }
0x4: {  	s4 =	rddreg [dreg:$0x3];
	s13 =	stileid.u32  }
0x5: {  	s2 =	srdreg.scid;
	s5 =	simm.s32 $0x0;
	s6 =	smul.u32 $0x14000, s13  }
0x6: {  	s29 =	simm.s32 $0x80;
	s31 =	simm.s32 $0x2;
	s17 =	smul.u32 $0xA000, s13  }
0x7: {  	s2 =	sand.u32 $0x1, s2;
	[smem:$0x7FF] =	sst s5;
	s8 =	smul.u32 $0x28000, s13  }
0x8: {  	s19 =	sshll.u32 s13, $0x6;
	s12 =	smul.u32 $0x4E00, s13;
	s24 =	sshll.u32 s13, $0x4  }
0x9: {  	s16 =	sadd.s32 $0x9C40, s1;
	p0 =	sgt.u32 s13, $0x3;
	s7 =	sshll.u32 s2, $0x6  }
0xa: {  	_ =	strace $0x8000004A;
	s2 =	ssub.s32 $0x2, s2;
	s26 =	sadd.s32 s24, s1  }
0xb: {  	s24 =	simm.s32 $0x10;
	s6 =	sor.u32 s7, s6;
	s18 =	sshrl.u32 s2, $0x1  }
0xc: {  	s10 =	sadd.s32 s17, s3;
	s11 =	sshrl.u32 s8, $0x2;
	s8 =	sor.u32 $0x1C04, s19  }
0xd: {  	s23 =	sshrl.u32 s12, $0x3;
	s28 =	sadd.s32 $0x9C00, s26;
	s7 =	sadd.s32 $0x13840, s26  }
0xe: {  	s26 =	simm.s32 $0x1800;
	s6 =	sshrl.u32 s6, $0x3;
	[dreg:$0xc] =	wrdreg s28  }
0xf: {  	s11 =	sadd.s32 s11, s4;
	s25 =	sadd.s32 s1, s23;
	[dreg:$0xd] =	wrdreg s7  }
0x10: {  	s2 =	ssub.s32 s2, s18;
	s20 =	sadd.s32 $0x2000, s11;
	[dreg:$0xa] =	wrdreg s25  }
0x11: {  	s0 =	sadd.s32 s6, s0;
	s21 =	sadd.s32 $0x4000, s11;
	[dreg:$0x6] =	wrdreg s20  }
0x12: {  	s6 =	smul.u32 $0x9C, s13;
	s22 =	sadd.s32 $0x6000, s11;
	[dreg:$0x7] =	wrdreg s21  }
0x13: {  	s11 =	sadd.s32 $0x8000, s11;
	s30 =	smax.u32 s2, $0x1;
	[dreg:$0x8] =	wrdreg s22  }
.Ltmp0:
0x14: {  	s9 =	sadd.s32 $0x2800, s0;
	[dreg:$0x9] =	wrdreg s11;
	(pc) =	sbr.rel .LBB2_1-.Ltmp0, $4  }
0x15: {  	s11 =	sadd.s32 $0x9C40, s25;
	s0 =	sadd.s32 $0x2A800, s0;
	[dreg:$0xf] =	wrdreg s30  }
0x16: {  	s21 =	sshrl.u32 s10, $0x3;
	s22 =	simm.s32 $0x1;
	[dreg:$0x5] =	wrdreg s9  }
0x17: {  	s25 =	simm.s32 $0x4;
	s9 =	sadd.s32 s17, s4;
	[dreg:$0xb] =	wrdreg s11  }
0x18: {  	v0 =	vimm.f32 $0.0e+00;
	[dreg:$0xe] =	wrdreg s0;
	s11 =	simm.s32 $0x8;
	s0 =	simm.s32 $0x0  }
.LBB2_10:
0x19: {  	_ =	swait.ge [sflag:s31], $0x2000  }
0x1a: {  	[sflag:s31] =	ssyncset.done $0x0  }
0x1b: {  	[sflag:s31] =	ssyncadd.s32 $0xFFFFE000  }
0x1c: {  	_ =	swait.ge [sflag:s31], $0x2000  }
0x1d: {  	[sflag:s31] =	ssyncset.done $0x0  }
0x1e: {  	s2 =	simm.s32 @!p0 $0x0;
	s7 =	rddreg [dreg:$0xc];
	[sflag:s31] =	ssyncadd.s32 $0xFFFFE000  }
0x1f: {  	[tilespmem:s2], [sflag:$0x4] =	stream.linear.gather @!p0 [hbm4b:s7+s2], $0x80, $0x38;
	[tilespmem:$0x1D800] =	vst v63  }
0x20: {  	s7 =	simm.s32 @!p0 $0x4  }
0x21: {  	_ =	swait.ge @!p0 [sflag:s7], $0x80  }
0x22: {  	[sflag:s7] =	ssyncset.done @!p0 $0x0  }
0x23: {  	s10 =	simm.s32 @!p0 $0xC00;
	s11 =	rddreg [dreg:$0xd];
	[sflag:s7] =	ssyncadd.s32 @!p0 $0xFFFFFF80  }
0x24: {  	[tilespmem:s10], [sflag:$0x4] =	stream.linear.gather @!p0 [hbm4b:s11+s2], $0x80, $0x38;
	[tilespmem:$0x1D800] =	vst v63  }
0x25: {  	_ =	swait.ge @!p0 [sflag:s7], $0x80  }
0x26: {  	[sflag:s7] =	ssyncset.done @!p0 $0x0  }
0x27: {  	s11 =	simm.s32 @!p0 $0x1800;
	[sflag:s7] =	ssyncadd.s32 @!p0 $0xFFFFFF80;
	s7 =	simm.s32 @!p0 $0x80  }
0x28: {  	[tilespmem:s11], [sflag:$0x1] =	stream.indirect.gather @!p0 [spmem:s3], $0x40, s2, s7, $0xb8;
	[tilespmem:$0x1D800] =	vst v63  }
0x29: {  	s2 =	simm.s32 @!p0 $0x1  }
0x2a: {  	_ =	swait.ge @!p0 [sflag:s2], $0x2000  }
0x2b: {  	[sflag:s2] =	ssyncset.done @!p0 $0x0  }
0x2c: {  	[sflag:s2] =	ssyncadd.s32 @!p0 $0xFFFFE000;
	s2 =	simm.s32 @!p0 $0x2  }
0x2d: {  	[spmem:s4] =	stream.indirect.scatter.add.f32 @!p0 [tilespmem:s11], [sflag:$0x2], $0x40, s10, s7, $0xb8;
	[tilespmem:$0x1D800] =	vst v63  }
0x2e: {  	_ =	swait.ge @!p0 [sflag:s2], $0x2000  }
0x2f: {  	[sflag:s2] =	ssyncset.done @!p0 $0x0  }
0x30: {  	[sflag:s2] =	ssyncadd.s32 @!p0 $0xFFFFE000  }
0x31: {  	[bflag:$0x0] =	sbarrier.arrive $0xFFFF  }
0x32: {  	s23 =	sshrl.u32 s9, $0x3;
	s11 =	simm.s32 $0x8;
	s28 =	rddreg [dreg:$0xe]  }
0x33: {  	[hbm:s28@s24], [sflag:s8] =	dma.strided [spmem:s23@s11], $0x1400, s22, $0x8   }
0x34: {  	_ =	swait.ge [sflag:s25], $0x1400  }
0x35: {  	s0 =	sadd.s32 $0x1, s0;
	s30 =	rddreg [dreg:$0xf]  }
0x36: {  	p1 =	sne.s32 s0, s30  }
.Ltmp1:
0x37: {  	_ = 	snop;
	(pc) =	sbr.rel @!p1 .LBB2_11-.Ltmp1, $3  }
0x38: {  	_ =	sdelay $0x1  }
0x39: {  	[sflag:s25] =	ssyncset.done $0x0  }
0x3a: {  	[sflag:s25] =	ssyncadd.s32 $0xFFFFEC00  }
.LBB2_1:
0x3b: {  	s7 =	simm.s32 $0x100;
	s2 =	simm.s32 $0x0  }
.LBB2_2:
0x3c: {  	p1 =	sne.s32 s7, $0x7F00;
	[tilespmem:s2+$0x1830] =	vst v0;
	s10 =	smov.u32 s7;
	s7 =	sadd.s32 $0x100, s7  }
.Ltmp2:
0x3d: {  	[tilespmem:s2+$0x1820] =	vst v0;
	(pc) =	sbr.rel @p1 .LBB2_2-.Ltmp2, $3  }
0x3e: {  	[tilespmem:s2+$0x1800] =	vst v0  }
0x3f: {  	[tilespmem:s2+$0x1810] =	vst v0;
	_ =	sdelay $0x1  }
0x40: {  	s2 =	sshra.s32 s10, $0x2  }
0x41: {  	[tilespmem:s2+$0x1830] =	vst v0  }
0x42: {  	[tilespmem:s2+$0x1820] =	vst v0  }
0x43: {  	[tilespmem:s2+$0x1800] =	vst v0  }
0x44: {  	[tilespmem:s2+$0x1810] =	vst v0;
	s14 =	rddreg [dreg:$0x5]  }
0x45: {  	[spmem:s21@s11], [sflag:s8] =	dma.strided [hbm:s14@s24], $0x1400, s22, $0x8   }
0x46: {  	_ =	swait.ge [sflag:s25], $0x1400  }
0x47: {  	[sflag:s25] =	ssyncset.done $0x0  }
0x48: {  	[sflag:s25] =	ssyncadd.s32 $0xFFFFEC00  }
0x49: {  	[spmem:s9] =	stream.linear.scatter [tilespmem:s26], [sflag:$0x4], $0x2000, $0x38;
	[tilespmem:$0x1D800] =	vst v63  }
0x4a: {  	_ =	swait.ge [sflag:s25], $0x2000  }
0x4b: {  	[sflag:s25] =	ssyncset.done $0x0  }
0x4c: {  	s15 =	rddreg [dreg:$0x6];
	[sflag:s25] =	ssyncadd.s32 $0xFFFFE000  }
0x4d: {  	[spmem:s15] =	stream.linear.scatter [tilespmem:s26], [sflag:$0x4], $0x2000, $0x38;
	[tilespmem:$0x1D800] =	vst v63  }
0x4e: {  	_ =	swait.ge [sflag:s25], $0x2000  }
0x4f: {  	[sflag:s25] =	ssyncset.done $0x0  }
0x50: {  	s17 =	rddreg [dreg:$0x7];
	[sflag:s25] =	ssyncadd.s32 $0xFFFFE000  }
0x51: {  	[spmem:s17] =	stream.linear.scatter [tilespmem:s26], [sflag:$0x4], $0x2000, $0x38;
	[tilespmem:$0x1D800] =	vst v63  }
0x52: {  	_ =	swait.ge [sflag:s25], $0x2000  }
0x53: {  	[sflag:s25] =	ssyncset.done $0x0  }
0x54: {  	s18 =	rddreg [dreg:$0x8];
	[sflag:s25] =	ssyncadd.s32 $0xFFFFE000  }
0x55: {  	[spmem:s18] =	stream.linear.scatter [tilespmem:s26], [sflag:$0x4], $0x2000, $0x38;
	[tilespmem:$0x1D800] =	vst v63  }
0x56: {  	_ =	swait.ge [sflag:s25], $0x2000  }
0x57: {  	[sflag:s25] =	ssyncset.done $0x0  }
0x58: {  	s19 =	rddreg [dreg:$0x9];
	[sflag:s25] =	ssyncadd.s32 $0xFFFFE000  }
0x59: {  	[spmem:s19] =	stream.linear.scatter [tilespmem:s26], [sflag:$0x4], $0x2000, $0x38;
	[tilespmem:$0x1D800] =	vst v63  }
0x5a: {  	_ =	swait.ge [sflag:s25], $0x2000  }
0x5b: {  	[sflag:s25] =	ssyncset.done $0x0  }
0x5c: {  	[sflag:s25] =	ssyncadd.s32 $0xFFFFE000  }
0x5d: {  	[bflag:$0x0] =	sbarrier.arrive $0xFFFF  }
0x5e: {  	s2 =	simm.s32 $0x0;
	s7 =	rddreg [dreg:$0xa]  }
0x5f: {  	[tilespmem:s2], [sflag:$0x4] =	stream.linear.gather [hbm4b:s7+s2], $0x600, $0x38;
	[tilespmem:$0x1D800] =	vst v63  }
0x60: {  	_ =	swait.ge [sflag:s25], $0x600  }
0x61: {  	[sflag:s25] =	ssyncset.done $0x0  }
0x62: {  	s10 =	simm.s32 $0xC00;
	s20 =	rddreg [dreg:$0xb];
	[sflag:s25] =	ssyncadd.s32 $0xFFFFFA00  }
0x63: {  	[tilespmem:s10], [sflag:$0x4] =	stream.linear.gather [hbm4b:s20+s2], $0x600, $0x38;
	[tilespmem:$0x1D800] =	vst v63  }
0x64: {  	_ =	swait.ge [sflag:s25], $0x600  }
.Ltmp3:
0x65: {  	[sflag:s25] =	ssyncset.done $0x0;
	(pc) =	sbr.rel .LBB2_4-.Ltmp3, $4  }
0x66: {  	s23 =	simm.s32 $0x3800;
	[sflag:s25] =	ssyncadd.s32 $0xFFFFFA00  }
0x67: {  	[tilespmem:s26], [sflag:$0x1] =	stream.indirect.gather [spmem:s3], $0x40, s2, s29, $0xb8;
	[tilespmem:$0x1D800] =	vst v63  }
0x68: {  	p1 =	por $0x0, $0x0;
	s28 =	simm.s32 $0x4000;
	s30 =	simm.s32 $0x0  }
0x69: {  	[tilespmem:s23], [sflag:$0x1] =	stream.indirect.gather [spmem:s3], $0x40, s29, s29, $0xb8;
	[tilespmem:$0x1D800] =	vst v63  }
.LBB2_9:
0x6a: {  	p2 =	sne.s32 s2, $0xD  }
.Ltmp4:
0x6b: {  	_ = 	snop;
	(pc) =	sbr.rel @!p2 .LBB2_10-.Ltmp4, $2  }
0x6c: {  	_ =	sdelay $0x2  }
0x6d: {  	p1 =	por !p1, !p1;
	s30 =	sadd.s32 $0xC, s30;
	s28 =	sadd.s32 $0x18000, s28  }
.LBB2_4:
0x6e: {  	s7 =	simm.s32 $0x1;
	s17 =	smov.u32 s2;
	s2 =	sadd.s32 $0x1, s2  }
0x6f: {  	s7 =	simm.s32 @!p1 $0x0;
	s10 =	smul.u32 $0xC, s2  }
0x70: {  	s11 =	sand.u32 $0x1, s2;
	s7 =	smul.u32 $0x1800, s7  }
.Ltmp5:
0x71: {  	s18 =	simm.s32 $0x0;
	p2 =	seq.s32 s11, $0x1;
	(pc) =	sbr.rel .LBB2_5-.Ltmp5, $4  }
0x72: {  	s11 =	sand.u32 $0x1, s17;
	s12 =	sadd.s32 s6, s10;
	s10 =	simm.s32 $0x600  }
0x73: {  	s7 =	sshrl.u32 s7, $0x2;
	s10 =	simm.s32 @!p2 $0x0;
	s15 =	sshll.u32 s12, $0x4  }
0x74: {  	p2 =	seq.s32 s17, $0xC;
	s17 =	simm.s32 $0x0;
	s7 =	sadd.s32 $0xC00, s7  }
0x75: {  	s12 =	sadd.s32 s1, s15;
	s13 =	sadd.s32 $0xC00, s10;
	s15 =	sadd.s32 s15, s16  }
.LBB2_7:
0x76: {  	p3 =	sne.s32 @!p2 s18, $0xA  }
0x77: {  	p3 =	por p3, p2  }
0x78: {  	s23 =	simm.s32 @!p3 $0x3  }
0x79: {  	_ =	swait.ge @!p3 [sflag:s23], $0x600  }
0x7a: {  	[sflag:s23] =	ssyncset.done @!p3 $0x0  }
0x7b: {  	[sflag:s23] =	ssyncadd.s32 @!p3 $0xFFFFFA00  }
0x7c: {  	_ =	swait.ge @!p3 [sflag:s23], $0x600  }
0x7d: {  	[sflag:s23] =	ssyncset.done @!p3 $0x0  }
0x7e: {  	[sflag:s23] =	ssyncadd.s32 @!p3 $0xFFFFFA00  }
.LBB2_8:
0x7f: {  	p3 =	sgt.u32 s19, $0x99  }
0x80: {  	s19 =	sadd.s32 @!p3 s18, s30  }
0x81: {  	s19 =	sadd.s32 @!p3 $0x2, s19  }
0x82: {  	s23 =	smul.u32 @!p3 $0xAB, s19;
	_ =	sdelay $0x1  }
0x83: {  	p4 =	sgt.u32 @!p3 s18, $0x9;
	s23 =	sshrl.u32 @!p3 s23, $0xB  }
0x84: {  	s20 =	simm.s32 @!p3 $0x1;
	p4 =	por !p4, p3;
	s23 =	sand.u32 @!p3 $0x1F, s23  }
0x85: {  	s20 =	simm.s32 @p4 $0x0;
	s23 =	smul.u32 @!p3 $0xC, s23  }
0x86: {  	s20 =	sxor.u32 @!p3 s20, s11  }
0x87: {  	s20 =	smul.u32 @!p3 $0x1800, s20;
	s19 =	ssub.s32 @!p3 s19, s23  }
0x88: {  	s14 =	sadd.s32 @!p3 s17, s28;
	s18 =	sadd.s32 $0x1, s18;
	s19 =	sand.u32 @!p3 $0xFF, s19  }
0x89: {  	s14 =	sand.u32 @!p3 $0x6000, s14;
	s20 =	sshrl.u32 @!p3 s20, $0x2;
	s19 =	sshll.u32 @!p3 s19, $0x7  }
0x8a: {  	s14 =	sor.u32 @!p3 $0x1800, s14;
	s19 =	sadd.s32 @!p3 s19, s20;
	s20 =	simm.s32 @!p3 $0x80  }
0x8b: {  	[tilespmem:s14], [sflag:$0x1] =	stream.indirect.gather @!p3 [spmem:s3], $0x40, s19, s20, $0xb8;
	[tilespmem:$0x1D800] =	vst v63  }
0x8c: {  	p3 =	sne.s32 s18, $0xC  }
.Ltmp6:
0x8d: {  	_ = 	snop;
	(pc) =	sbr.rel @!p3 .LBB2_9-.Ltmp6, $4  }
0x8e: {  	s23 =	sand.u32 $0x6000, s17  }
0x8f: {  	s23 =	sor.u32 $0x1800, s23  }
0x90: {  	[spmem:s4] =	stream.indirect.scatter.add.f32 [tilespmem:s23], [sflag:$0x2], $0x40, s7, s29, $0xb8;
	[tilespmem:$0x1D800] =	vst v63  }
0x91: {  	s17 =	sadd.s32 $0x2000, s17;
	s7 =	sadd.s32 $0x80, s7  }
.LBB2_5:
0x92: {  	p4 =	sne.s32 @!p2 s18, $0x2  }
0x93: {  	s19 =	sadd.s32 s18, s30;
	_ =	swait.ge [sflag:s22], $0x2000;
	p4 =	por p2, p4  }
.Ltmp7:
0x94: {  	[sflag:s22] =	ssyncset.done $0x0;
	p3 =	slt.u32 s19, $0x2;
	(pc) =	sbr.rel @p4 .LBB2_7-.Ltmp7, $4  }
0x95: {  	[sflag:s22] =	ssyncadd.s32 $0xFFFFE000;
	s23 =	simm.s32 @!p3 $0x2  }
0x96: {  	_ =	swait.ge @!p3 [sflag:s23], $0x2000  }
0x97: {  	[sflag:s23] =	ssyncset.done @!p3 $0x0  }
0x98: {  	[sflag:s23] =	ssyncadd.s32 @!p3 $0xFFFFE000  }
.Ltmp8:
0x99: {  	(pc) =	sbr.rel .LBB2_8-.Ltmp8, $4  }
0x9a: {  	_ = 	snop  }
0x9b: {  	[tilespmem:s10], [sflag:$0x3] =	stream.linear.gather [hbm4b:s12+s5], $0x600, $0x38;
	[tilespmem:$0x1D800] =	vst v63  }
0x9c: {  	_ = 	snop  }
0x9d: {  	[tilespmem:s13], [sflag:$0x3] =	stream.linear.gather [hbm4b:s15+s5], $0x600, $0x38;
	[tilespmem:$0x1D800] =	vst v63  }
.LBB2_11:
0x9e: {  	_ =	sfence.sel $0x180000  }
0x9f: {  	[bflag:$0x0] =	sbarrier.arrive $0xFFFF  }
0xa0: {  	_ =	strace $0x9000004A  }
0xa1: {  	s0 =	stileid.u32;
	[bflag:$0x2] =	sbarrier.arrive $0xFFFF  }
0xa2: {  	p0 =	sne.s32 s0, $0x0;
	s0 =	rddreg [dreg:$0x4]  }
0xa3: {  	s0 =	sadd.s32 @!p0 $0x100000, s0  }
0xa4: {  	[sflag:s0] =	ssyncadd.tile.s32 @!p0 $0x1;
	_ =	shalt  }
.Lfunc_end2:
_tile_overlayer_lowered:
.L_overlay_start_2:
0xa5: {  	(tag) =	ssettag $0x2  }
0xa6: {  	s0 =	rddreg [dreg:$0x0];
	s2 =	stileid.u32  }
0xa7: {  	s1 =	rddreg [dreg:$0x1];
	p0 =	sne.s32 s2, $0x0  }
0xa8: {  	s3 =	rddreg [dreg:$0x2];
	[bflag:$0x3] =	sbarrier.arrive $0xFFFF;
	s2 =	simm.s32 @!p0 $0x1C04  }
0xa9: {  	[timem:s3], [sflag:s2] =	dma.local @!p0 [hbm:s0], s1  }
0xaa: {  	s0 =	simm.s32 @!p0 $0x4  }
0xab: {  	_ =	swait.ge @!p0 [sflag:s0], s1  }
0xac: {  	s1 =	ssub.s32 @!p0 $0x0, s1;
	[sflag:s0] =	ssyncset.done @!p0 $0x0  }
0xad: {  	[sflag:s0] =	ssyncadd.s32 @!p0 s1  }
0xae: {  	[bflag:$0x3] =	sbarrier.arrive $0xFFFF  }
0xaf: {  	_ =	shalt  }

// kernel: kernel.14.cloned.1.call-start
scs
__scs_entry_jumppad:
0x0: {  	(pc) =	sbr.rel $0x88, $3  }
0x1: {  	(tag) =	ssettag $0x0;
	lr =	simm.s32 $0x1  }
0x2: {  	[smem:$0x3F9B] =	sst lr;
	_ =	strace $0xD0000000  }
0x3: {  	_ = 	snop  }
0x4: {  	_ = 	snop  }
0x5: {  	_ = 	snop  }
0x6: {  	_ = 	snop  }
0x7: {  	_ = 	snop  }
__scs_overlays_trampoline_lowered:
0x8: {  	[smem:$0x3FAA] =	sst s0  }
0x9: {  	[smem:$0x3FAB] =	sst s1  }
0xa: {  	[smem:$0x3FAC] =	sst s2  }
0xb: {  	[smem:$0x3FAD] =	sst s3  }
0xc: {  	[smem:$0x3FAE] =	sst s4  }
0xd: {  	[smem:$0x3FAF] =	sst s5  }
0xe: {  	[smem:$0x3FB0] =	sst s6  }
0xf: {  	[smem:$0x3FB1] =	sst s7  }
0x10: {  	[smem:$0x3FB2] =	sst s8  }
0x11: {  	[smem:$0x3FB3] =	sst s9;
	s0 =	simm.s32 @!p0 $0x0  }
0x12: {  	s1 =	sld [smem:$0x3F99];
	s0 =	simm.s32 @p0 $0x1  }
0x13: {  	[smem:$0x3FB4] =	sst s0;
	s0 =	simm.s32 @!p1 $0x0  }
0x14: {  	s2 =	sld [smem:$0x3F98];
	s0 =	simm.s32 @p1 $0x1  }
0x15: {  	[smem:$0x3FB5] =	sst s0;
	s0 =	simm.s32 @!p2 $0x0  }
0x16: {  	s3 =	sld [smem:$0x3FDB];
	s0 =	simm.s32 @p2 $0x1  }
0x17: {  	s4 =	simm.s32 $0x1BF5;
	[smem:$0x3FB7] =	sst s0  }
0x18: {  	s0 =	sld [smem:$0x3F9A];
	_ =	swait.ge [sflag:s4], $0x0  }
0x19: {  	s7 =	sld [smem:$0x3F9B]  }
0x1a: {  	s8 =	sadd.s32 $0xFFFFE003, lr  }
0x1b: {  	s9 =	sadd.s32 $0xFFFFFEF7, lr;
	s5 =	simm.s32 $0xFFFFFFFF;
	p2 =	slt.u32 s8, $0xFFFFF086  }
0x1c: {  	p1 =	slt.u32 s9, $0xF7A;
	s5 =	simm.s32 @!p2 $0x0  }
0x1d: {  	s5 =	simm.s32 @p1 $0x1;
	p0 =	seq.s32 s7, s2  }
0x1e: {  	s7 =	smul.u32 @!p0 $0xF7A, s2;
	p2 =	seq.s32 @!p0 s5, $0x0  }
0x1f: {  	s9 =	smul.u32 $0xF7A, s1;
	s8 =	simm.s32 @!p0 $0x1BF5;
	p2 =	por !p2, p0  }
0x20: {  	[sflag:s8] =	ssyncset.s32 @!p0 $0xFFFFF086;
	s6 =	sadd.s32 @!p0 s3, s7;
	s7 =	simm.s32 @!p0 $0x108  }
0x21: {  	s3 =	sadd.s32 s3, s9;
	s6 =	sadd.s32 @!p0 $0x88, s6;
	s7 =	simm.s32 @p2 $0x1082  }
0x22: {  	[simem:s7], [sflag:s8] =	dma.local @!p0 [hbm:s6], $0xF7A  }
0x23: {  	s9 =	sor.u32 $0xD0000000, s2;
	s6 =	simm.s32 $0x108;
	_ =	swait.ge @!p0 [sflag:s8], $0x0  }
0x24: {  	s3 =	sadd.s32 $0x88, s3;
	s6 =	simm.s32 @!p1 $0x1082;
	[sflag:s4] =	ssyncset.s32 $0xFFFFF086  }
0x25: {  	[simem:s6], [sflag:s4] =	dma.local [hbm:s3], $0xF7A  }
0x26: {  	[smem:$0x3F9B] =	sst s1;
	(tag) =	ssettag s2;
	_ =	strace s9  }
0x27: {  	s1 =	sld [smem:$0x3FAB]  }
0x28: {  	s2 =	sld [smem:$0x3FAC]  }
0x29: {  	s4 =	sld [smem:$0x3FAE]  }
0x2a: {  	p0 =	seq.s32 s5, $0x0;
	s5 =	sld [smem:$0x3FAF]  }
0x2b: {  	s6 =	sld [smem:$0x3FB0]  }
0x2c: {  	s7 =	sld [smem:$0x3FB1]  }
0x2d: {  	s3 =	simm.s32 $0x108;
	s8 =	sld [smem:$0x3FB2]  }
0x2e: {  	s3 =	simm.s32 @!p0 $0x1082;
	s9 =	sld [smem:$0x3FB3]  }
0x2f: {  	lr =	sadd.s32 s0, s3;
	s0 =	sld [smem:$0x3FAA]  }
0x30: {  	s3 =	sld [smem:$0x3FAD]  }
0x31: {  	[smem:$0x3FB6] =	sst s10  }
0x32: {  	s10 =	sld [smem:$0x3FB4];
	_ =	sdelay $0x3  }
0x33: {  	p0 =	seq.s32 s10, $0x1;
	s10 =	sld [smem:$0x3FB6];
	_ =	sdelay $0x3  }
0x34: {  	[smem:$0x3FB6] =	sst s10  }
0x35: {  	s10 =	sld [smem:$0x3FB5];
	_ =	sdelay $0x3  }
0x36: {  	p1 =	seq.s32 s10, $0x1;
	s10 =	sld [smem:$0x3FB6];
	_ =	sdelay $0x3  }
0x37: {  	[smem:$0x3FB6] =	sst s10  }
0x38: {  	s10 =	sld [smem:$0x3FB7]  }
0x39: {  	_ = 	snop;
	(pc) =	sbr.ind lr, $3  }
0x3a: {  	_ = 	snop  }
0x3b: {  	_ = 	snop  }
0x3c: {  	p2 =	seq.s32 s10, $0x1;
	s10 =	sld [smem:$0x3FB6]  }
0x3d: {  	_ =	shalt  }
0x3e: {  	_ =	shalt  }
0x3f: {  	_ =	shalt  }
0x40: {  	_ =	shalt  }
0x41: {  	_ =	shalt  }
0x42: {  	_ =	shalt  }
0x43: {  	_ =	shalt  }
0x44: {  	_ =	shalt  }
0x45: {  	_ =	shalt  }
0x46: {  	_ =	shalt  }
0x47: {  	_ =	shalt  }
0x48: {  	_ =	shalt  }
0x49: {  	_ =	shalt  }
0x4a: {  	_ =	shalt  }
0x4b: {  	_ =	shalt  }
0x4c: {  	_ =	shalt  }
0x4d: {  	_ =	shalt  }
0x4e: {  	_ =	shalt  }
0x4f: {  	_ =	shalt  }
0x50: {  	_ =	shalt  }
0x51: {  	_ =	shalt  }
0x52: {  	_ =	shalt  }
0x53: {  	_ =	shalt  }
0x54: {  	_ =	shalt  }
0x55: {  	_ =	shalt  }
0x56: {  	_ =	shalt  }
0x57: {  	_ =	shalt  }
0x58: {  	_ =	shalt  }
0x59: {  	_ =	shalt  }
0x5a: {  	_ =	shalt  }
0x5b: {  	_ =	shalt  }
0x5c: {  	_ =	shalt  }
0x5d: {  	_ =	shalt  }
0x5e: {  	_ =	shalt  }
0x5f: {  	_ =	shalt  }
0x60: {  	_ =	shalt  }
0x61: {  	_ =	shalt  }
0x62: {  	_ =	shalt  }
0x63: {  	_ =	shalt  }
0x64: {  	_ =	shalt  }
0x65: {  	_ =	shalt  }
0x66: {  	_ =	shalt  }
0x67: {  	_ =	shalt  }
0x68: {  	_ =	shalt  }
0x69: {  	_ =	shalt  }
0x6a: {  	_ =	shalt  }
0x6b: {  	_ =	shalt  }
0x6c: {  	_ =	shalt  }
0x6d: {  	_ =	shalt  }
0x6e: {  	_ =	shalt  }
0x6f: {  	_ =	shalt  }
0x70: {  	_ =	shalt  }
0x71: {  	_ =	shalt  }
0x72: {  	_ =	shalt  }
0x73: {  	_ =	shalt  }
0x74: {  	_ =	shalt  }
0x75: {  	_ =	shalt  }
0x76: {  	_ =	shalt  }
0x77: {  	_ =	shalt  }
0x78: {  	_ =	shalt  }
0x79: {  	_ =	shalt  }
0x7a: {  	_ =	shalt  }
0x7b: {  	_ =	shalt  }
0x7c: {  	_ =	shalt  }
0x7d: {  	_ =	shalt  }
0x7e: {  	_ =	shalt  }
0x7f: {  	_ =	shalt  }
0x80: {  	_ =	shalt  }
0x81: {  	_ =	shalt  }
0x82: {  	_ =	shalt  }
0x83: {  	_ =	shalt  }
0x84: {  	_ =	shalt  }
0x85: {  	_ =	shalt  }
0x86: {  	_ =	shalt  }
0x87: {  	_ =	shalt  }
.Lfunc_end0:
.L_simem_size_0:
called_computation.2_lowered:
.L_overlay_start_0:
0x88: {  	s2 =	sld [smem:$0x3FD9]  }
0x89: {  	s3 =	sld [smem:$0x3FFE];
	_ =	sdelay $0x1  }
0x8a: {  	s1 =	srdreg.scid  }
0x8b: {  	s0 =	sand.u32 $0x1, s1  }
0x8c: {  	s17 =	sshll.u32 s0, $0xA;
	s2 =	sadd.s32 s3, s2  }
0x8d: {  	s2 =	sadd.s32 s2, s17  }
0x8e: {  	[smem:$0x3FC2] =	sst s2  }
0x8f: {  	_ = 	snop  }
0x90: {  	s2 =	sld [smem:$0x3FD0];
	(tm) =	ssettm $0x1  }
0x91: {  	s18 =	sld [smem:$0x3FFB];
	_ =	sdelay $0x3  }
0x92: {  	_ =	strace s18  }
0x93: {  	s3 =	sld [smem:$0x3FFC];
	_ =	sdelay $0x3  }
0x94: {  	_ =	strace s3  }
0x95: {  	s3 =	sld [smem:$0x3FFD];
	_ =	sdelay $0x3  }
0x96: {  	_ =	strace s3  }
0x97: {  	_ =	strace $0x8FFFFFFF  }
0x98: {  	s19 =	sld [smem:$0x3FDB];
	_ =	sdelay $0x1  }
0x99: {  	s4 =	simm.s32 $_scs_section_size  }
0x9a: {  	s5 =	simm.s32 $_size__tile_overlayer_lowered;
	s6 =	simm.s32 $_tile_overlayer_lowered  }
0x9b: {  	s22 =	simm.s32 $0x1BFF;
	s21 =	sshll.u32 s6, $0x1;
	s3 =	sadd.s32 s4, s19  }
0x9c: {  	s7 =	simm.s32 $0x0;
	s20 =	sshll.u32 s5, $0x1;
	s5 =	sadd.s32 s21, s3  }
0x9d: {  	[timem:s7], [sflag:s22] =	dma.local [hbm:s5], s20  }
0x9e: {  	_ =	swait.ge [sflag:s22], s20  }
0x9f: {  	s4 =	ssub.s32 $0x0, s20;
	[sflag:s22] =	ssyncset.done $0x0  }
0xa0: {  	[sflag:s22] =	ssyncadd.s32 s4;
	_ =	sdelay $0x1  }
0xa1: {  	s23 =	simm.s32 $0x1B8B  }
0xa2: {  	_ =	swait.ge [sflag:s23], $0x1  }
0xa3: {  	[sflag:s23] =	ssyncset.done $0x0  }
0xa4: {  	s25 =	simm.s32 $0x1B8E;
	s24 =	sld [smem:$0x3FFE];
	[sflag:s23] =	ssyncadd.s32 $0xFFFFFFFF  }
0xa5: {  	s26 =	simm.s32 $execute0_lowered;
	[smem:$0x3FD2] =	sst s25  }
0xa6: {  	s5 =	sshll.u32 s26, $0x1;
	_ =	strace $0x8000004C;
	[dreg:$0x1] =	wrdreg $0xFFFFFFFF  }
0xa7: {  	s28 =	simm.s32 $_size_execute0_lowered;
	s3 =	sadd.s32 s3, s5;
	[dreg:$0x0] =	wrdreg $0x0  }
0xa8: {  	s5 =	sshll.u32 s28, $0x1;
	[dreg:$0x2] =	wrdreg s3  }
0xa9: {  	[dreg:$0x3] =	wrdreg s5  }
0xaa: {  	[dreg:$0x4] =	wrdreg $0xC0  }
0xab: {  	_ =	task [dreg:s7], $0x5FFFF  }
0xac: {  	[dreg:$0x1] =	wrdreg $0xFFFFFFFF  }
0xad: {  	[dreg:$0x0] =	wrdreg $0x60  }
0xae: {  	[dreg:$0x2] =	wrdreg s24  }
0xaf: {  	[dreg:$0x3] =	wrdreg s2  }
0xb0: {  	[dreg:$0x4] =	wrdreg $0x9A000  }
0xb1: {  	[dreg:$0x5] =	wrdreg $0x13A000  }
0xb2: {  	[dreg:$0x6] =	wrdreg $0x9  }
0xb3: {  	_ =	task.clear_ibuf [dreg:s7], $0x7FFFF;
	_ =	strace $0x9000004C  }
0xb4: {  	s29 =	simm.s32 $0x9;
	_ =	strace $0x8000004E  }
0xb5: {  	_ =	swait.ge [sflag:s29], $0x1  }
0xb6: {  	[sflag:s29] =	ssyncadd.s32 $0xFFFFFFFF  }
0xb7: {  	_ =	strace $0x9000004E  }
0xb8: {  	_ =	sfence  }
0xb9: {  	s30 =	sld [smem:$0x0];
	_ =	sdelay $0x2  }
0xba: {  	s31 =	sshll.u32 s1, $0xD;
	s1 =	sshrl.u32 s1, $0x2  }
0xbb: {  	s3 =	sand.u32 $0x4000, s31;
	s1 =	sadd.s32 s1, s30  }
0xbc: {  	s0 =	sor.u32 s3, s0;
	s1 =	sshll.u32 s1, $0x11  }
0xbd: {  	s0 =	sor.u32 s1, s0  }
0xbe: {  	s0 =	sadd.s32 $0x8F2B, s0  }
0xbf: {  	[sflag:s0] =	ssyncadd.remote.s32 $0x1  }
0xc0: {  	_ =	sfence.sel $0xFFFF  }
0xc1: {  	[dreg:$0x0] =	wrdreg $0xFFFFFFFF;
	(pc) =	sbr.abs _section_cstart, $3  }
0xc2: {  	[dreg:$0x1] =	wrdreg $0xFFFFFFFF  }
0xc3: {  	_ =	task.clear_ibuf [dreg:s7], $0x2FFFF;
	_ =	strace $0x9FFFFFFF  }
0xc4: {  	(tm) =	ssettm $0x7FFFFFFF  }
0xc5: {  	_ =	shalt  }
tec
execute0_lowered:
.L_overlay_start_1:
0x0: {  	(tag) =	ssettag $0x1  }
0x1: {  	s0 =	rddreg [dreg:$0x0]  }
0x2: {  	s1 =	rddreg [dreg:$0x1]  }
0x3: {  	s2 =	srdreg.scid;
	s3 =	rddreg [dreg:$0x2]  }
0x4: {  	s14 =	stileid.u32;
	s4 =	rddreg [dreg:$0x3];
	s5 =	simm.s32 $0x0  }
0x5: {  	s29 =	simm.s32 $0x80;
	s31 =	simm.s32 $0x2;
	s6 =	smul.u32 $0x14000, s14  }
0x6: {  	s2 =	sand.u32 $0x1, s2;
	[smem:$0x7FF] =	sst s5;
	s17 =	smul.u32 $0xA000, s14  }
0x7: {  	s9 =	smul.u32 $0x28000, s14;
	s19 =	sshll.u32 s14, $0x6;
	s24 =	sshll.u32 s14, $0x4  }
0x8: {  	s7 =	sshll.u32 s2, $0x6;
	_ =	strace $0x8000004D;
	s16 =	ssub.s32 $0x2, s2  }
0x9: {  	s2 =	sshll.u32 s2, $0x4;
	s26 =	sadd.s32 s24, s1;
	s24 =	simm.s32 $0x10  }
0xa: {  	s6 =	sor.u32 s7, s6;
	s8 =	sshrl.u32 s16, $0x1;
	s2 =	sor.u32 s14, s2  }
0xb: {  	s11 =	sadd.s32 s17, s3;
	s9 =	sshrl.u32 s9, $0x2;
	s28 =	sadd.s32 $0x9C00, s26  }
0xc: {  	s7 =	sadd.s32 $0x13840, s26;
	s26 =	simm.s32 $0x1A00;
	s6 =	sshrl.u32 s6, $0x3  }
0xd: {  	s10 =	ssub.s32 s16, s8;
	s8 =	sor.u32 $0x1C04, s19;
	s12 =	sadd.s32 s9, s4  }
0xe: {  	s13 =	smul.u32 $0x2700, s2;
	s9 =	sadd.s32 s17, s4;
	[dreg:$0xc] =	wrdreg s28  }
0xf: {  	s16 =	sadd.s32 $0x9C40, s1;
	[dreg:$0xd] =	wrdreg s7;
	s20 =	sadd.s32 $0x2000, s12  }
0x10: {  	p0 =	sgt.u32 s2, $0x3;
	s21 =	sadd.s32 $0x4000, s12;
	[dreg:$0x6] =	wrdreg s20  }
0x11: {  	s0 =	sadd.s32 s6, s0;
	s22 =	sadd.s32 $0x6000, s12;
	[dreg:$0x7] =	wrdreg s21  }
0x12: {  	s6 =	smul.u32 $0x4E, s2;
	s12 =	sadd.s32 $0x8000, s12;
	[dreg:$0x8] =	wrdreg s22  }
0x13: {  	s30 =	smax.u32 s10, $0x1;
	s2 =	simm.s32 $0x0;
	[dreg:$0x9] =	wrdreg s12  }
.Ltmp0:
0x14: {  	s18 =	sadd.s32 $0x2800, s0;
	[dreg:$0xf] =	wrdreg s30;
	(pc) =	sbr.rel .LBB2_1-.Ltmp0, $4  }
0x15: {  	s23 =	sshrl.u32 s13, $0x3;
	s0 =	sadd.s32 $0x2A800, s0;
	[dreg:$0x5] =	wrdreg s18  }
0x16: {  	s21 =	sshrl.u32 s11, $0x3;
	s25 =	sadd.s32 s1, s23;
	[dreg:$0xe] =	wrdreg s0  }
0x17: {  	s22 =	simm.s32 $0x1;
	[dreg:$0xa] =	wrdreg s25;
	s12 =	sadd.s32 $0x9C40, s25  }
0x18: {  	v0 =	vimm.f32 $0.0e+00;
	s11 =	simm.s32 $0x8;
	s25 =	simm.s32 $0x4;
	[dreg:$0xb] =	wrdreg s12  }
.LBB2_10:
0x19: {  	_ =	swait.ge [sflag:s31], $0x2000  }
0x1a: {  	[sflag:s31] =	ssyncset.done $0x0  }
0x1b: {  	[sflag:s31] =	ssyncadd.s32 $0xFFFFE000  }
0x1c: {  	_ =	swait.ge [sflag:s31], $0x2000  }
0x1d: {  	[sflag:s31] =	ssyncset.done $0x0  }
0x1e: {  	s0 =	simm.s32 @!p0 $0x0;
	s7 =	rddreg [dreg:$0xc];
	[sflag:s31] =	ssyncadd.s32 $0xFFFFE000  }
0x1f: {  	[tilespmem:s0], [sflag:$0x4] =	stream.linear.gather @!p0 [hbm4b:s7+s0], $0x80, $0x38;
	[tilespmem:$0x1DA00] =	vst v63  }
0x20: {  	s7 =	simm.s32 @!p0 $0x4  }
0x21: {  	_ =	swait.ge @!p0 [sflag:s7], $0x80  }
0x22: {  	[sflag:s7] =	ssyncset.done @!p0 $0x0  }
0x23: {  	s10 =	simm.s32 @!p0 $0xD00;
	s11 =	rddreg [dreg:$0xd];
	[sflag:s7] =	ssyncadd.s32 @!p0 $0xFFFFFF80  }
0x24: {  	[tilespmem:s10], [sflag:$0x4] =	stream.linear.gather @!p0 [hbm4b:s11+s0], $0x80, $0x38;
	[tilespmem:$0x1DA00] =	vst v63  }
0x25: {  	_ =	swait.ge @!p0 [sflag:s7], $0x80  }
0x26: {  	[sflag:s7] =	ssyncset.done @!p0 $0x0  }
0x27: {  	s11 =	simm.s32 @!p0 $0x1A00;
	[sflag:s7] =	ssyncadd.s32 @!p0 $0xFFFFFF80;
	s7 =	simm.s32 @!p0 $0x80  }
0x28: {  	[tilespmem:s11], [sflag:$0x1] =	stream.indirect.gather @!p0 [spmem:s3], $0x40, s0, s7, $0xb8;
	[tilespmem:$0x1DA00] =	vst v63  }
0x29: {  	s0 =	simm.s32 @!p0 $0x1  }
0x2a: {  	_ =	swait.ge @!p0 [sflag:s0], $0x2000  }
0x2b: {  	[sflag:s0] =	ssyncset.done @!p0 $0x0  }
0x2c: {  	[sflag:s0] =	ssyncadd.s32 @!p0 $0xFFFFE000;
	s0 =	simm.s32 @!p0 $0x2  }
0x2d: {  	[spmem:s4] =	stream.indirect.scatter.add.f32 @!p0 [tilespmem:s11], [sflag:$0x2], $0x40, s10, s7, $0xb8;
	[tilespmem:$0x1DA00] =	vst v63  }
0x2e: {  	_ =	swait.ge @!p0 [sflag:s0], $0x2000  }
0x2f: {  	[sflag:s0] =	ssyncset.done @!p0 $0x0  }
0x30: {  	[sflag:s0] =	ssyncadd.s32 @!p0 $0xFFFFE000  }
0x31: {  	[bflag:$0x0] =	sbarrier.arrive $0xFFFF  }
0x32: {  	s23 =	sshrl.u32 s9, $0x3;
	s11 =	simm.s32 $0x8;
	s28 =	rddreg [dreg:$0xe]  }
0x33: {  	[hbm:s28@s24], [sflag:s8] =	dma.strided [spmem:s23@s11], $0x1400, s22, $0x8   }
0x34: {  	_ =	swait.ge [sflag:s25], $0x1400  }
0x35: {  	s2 =	sadd.s32 $0x1, s2;
	s30 =	rddreg [dreg:$0xf]  }
0x36: {  	p1 =	sne.s32 s2, s30  }
.Ltmp1:
0x37: {  	_ = 	snop;
	(pc) =	sbr.rel @!p1 .LBB2_11-.Ltmp1, $3  }
0x38: {  	_ =	sdelay $0x1  }
0x39: {  	[sflag:s25] =	ssyncset.done $0x0  }
0x3a: {  	[sflag:s25] =	ssyncadd.s32 $0xFFFFEC00  }
.LBB2_1:
0x3b: {  	s7 =	simm.s32 $0x100;
	s0 =	simm.s32 $0x0  }
.LBB2_2:
0x3c: {  	p1 =	sne.s32 s7, $0x7F00;
	[tilespmem:s0+$0x1A30] =	vst v0;
	s10 =	smov.u32 s7;
	s7 =	sadd.s32 $0x100, s7  }
.Ltmp2:
0x3d: {  	[tilespmem:s0+$0x1A20] =	vst v0;
	(pc) =	sbr.rel @p1 .LBB2_2-.Ltmp2, $3  }
0x3e: {  	[tilespmem:s0+$0x1A00] =	vst v0  }
0x3f: {  	[tilespmem:s0+$0x1A10] =	vst v0;
	_ =	sdelay $0x1  }
0x40: {  	s0 =	sshra.s32 s10, $0x2  }
0x41: {  	[tilespmem:s0+$0x1A30] =	vst v0  }
0x42: {  	[tilespmem:s0+$0x1A20] =	vst v0  }
0x43: {  	[tilespmem:s0+$0x1A00] =	vst v0  }
0x44: {  	[tilespmem:s0+$0x1A10] =	vst v0;
	s15 =	rddreg [dreg:$0x5]  }
0x45: {  	[spmem:s21@s11], [sflag:s8] =	dma.strided [hbm:s15@s24], $0x1400, s22, $0x8   }
0x46: {  	_ =	swait.ge [sflag:s25], $0x1400  }
0x47: {  	[sflag:s25] =	ssyncset.done $0x0  }
0x48: {  	[sflag:s25] =	ssyncadd.s32 $0xFFFFEC00  }
0x49: {  	[spmem:s9] =	stream.linear.scatter [tilespmem:s26], [sflag:$0x4], $0x2000, $0x38;
	[tilespmem:$0x1DA00] =	vst v63  }
0x4a: {  	_ =	swait.ge [sflag:s25], $0x2000  }
0x4b: {  	[sflag:s25] =	ssyncset.done $0x0  }
0x4c: {  	s17 =	rddreg [dreg:$0x6];
	[sflag:s25] =	ssyncadd.s32 $0xFFFFE000  }
0x4d: {  	[spmem:s17] =	stream.linear.scatter [tilespmem:s26], [sflag:$0x4], $0x2000, $0x38;
	[tilespmem:$0x1DA00] =	vst v63  }
0x4e: {  	_ =	swait.ge [sflag:s25], $0x2000  }
0x4f: {  	[sflag:s25] =	ssyncset.done $0x0  }
0x50: {  	s18 =	rddreg [dreg:$0x7];
	[sflag:s25] =	ssyncadd.s32 $0xFFFFE000  }
0x51: {  	[spmem:s18] =	stream.linear.scatter [tilespmem:s26], [sflag:$0x4], $0x2000, $0x38;
	[tilespmem:$0x1DA00] =	vst v63  }
0x52: {  	_ =	swait.ge [sflag:s25], $0x2000  }
0x53: {  	[sflag:s25] =	ssyncset.done $0x0  }
0x54: {  	s19 =	rddreg [dreg:$0x8];
	[sflag:s25] =	ssyncadd.s32 $0xFFFFE000  }
0x55: {  	[spmem:s19] =	stream.linear.scatter [tilespmem:s26], [sflag:$0x4], $0x2000, $0x38;
	[tilespmem:$0x1DA00] =	vst v63  }
0x56: {  	_ =	swait.ge [sflag:s25], $0x2000  }
0x57: {  	[sflag:s25] =	ssyncset.done $0x0  }
0x58: {  	s20 =	rddreg [dreg:$0x9];
	[sflag:s25] =	ssyncadd.s32 $0xFFFFE000  }
0x59: {  	[spmem:s20] =	stream.linear.scatter [tilespmem:s26], [sflag:$0x4], $0x2000, $0x38;
	[tilespmem:$0x1DA00] =	vst v63  }
0x5a: {  	_ =	swait.ge [sflag:s25], $0x2000  }
0x5b: {  	[sflag:s25] =	ssyncset.done $0x0  }
0x5c: {  	[sflag:s25] =	ssyncadd.s32 $0xFFFFE000  }
0x5d: {  	[bflag:$0x0] =	sbarrier.arrive $0xFFFF  }
0x5e: {  	s0 =	simm.s32 $0x0;
	s7 =	rddreg [dreg:$0xa]  }
0x5f: {  	[tilespmem:s0], [sflag:$0x4] =	stream.linear.gather [hbm4b:s7+s0], $0x680, $0x38;
	[tilespmem:$0x1DA00] =	vst v63  }
0x60: {  	_ =	swait.ge [sflag:s25], $0x680  }
0x61: {  	[sflag:s25] =	ssyncset.done $0x0  }
0x62: {  	s10 =	simm.s32 $0xD00;
	s23 =	rddreg [dreg:$0xb];
	[sflag:s25] =	ssyncadd.s32 $0xFFFFF980  }
0x63: {  	[tilespmem:s10], [sflag:$0x4] =	stream.linear.gather [hbm4b:s23+s0], $0x680, $0x38;
	[tilespmem:$0x1DA00] =	vst v63  }
0x64: {  	_ =	swait.ge [sflag:s25], $0x680  }
.Ltmp3:
0x65: {  	[sflag:s25] =	ssyncset.done $0x0;
	(pc) =	sbr.rel .LBB2_4-.Ltmp3, $4  }
0x66: {  	s28 =	simm.s32 $0x3A00;
	[sflag:s25] =	ssyncadd.s32 $0xFFFFF980  }
0x67: {  	[tilespmem:s26], [sflag:$0x1] =	stream.indirect.gather [spmem:s3], $0x40, s0, s29, $0xb8;
	[tilespmem:$0x1DA00] =	vst v63  }
0x68: {  	p1 =	por $0x0, $0x0;
	s30 =	simm.s32 $0x0;
	s17 =	simm.s32 $0x4000  }
0x69: {  	[tilespmem:s28], [sflag:$0x1] =	stream.indirect.gather [spmem:s3], $0x40, s29, s29, $0xb8;
	[tilespmem:$0x1DA00] =	vst v63  }
.LBB2_9:
0x6a: {  	p2 =	sne.s32 s0, $0x6  }
.Ltmp4:
0x6b: {  	_ = 	snop;
	(pc) =	sbr.rel @!p2 .LBB2_10-.Ltmp4, $2  }
0x6c: {  	_ =	sdelay $0x2  }
0x6d: {  	p1 =	por !p1, !p1;
	s30 =	sadd.s32 $0xD, s30;
	s17 =	sadd.s32 $0x1A000, s17  }
.LBB2_4:
0x6e: {  	s7 =	simm.s32 $0x1;
	s18 =	smov.u32 s0;
	s0 =	sadd.s32 $0x1, s0  }
0x6f: {  	s7 =	simm.s32 @!p1 $0x0;
	s10 =	smul.u32 $0xD, s0  }
0x70: {  	s23 =	sand.u32 $0x1, s0;
	s7 =	smul.u32 $0x1A00, s7  }
.Ltmp5:
0x71: {  	s28 =	smov.u32 s17;
	p2 =	seq.s32 s23, $0x1;
	(pc) =	sbr.rel .LBB2_5-.Ltmp5, $4  }
0x72: {  	s12 =	sadd.s32 s6, s10;
	s11 =	sshrl.u32 s7, $0x2;
	s7 =	simm.s32 $0x680  }
0x73: {  	s15 =	sshll.u32 s12, $0x4;
	s10 =	sadd.s32 $0xD00, s11;
	s7 =	simm.s32 @!p2 $0x0  }
0x74: {  	s11 =	sand.u32 $0x1, s18;
	s12 =	sadd.s32 s1, s15;
	s15 =	sadd.s32 s15, s16  }
0x75: {  	p2 =	seq.s32 s18, $0x5;
	s18 =	simm.s32 $0x0;
	s13 =	sadd.s32 $0xD00, s7  }
.LBB2_7:
0x76: {  	p3 =	sne.s32 @!p2 s18, $0xB  }
0x77: {  	p3 =	por p3, p2  }
0x78: {  	s23 =	simm.s32 @!p3 $0x3  }
0x79: {  	_ =	swait.ge @!p3 [sflag:s23], $0x680  }
0x7a: {  	[sflag:s23] =	ssyncset.done @!p3 $0x0  }
0x7b: {  	[sflag:s23] =	ssyncadd.s32 @!p3 $0xFFFFF980  }
0x7c: {  	_ =	swait.ge @!p3 [sflag:s23], $0x680  }
0x7d: {  	[sflag:s23] =	ssyncset.done @!p3 $0x0  }
0x7e: {  	[sflag:s23] =	ssyncadd.s32 @!p3 $0xFFFFF980  }
.LBB2_8:
0x7f: {  	p3 =	sgt.u32 s19, $0x4B  }
0x80: {  	s19 =	sadd.s32 @!p3 s18, s30  }
0x81: {  	s19 =	sadd.s32 @!p3 $0x2, s19  }
0x82: {  	s23 =	smul.u32 @!p3 $0x4F, s19;
	_ =	sdelay $0x1  }
0x83: {  	p4 =	sgt.u32 @!p3 s18, $0xA;
	s23 =	sshrl.u32 @!p3 s23, $0xA  }
0x84: {  	s20 =	simm.s32 @!p3 $0x1;
	p4 =	por !p4, p3;
	s23 =	sand.u32 @!p3 $0x3F, s23  }
0x85: {  	s20 =	simm.s32 @p4 $0x0;
	s23 =	smul.u32 @!p3 $0xD, s23  }
0x86: {  	s20 =	sxor.u32 @!p3 s20, s11  }
0x87: {  	s20 =	smul.u32 @!p3 $0x1A00, s20;
	s19 =	ssub.s32 @!p3 s19, s23  }
0x88: {  	s18 =	sadd.s32 $0x1, s18;
	s19 =	sand.u32 @!p3 $0xFF, s19  }
0x89: {  	s20 =	sshrl.u32 @!p3 s20, $0x2;
	s23 =	sand.u32 @!p3 $0x6000, s28;
	s19 =	sshll.u32 @!p3 s19, $0x7  }
0x8a: {  	s23 =	sor.u32 @!p3 $0x1A00, s23;
	s19 =	sadd.s32 @!p3 s19, s20;
	s20 =	simm.s32 @!p3 $0x80  }
0x8b: {  	[tilespmem:s23], [sflag:$0x1] =	stream.indirect.gather @!p3 [spmem:s3], $0x40, s19, s20, $0xb8;
	[tilespmem:$0x1DA00] =	vst v63  }
0x8c: {  	p3 =	sne.s32 s18, $0xD  }
.Ltmp6:
0x8d: {  	s14 =	sadd.s32 $0xFFFFC000, s28;
	(pc) =	sbr.rel @!p3 .LBB2_9-.Ltmp6, $4  }
0x8e: {  	s14 =	sand.u32 $0x6000, s14  }
0x8f: {  	s14 =	sor.u32 $0x1A00, s14  }
0x90: {  	[spmem:s4] =	stream.indirect.scatter.add.f32 [tilespmem:s14], [sflag:$0x2], $0x40, s10, s29, $0xb8;
	[tilespmem:$0x1DA00] =	vst v63  }
0x91: {  	s28 =	sadd.s32 $0x2000, s28;
	s10 =	sadd.s32 $0x80, s10  }
.LBB2_5:
0x92: {  	p4 =	sne.s32 @!p2 s18, $0x2  }
0x93: {  	s19 =	sadd.s32 s18, s30;
	_ =	swait.ge [sflag:s22], $0x2000;
	p4 =	por p2, p4  }
.Ltmp7:
0x94: {  	[sflag:s22] =	ssyncset.done $0x0;
	p3 =	slt.u32 s19, $0x2;
	(pc) =	sbr.rel @p4 .LBB2_7-.Ltmp7, $4  }
0x95: {  	[sflag:s22] =	ssyncadd.s32 $0xFFFFE000;
	s23 =	simm.s32 @!p3 $0x2  }
0x96: {  	_ =	swait.ge @!p3 [sflag:s23], $0x2000  }
0x97: {  	[sflag:s23] =	ssyncset.done @!p3 $0x0  }
0x98: {  	[sflag:s23] =	ssyncadd.s32 @!p3 $0xFFFFE000  }
.Ltmp8:
0x99: {  	(pc) =	sbr.rel .LBB2_8-.Ltmp8, $4  }
0x9a: {  	_ = 	snop  }
0x9b: {  	[tilespmem:s7], [sflag:$0x3] =	stream.linear.gather [hbm4b:s12+s5], $0x680, $0x38;
	[tilespmem:$0x1DA00] =	vst v63  }
0x9c: {  	_ = 	snop  }
0x9d: {  	[tilespmem:s13], [sflag:$0x3] =	stream.linear.gather [hbm4b:s15+s5], $0x680, $0x38;
	[tilespmem:$0x1DA00] =	vst v63  }
.LBB2_11:
0x9e: {  	_ =	sfence.sel $0x180000  }
0x9f: {  	[bflag:$0x0] =	sbarrier.arrive $0xFFFF  }
0xa0: {  	_ =	strace $0x9000004D  }
0xa1: {  	s0 =	stileid.u32;
	[bflag:$0x2] =	sbarrier.arrive $0xFFFF  }
0xa2: {  	p0 =	sne.s32 s0, $0x0;
	s0 =	rddreg [dreg:$0x4]  }
0xa3: {  	s0 =	sadd.s32 @!p0 $0x100000, s0  }
0xa4: {  	[sflag:s0] =	ssyncadd.tile.s32 @!p0 $0x1;
	_ =	shalt  }
.Lfunc_end2:
_tile_overlayer_lowered:
.L_overlay_start_2:
0xa5: {  	(tag) =	ssettag $0x2  }
0xa6: {  	s0 =	rddreg [dreg:$0x0];
	s2 =	stileid.u32  }
0xa7: {  	s1 =	rddreg [dreg:$0x1];
	p0 =	sne.s32 s2, $0x0  }
0xa8: {  	s3 =	rddreg [dreg:$0x2];
	[bflag:$0x3] =	sbarrier.arrive $0xFFFF;
	s2 =	simm.s32 @!p0 $0x1C04  }
0xa9: {  	[timem:s3], [sflag:s2] =	dma.local @!p0 [hbm:s0], s1  }
0xaa: {  	s0 =	simm.s32 @!p0 $0x4  }
0xab: {  	_ =	swait.ge @!p0 [sflag:s0], s1  }
0xac: {  	s1 =	ssub.s32 @!p0 $0x0, s1;
	[sflag:s0] =	ssyncset.done @!p0 $0x0  }
0xad: {  	[sflag:s0] =	ssyncadd.s32 @!p0 s1  }
0xae: {  	[bflag:$0x3] =	sbarrier.arrive $0xFFFF  }
0xaf: {  	_ =	shalt  }

// kernel: kernel.8.cloned.1.call-start
scs
__scs_entry_jumppad:
0x0: {  	(pc) =	sbr.rel $0x88, $3  }
0x1: {  	(tag) =	ssettag $0x0;
	lr =	simm.s32 $0x1  }
0x2: {  	[smem:$0x3F9B] =	sst lr;
	_ =	strace $0xD0000000  }
0x3: {  	_ = 	snop  }
0x4: {  	_ = 	snop  }
0x5: {  	_ = 	snop  }
0x6: {  	_ = 	snop  }
0x7: {  	_ = 	snop  }
__scs_overlays_trampoline_lowered:
0x8: {  	[smem:$0x3FAA] =	sst s0  }
0x9: {  	[smem:$0x3FAB] =	sst s1  }
0xa: {  	[smem:$0x3FAC] =	sst s2  }
0xb: {  	[smem:$0x3FAD] =	sst s3  }
0xc: {  	[smem:$0x3FAE] =	sst s4  }
0xd: {  	[smem:$0x3FAF] =	sst s5  }
0xe: {  	[smem:$0x3FB0] =	sst s6  }
0xf: {  	[smem:$0x3FB1] =	sst s7  }
0x10: {  	[smem:$0x3FB2] =	sst s8  }
0x11: {  	[smem:$0x3FB3] =	sst s9;
	s0 =	simm.s32 @!p0 $0x0  }
0x12: {  	s1 =	sld [smem:$0x3F99];
	s0 =	simm.s32 @p0 $0x1  }
0x13: {  	[smem:$0x3FB4] =	sst s0;
	s0 =	simm.s32 @!p1 $0x0  }
0x14: {  	s2 =	sld [smem:$0x3F98];
	s0 =	simm.s32 @p1 $0x1  }
0x15: {  	[smem:$0x3FB5] =	sst s0;
	s0 =	simm.s32 @!p2 $0x0  }
0x16: {  	s3 =	sld [smem:$0x3FDB];
	s0 =	simm.s32 @p2 $0x1  }
0x17: {  	s4 =	simm.s32 $0x1BF5;
	[smem:$0x3FB7] =	sst s0  }
0x18: {  	s0 =	sld [smem:$0x3F9A];
	_ =	swait.ge [sflag:s4], $0x0  }
0x19: {  	s7 =	sld [smem:$0x3F9B]  }
0x1a: {  	s8 =	sadd.s32 $0xFFFFE003, lr  }
0x1b: {  	s9 =	sadd.s32 $0xFFFFFEF7, lr;
	s5 =	simm.s32 $0xFFFFFFFF;
	p2 =	slt.u32 s8, $0xFFFFF086  }
0x1c: {  	p1 =	slt.u32 s9, $0xF7A;
	s5 =	simm.s32 @!p2 $0x0  }
0x1d: {  	s5 =	simm.s32 @p1 $0x1;
	p0 =	seq.s32 s7, s2  }
0x1e: {  	s7 =	smul.u32 @!p0 $0xF7A, s2;
	p2 =	seq.s32 @!p0 s5, $0x0  }
0x1f: {  	s9 =	smul.u32 $0xF7A, s1;
	s8 =	simm.s32 @!p0 $0x1BF5;
	p2 =	por !p2, p0  }
0x20: {  	[sflag:s8] =	ssyncset.s32 @!p0 $0xFFFFF086;
	s6 =	sadd.s32 @!p0 s3, s7;
	s7 =	simm.s32 @!p0 $0x108  }
0x21: {  	s3 =	sadd.s32 s3, s9;
	s6 =	sadd.s32 @!p0 $0x88, s6;
	s7 =	simm.s32 @p2 $0x1082  }
0x22: {  	[simem:s7], [sflag:s8] =	dma.local @!p0 [hbm:s6], $0xF7A  }
0x23: {  	s9 =	sor.u32 $0xD0000000, s2;
	s6 =	simm.s32 $0x108;
	_ =	swait.ge @!p0 [sflag:s8], $0x0  }
0x24: {  	s3 =	sadd.s32 $0x88, s3;
	s6 =	simm.s32 @!p1 $0x1082;
	[sflag:s4] =	ssyncset.s32 $0xFFFFF086  }
0x25: {  	[simem:s6], [sflag:s4] =	dma.local [hbm:s3], $0xF7A  }
0x26: {  	[smem:$0x3F9B] =	sst s1;
	(tag) =	ssettag s2;
	_ =	strace s9  }
0x27: {  	s1 =	sld [smem:$0x3FAB]  }
0x28: {  	s2 =	sld [smem:$0x3FAC]  }
0x29: {  	s4 =	sld [smem:$0x3FAE]  }
0x2a: {  	p0 =	seq.s32 s5, $0x0;
	s5 =	sld [smem:$0x3FAF]  }
0x2b: {  	s6 =	sld [smem:$0x3FB0]  }
0x2c: {  	s7 =	sld [smem:$0x3FB1]  }
0x2d: {  	s3 =	simm.s32 $0x108;
	s8 =	sld [smem:$0x3FB2]  }
0x2e: {  	s3 =	simm.s32 @!p0 $0x1082;
	s9 =	sld [smem:$0x3FB3]  }
0x2f: {  	lr =	sadd.s32 s0, s3;
	s0 =	sld [smem:$0x3FAA]  }
0x30: {  	s3 =	sld [smem:$0x3FAD]  }
0x31: {  	[smem:$0x3FB6] =	sst s10  }
0x32: {  	s10 =	sld [smem:$0x3FB4];
	_ =	sdelay $0x3  }
0x33: {  	p0 =	seq.s32 s10, $0x1;
	s10 =	sld [smem:$0x3FB6];
	_ =	sdelay $0x3  }
0x34: {  	[smem:$0x3FB6] =	sst s10  }
0x35: {  	s10 =	sld [smem:$0x3FB5];
	_ =	sdelay $0x3  }
0x36: {  	p1 =	seq.s32 s10, $0x1;
	s10 =	sld [smem:$0x3FB6];
	_ =	sdelay $0x3  }
0x37: {  	[smem:$0x3FB6] =	sst s10  }
0x38: {  	s10 =	sld [smem:$0x3FB7]  }
0x39: {  	_ = 	snop;
	(pc) =	sbr.ind lr, $3  }
0x3a: {  	_ = 	snop  }
0x3b: {  	_ = 	snop  }
0x3c: {  	p2 =	seq.s32 s10, $0x1;
	s10 =	sld [smem:$0x3FB6]  }
0x3d: {  	_ =	shalt  }
0x3e: {  	_ =	shalt  }
0x3f: {  	_ =	shalt  }
0x40: {  	_ =	shalt  }
0x41: {  	_ =	shalt  }
0x42: {  	_ =	shalt  }
0x43: {  	_ =	shalt  }
0x44: {  	_ =	shalt  }
0x45: {  	_ =	shalt  }
0x46: {  	_ =	shalt  }
0x47: {  	_ =	shalt  }
0x48: {  	_ =	shalt  }
0x49: {  	_ =	shalt  }
0x4a: {  	_ =	shalt  }
0x4b: {  	_ =	shalt  }
0x4c: {  	_ =	shalt  }
0x4d: {  	_ =	shalt  }
0x4e: {  	_ =	shalt  }
0x4f: {  	_ =	shalt  }
0x50: {  	_ =	shalt  }
0x51: {  	_ =	shalt  }
0x52: {  	_ =	shalt  }
0x53: {  	_ =	shalt  }
0x54: {  	_ =	shalt  }
0x55: {  	_ =	shalt  }
0x56: {  	_ =	shalt  }
0x57: {  	_ =	shalt  }
0x58: {  	_ =	shalt  }
0x59: {  	_ =	shalt  }
0x5a: {  	_ =	shalt  }
0x5b: {  	_ =	shalt  }
0x5c: {  	_ =	shalt  }
0x5d: {  	_ =	shalt  }
0x5e: {  	_ =	shalt  }
0x5f: {  	_ =	shalt  }
0x60: {  	_ =	shalt  }
0x61: {  	_ =	shalt  }
0x62: {  	_ =	shalt  }
0x63: {  	_ =	shalt  }
0x64: {  	_ =	shalt  }
0x65: {  	_ =	shalt  }
0x66: {  	_ =	shalt  }
0x67: {  	_ =	shalt  }
0x68: {  	_ =	shalt  }
0x69: {  	_ =	shalt  }
0x6a: {  	_ =	shalt  }
0x6b: {  	_ =	shalt  }
0x6c: {  	_ =	shalt  }
0x6d: {  	_ =	shalt  }
0x6e: {  	_ =	shalt  }
0x6f: {  	_ =	shalt  }
0x70: {  	_ =	shalt  }
0x71: {  	_ =	shalt  }
0x72: {  	_ =	shalt  }
0x73: {  	_ =	shalt  }
0x74: {  	_ =	shalt  }
0x75: {  	_ =	shalt  }
0x76: {  	_ =	shalt  }
0x77: {  	_ =	shalt  }
0x78: {  	_ =	shalt  }
0x79: {  	_ =	shalt  }
0x7a: {  	_ =	shalt  }
0x7b: {  	_ =	shalt  }
0x7c: {  	_ =	shalt  }
0x7d: {  	_ =	shalt  }
0x7e: {  	_ =	shalt  }
0x7f: {  	_ =	shalt  }
0x80: {  	_ =	shalt  }
0x81: {  	_ =	shalt  }
0x82: {  	_ =	shalt  }
0x83: {  	_ =	shalt  }
0x84: {  	_ =	shalt  }
0x85: {  	_ =	shalt  }
0x86: {  	_ =	shalt  }
0x87: {  	_ =	shalt  }
.Lfunc_end0:
.L_simem_size_0:
called_computation_lowered:
.L_overlay_start_0:
0x88: {  	s2 =	sld [smem:$0x3FD9]  }
0x89: {  	s3 =	sld [smem:$0x3FFE];
	_ =	sdelay $0x1  }
0x8a: {  	s1 =	srdreg.scid  }
0x8b: {  	s0 =	sand.u32 $0x1, s1  }
0x8c: {  	s17 =	sshll.u32 s0, $0xA;
	s2 =	sadd.s32 s3, s2  }
0x8d: {  	s2 =	sadd.s32 s2, s17  }
0x8e: {  	[smem:$0x3FC2] =	sst s2  }
0x8f: {  	_ = 	snop  }
0x90: {  	s2 =	sld [smem:$0x3FD0];
	(tm) =	ssettm $0x1  }
0x91: {  	s18 =	sld [smem:$0x3FFB];
	_ =	sdelay $0x3  }
0x92: {  	_ =	strace s18  }
0x93: {  	s3 =	sld [smem:$0x3FFC];
	_ =	sdelay $0x3  }
0x94: {  	_ =	strace s3  }
0x95: {  	s3 =	sld [smem:$0x3FFD];
	_ =	sdelay $0x3  }
0x96: {  	_ =	strace s3  }
0x97: {  	_ =	strace $0x8FFFFFFF  }
0x98: {  	s19 =	sld [smem:$0x3FDB];
	_ =	sdelay $0x1  }
0x99: {  	s4 =	simm.s32 $_scs_section_size  }
0x9a: {  	s5 =	simm.s32 $_size__tile_overlayer_lowered;
	s6 =	simm.s32 $_tile_overlayer_lowered  }
0x9b: {  	s22 =	simm.s32 $0x1BFF;
	s21 =	sshll.u32 s6, $0x1;
	s3 =	sadd.s32 s4, s19  }
0x9c: {  	s7 =	simm.s32 $0x0;
	s20 =	sshll.u32 s5, $0x1;
	s5 =	sadd.s32 s21, s3  }
0x9d: {  	[timem:s7], [sflag:s22] =	dma.local [hbm:s5], s20  }
0x9e: {  	_ =	swait.ge [sflag:s22], s20  }
0x9f: {  	s4 =	ssub.s32 $0x0, s20;
	[sflag:s22] =	ssyncset.done $0x0  }
0xa0: {  	[sflag:s22] =	ssyncadd.s32 s4;
	_ =	sdelay $0x1  }
0xa1: {  	s23 =	simm.s32 $0x1B8B  }
0xa2: {  	_ =	swait.ge [sflag:s23], $0x1  }
0xa3: {  	[sflag:s23] =	ssyncset.done $0x0  }
0xa4: {  	s25 =	simm.s32 $0x1B8E;
	s24 =	sld [smem:$0x3FFE];
	[sflag:s23] =	ssyncadd.s32 $0xFFFFFFFF  }
0xa5: {  	s26 =	simm.s32 $execute0_lowered;
	[smem:$0x3FD2] =	sst s25  }
0xa6: {  	s5 =	sshll.u32 s26, $0x1;
	_ =	strace $0x80000046;
	[dreg:$0x1] =	wrdreg $0xFFFFFFFF  }
0xa7: {  	s28 =	simm.s32 $_size_execute0_lowered;
	s3 =	sadd.s32 s3, s5;
	[dreg:$0x0] =	wrdreg $0x0  }
0xa8: {  	s5 =	sshll.u32 s28, $0x1;
	[dreg:$0x2] =	wrdreg s3  }
0xa9: {  	[dreg:$0x3] =	wrdreg s5  }
0xaa: {  	[dreg:$0x4] =	wrdreg $0xC0  }
0xab: {  	_ =	task [dreg:s7], $0x5FFFF  }
0xac: {  	[dreg:$0x1] =	wrdreg $0xFFFFFFFF  }
0xad: {  	[dreg:$0x0] =	wrdreg $0x60  }
0xae: {  	[dreg:$0x2] =	wrdreg s2  }
0xaf: {  	[dreg:$0x3] =	wrdreg s24  }
0xb0: {  	[dreg:$0x4] =	wrdreg $0x28000  }
0xb1: {  	[dreg:$0x5] =	wrdreg $0x9  }
0xb2: {  	_ =	task.clear_ibuf [dreg:s7], $0x6FFFF;
	_ =	strace $0x90000046  }
0xb3: {  	s29 =	simm.s32 $0x9;
	_ =	strace $0x80000048  }
0xb4: {  	_ =	swait.ge [sflag:s29], $0x1  }
0xb5: {  	[sflag:s29] =	ssyncadd.s32 $0xFFFFFFFF  }
0xb6: {  	_ =	strace $0x90000048  }
0xb7: {  	_ =	sfence  }
0xb8: {  	s30 =	sld [smem:$0x0];
	_ =	sdelay $0x2  }
0xb9: {  	s31 =	sshll.u32 s1, $0xD;
	s1 =	sshrl.u32 s1, $0x2  }
0xba: {  	s3 =	sand.u32 $0x4000, s31;
	s1 =	sadd.s32 s1, s30  }
0xbb: {  	s0 =	sor.u32 s3, s0;
	s1 =	sshll.u32 s1, $0x11  }
0xbc: {  	s0 =	sor.u32 s1, s0  }
0xbd: {  	s0 =	sadd.s32 $0x8F2B, s0  }
0xbe: {  	[sflag:s0] =	ssyncadd.remote.s32 $0x1  }
0xbf: {  	_ =	sfence.sel $0xFFFF  }
0xc0: {  	[dreg:$0x0] =	wrdreg $0xFFFFFFFF;
	(pc) =	sbr.abs _section_cstart, $3  }
0xc1: {  	[dreg:$0x1] =	wrdreg $0xFFFFFFFF  }
0xc2: {  	_ =	task.clear_ibuf [dreg:s7], $0x2FFFF;
	_ =	strace $0x9FFFFFFF  }
0xc3: {  	(tm) =	ssettm $0x7FFFFFFF  }
tec
execute0_lowered:
.L_overlay_start_1:
0x0: {  	(tag) =	ssettag $0x1  }
0x1: {  	s10 =	rddreg [dreg:$0x0]  }
0x2: {  	s4 =	rddreg [dreg:$0x1]  }
0x3: {  	s0 =	srdreg.scid;
	s2 =	rddreg [dreg:$0x2]  }
0x4: {  	s1 =	stileid.u32;
	s3 =	simm.s32 $0x0;
	s14 =	simm.s32 $0x2780  }
0x5: {  	s15 =	simm.s32 $0x80;
	s16 =	simm.s32 $0x2700;
	s19 =	simm.s32 $0x0  }
0x6: {  	s5 =	sand.u32 $0x1, s0;
	s0 =	rddreg [dreg:$0x3];
	s6 =	smul.u32 $0x280, s1  }
0x7: {  	[smem:$0x7FF] =	sst s3;
	s13 =	sshll.u32 s1, $0x4;
	s31 =	sshll.u32 s1, $0x6  }
0x8: {  	s7 =	sshll.u32 s5, $0x4;
	s8 =	smul.u32 $0x2800, s5;
	s5 =	ssub.s32 $0x2, s5  }
0x9: {  	_ =	strace $0x80000047;
	s17 =	sor.u32 s1, s7;
	s30 =	sshrl.u32 s5, $0x1  }
0xa: {  	s7 =	smul.u32 $0x2700, s17;
	s8 =	sadd.s32 s6, s8;
	s12 =	ssub.s32 s5, s30  }
0xb: {  	s5 =	sadd.s32 s6, s2;
	p0 =	sgt.u32 s17, $0x3;
	s17 =	sor.u32 $0x1C01, s31  }
0xc: {  	s8 =	sshrl.u32 s8, $0x3;
	s6 =	sadd.s32 $0x80, s5;
	s9 =	sadd.s32 $0x200, s5  }
0xd: {  	s12 =	smax.u32 s12, $0x1;
	s18 =	sshrl.u32 s5, $0x3;
	s7 =	sshrl.u32 s7, $0x3  }
0xe: {  	s11 =	sadd.s32 s8, s4;
	s8 =	sadd.s32 $0x180, s5;
	s7 =	sadd.s32 s10, s7  }
0xf: {  	s10 =	sadd.s32 s13, s10;
	s11 =	sadd.s32 $0x2800, s11;
	s13 =	simm.s32 $0x1  }
0x10: {  	v0 =	vimm.f32 $0.0e+00;
	v1 =	vimm.f32 $1.000000000e+00;
	s4 =	sadd.s32 $0x9C40, s7;
	s7 =	sadd.s32 $0x100, s5;
	s10 =	sadd.s32 $0x13840, s10  }
.LBB2_1:
0x11: {  	[tilespmem:s3], [sflag:$0x1] =	stream.linear.gather [hbm4b:s4+s3], $0x2700, $0x38;
	[tilespmem:$0x2A80] =	vst v63  }
0x12: {  	_ =	swait.ge [sflag:s13], $0x2700  }
0x13: {  	[sflag:s13] =	ssyncset.done $0x0  }
0x14: {  	[sflag:s13] =	ssyncadd.s32 $0xFFFFD900  }
0x15: {  	[tilespmem:$0x2780] =	vst v0  }
0x16: {  	[tilespmem:$0x2700] =	vst v1  }
0x17: {  	[tilespmem:$0x2790] =	vst v0  }
0x18: {  	[tilespmem:$0x2710] =	vst v1  }
0x19: {  	[tilespmem:$0x27A0] =	vst v0  }
0x1a: {  	[tilespmem:$0x2720] =	vst v1  }
0x1b: {  	[tilespmem:$0x27B0] =	vst v0  }
0x1c: {  	[tilespmem:$0x2730] =	vst v1  }
0x1d: {  	[tilespmem:$0x27C0] =	vst v0  }
0x1e: {  	[tilespmem:$0x2740] =	vst v1  }
0x1f: {  	[tilespmem:$0x27D0] =	vst v0  }
0x20: {  	[tilespmem:$0x2750] =	vst v1  }
0x21: {  	[tilespmem:$0x27E0] =	vst v0  }
0x22: {  	[tilespmem:$0x2760] =	vst v1  }
0x23: {  	[tilespmem:$0x27F0] =	vst v0  }
0x24: {  	[tilespmem:$0x2770] =	vst v1  }
0x25: {  	[spmem:s5] =	stream.linear.scatter [tilespmem:s14], [sflag:$0x1], $0x80, $0x38;
	[tilespmem:$0x2A80] =	vst v63  }
0x26: {  	_ =	swait.ge [sflag:s13], $0x80  }
0x27: {  	[sflag:s13] =	ssyncset.done $0x0  }
0x28: {  	[sflag:s13] =	ssyncadd.s32 $0xFFFFFF80  }
0x29: {  	[spmem:s6] =	stream.linear.scatter [tilespmem:s14], [sflag:$0x1], $0x80, $0x38;
	[tilespmem:$0x2A80] =	vst v63  }
0x2a: {  	_ =	swait.ge [sflag:s13], $0x80  }
0x2b: {  	[sflag:s13] =	ssyncset.done $0x0  }
0x2c: {  	[sflag:s13] =	ssyncadd.s32 $0xFFFFFF80  }
0x2d: {  	[spmem:s7] =	stream.linear.scatter [tilespmem:s14], [sflag:$0x1], $0x80, $0x38;
	[tilespmem:$0x2A80] =	vst v63  }
0x2e: {  	_ =	swait.ge [sflag:s13], $0x80  }
0x2f: {  	[sflag:s13] =	ssyncset.done $0x0  }
0x30: {  	[sflag:s13] =	ssyncadd.s32 $0xFFFFFF80  }
0x31: {  	[spmem:s8] =	stream.linear.scatter [tilespmem:s14], [sflag:$0x1], $0x80, $0x38;
	[tilespmem:$0x2A80] =	vst v63  }
0x32: {  	_ =	swait.ge [sflag:s13], $0x80  }
0x33: {  	[sflag:s13] =	ssyncset.done $0x0  }
0x34: {  	[sflag:s13] =	ssyncadd.s32 $0xFFFFFF80  }
0x35: {  	[spmem:s9] =	stream.linear.scatter [tilespmem:s14], [sflag:$0x1], $0x80, $0x38;
	[tilespmem:$0x2A80] =	vst v63  }
0x36: {  	_ =	swait.ge [sflag:s13], $0x80  }
0x37: {  	[sflag:s13] =	ssyncset.done $0x0  }
0x38: {  	[sflag:s13] =	ssyncadd.s32 $0xFFFFFF80  }
0x39: {  	s20 =	simm.s32 $0x0;
	[bflag:$0x0] =	sbarrier.arrive $0xFFFF  }
0x3a: {  	[spmem:s2] =	stream.indirect.scatter.add.f32 [tilespmem:s16], [sflag:$0x1], $0x1, s20, s15, $0xb8;
	[tilespmem:$0x2A80] =	vst v63  }
0x3b: {  	_ =	swait.ge [sflag:s13], $0x80  }
0x3c: {  	s20 =	simm.s32 $0x200;
	[sflag:s13] =	ssyncset.done $0x0  }
.LBB2_2:
0x3d: {  	s21 =	sshra.s32 s20, $0x2;
	[sflag:s13] =	ssyncadd.s32 $0xFFFFFF80;
	p1 =	sne.s32 s20, $0x9A00  }
0x3e: {  	[spmem:s2] =	stream.indirect.scatter.add.f32 [tilespmem:s16], [sflag:$0x1], $0x1, s21, s15, $0xb8;
	[tilespmem:$0x2A80] =	vst v63  }
.Ltmp0:
0x3f: {  	_ = 	snop;
	(pc) =	sbr.rel @p1 .LBB2_2-.Ltmp0, $4  }
0x40: {  	_ = 	snop  }
0x41: {  	s20 =	sadd.s32 $0x200, s20  }
0x42: {  	_ =	swait.ge [sflag:s13], $0x80  }
0x43: {  	[sflag:s13] =	ssyncset.done $0x0  }
0x44: {  	[sflag:s13] =	ssyncadd.s32 $0xFFFFFF80;
	s20 =	simm.s32 @!p0 $0x0;
	s21 =	simm.s32 @!p0 $0x1  }
0x45: {  	[tilespmem:s20], [sflag:$0x1] =	stream.linear.gather @!p0 [hbm4b:s10+s20], $0x80, $0x38;
	[tilespmem:$0x2A80] =	vst v63  }
0x46: {  	_ =	swait.ge @!p0 [sflag:s21], $0x80  }
0x47: {  	[sflag:s21] =	ssyncset.done @!p0 $0x0  }
0x48: {  	s22 =	simm.s32 @!p0 $0x80;
	s23 =	simm.s32 @!p0 $0x2700;
	[sflag:s21] =	ssyncadd.s32 @!p0 $0xFFFFFF80  }
0x49: {  	[spmem:s2] =	stream.indirect.scatter.add.f32 @!p0 [tilespmem:s23], [sflag:$0x1], $0x1, s20, s22, $0xb8;
	[tilespmem:$0x2A80] =	vst v63  }
0x4a: {  	_ =	swait.ge @!p0 [sflag:s21], $0x80  }
0x4b: {  	s19 =	sadd.s32 $0x1, s19;
	[sflag:s21] =	ssyncset.done @!p0 $0x0  }
0x4c: {  	p1 =	sne.s32 s19, s12;
	[sflag:s21] =	ssyncadd.s32 @!p0 $0xFFFFFF80  }
.Ltmp1:
0x4d: {  	[bflag:$0x0] =	sbarrier.arrive $0xFFFF;
	(pc) =	sbr.rel @p1 .LBB2_1-.Ltmp1, $4  }
0x4e: {  	[hbm:s11], [sflag:s17] =	dma.local [spmem:s18], $0x50  }
0x4f: {  	_ =	swait.ge [sflag:s13], $0x50  }
0x50: {  	[sflag:s13] =	ssyncset.done $0x0  }
0x51: {  	[sflag:s13] =	ssyncadd.s32 $0xFFFFFFB0  }
0x52: {  	_ =	sfence.sel $0x180000  }
0x53: {  	[bflag:$0x0] =	sbarrier.arrive $0xFFFF  }
0x54: {  	p0 =	sne.s32 s1, $0x0;
	_ =	strace $0x90000047  }
0x55: {  	s0 =	sadd.s32 @!p0 $0x100000, s0;
	[bflag:$0x2] =	sbarrier.arrive $0xFFFF  }
0x56: {  	[sflag:s0] =	ssyncadd.tile.s32 @!p0 $0x1;
	_ =	shalt  }
.Lfunc_end2:
_tile_overlayer_lowered:
.L_overlay_start_2:
0x57: {  	(tag) =	ssettag $0x2  }
0x58: {  	s0 =	rddreg [dreg:$0x0];
	s2 =	stileid.u32  }
0x59: {  	s1 =	rddreg [dreg:$0x1];
	p0 =	sne.s32 s2, $0x0  }
0x5a: {  	s3 =	rddreg [dreg:$0x2];
	[bflag:$0x3] =	sbarrier.arrive $0xFFFF;
	s2 =	simm.s32 @!p0 $0x1C01  }
0x5b: {  	[timem:s3], [sflag:s2] =	dma.local @!p0 [hbm:s0], s1  }
0x5c: {  	s0 =	simm.s32 @!p0 $0x1  }
0x5d: {  	_ =	swait.ge @!p0 [sflag:s0], s1  }
0x5e: {  	s1 =	ssub.s32 @!p0 $0x0, s1;
	[sflag:s0] =	ssyncset.done @!p0 $0x0  }
0x5f: {  	[sflag:s0] =	ssyncadd.s32 @!p0 s1  }
0x60: {  	[bflag:$0x3] =	sbarrier.arrive $0xFFFF  }
0x61: {  	_ =	shalt  }

</sc_bundles>
